<compile_context>
chip_gen: v7x
topology: tpu7x:2x2x1
jax: 0.10.2.dev20260603
libtpu: 0.0.44.dev20260713+nightly
codegen_flags: <defaults>
</compile_context>

<pallas_src>
import functools

import jax
import jax.numpy as jnp
from jax import lax
from jax.experimental import pallas as pl
from jax.experimental.pallas import tpu as pltpu
from jax.experimental.pallas import tpu_sc as plsc

_B = 4096
_L = 200
_DIM = 64
_V = 1000000

_NC = 2
_NS = 16
_NW = _NC * _NS

_DEPTH = 5


def _gather_kernel(tok_hbm, table_hbm, out_hbm,
                   tokv, r0, r1, r2, r3, r4, o0, o1, o2, o3, o4,
                   g0, g1, g2, g3, g4, s0, s1, s2, s3, s4):
    wid = lax.axis_index("s") * _NC + lax.axis_index("c")

    rbs = [r0, r1, r2, r3, r4]
    obs = [o0, o1, o2, o3, o4]
    gsems = [g0, g1, g2, g3, g4]
    osems = [s0, s1, s2, s3, s4]

    pltpu.sync_copy(tok_hbm.at[:, wid], tokv)

    lane = lax.iota(jnp.int32, 16)
    idx_s = [(lane + 16 * k) >> 3 for k in range(4)]
    idx_j = [(lane + 16 * k) & 7 for k in range(4)]

    def fire(l, rbuf, gsem):
        pltpu.async_copy(
            table_hbm.at[tokv.at[l // 8, l % 8]], rbuf, gsem)

    def wait_g(rbuf, gsem):
        pltpu.make_async_copy(table_hbm.at[pl.ds(0, 128)], rbuf, gsem).wait()

    def shuffle(rbuf, obuf):
        def body(t, carry):
            u0 = 4 * t
            for du in range(4):
                u = u0 + du
                fu = jnp.full((16,), 0, jnp.int32) + u
                for k in range(4):
                    v = rbuf[u, pl.ds(16 * k, 16)]
                    plsc.store_scatter(obuf, [idx_s[k], idx_j[k], fu], v)
            return carry
        lax.fori_loop(0, 32, body, 0)

    def fire_out(l, obuf, osem):
        pltpu.async_copy(
            obuf.at[:, :, pl.ds(0, 128)], out_hbm.at[l, :, wid], osem)

    def wait_o(obuf, osem):
        pltpu.make_async_copy(
            obuf.at[:, :, pl.ds(0, 128)], out_hbm.at[0, :, wid], osem
        ).wait()

    for q in range(_DEPTH):
        fire(q, rbs[q], gsems[q])

    def body(p, carry):
        l0 = _DEPTH * p
        for q in range(_DEPTH):
            l = l0 + q
            wait_g(rbs[q], gsems[q])

            @pl.when(p > 0)
            def _():
                wait_o(obs[q], osems[q])

            shuffle(rbs[q], obs[q])
            fire_out(l, obs[q], osems[q])

            @pl.when(l + _DEPTH < _L)
            def _():
                fire(l + _DEPTH, rbs[q], gsems[q])

        return carry

    lax.fori_loop(0, _L // _DEPTH, body, 0)
    for q in range(_DEPTH):
        wait_o(obs[q], osems[q])


def _build():
    mesh = plsc.VectorSubcoreMesh(core_axis_name="c", subcore_axis_name="s")
    return functools.partial(
        pl.kernel,
        mesh=mesh,
        out_type=jax.ShapeDtypeStruct((_L, 8, _NW, 8, 128), jnp.float32),
        scratch_types=(
            [pltpu.VMEM((25, 8, 128), jnp.int32)]
            + [pltpu.VMEM((128, _DIM), jnp.float32) for _ in range(_DEPTH)]
            + [pltpu.VMEM((8, 8, 129), jnp.float32) for _ in range(_DEPTH)]
            + [pltpu.SemaphoreType.DMA for _ in range(2 * _DEPTH)]
        ),
        compiler_params=pltpu.CompilerParams(
            use_tc_tiling_on_sc=False, needs_layout_passes=False),
    )(_gather_kernel)


_lookup = _build()


@jax.jit
def kernel(token_id, table):
    tok5 = token_id.astype(jnp.int32).T.reshape(25, 8, _NW, 128).transpose(0, 2, 1, 3)
    out5 = _lookup(tok5, table)
    return out5.transpose(2, 4, 0, 1, 3).reshape(_B, _L, _DIM)

# --- scband reference (transcript-rebuilt; emitter-appended) ---
"""Pipeline reference for scband-embedding-lookup-42666205118986 (READ-ONLY COPY).

The authoritative reference and input builder live on the scoring server;
editing this copy changes nothing except your own understanding.
"""

import jax, jax.numpy as jnp
import numpy as np

VOCAB = 1000000
DIM = 64
B = 4096
L = 200

def setup_inputs(seed: int = 0) -> dict:
    key = jax.random.key(seed)
    k1, k2 = jax.random.split(key)
    token_id = jax.random.randint(k1, (B, L), 0, VOCAB, dtype=jnp.int64 if jax.config.jax_enable_x64 else jnp.int32)
    table = jax.random.normal(k2, (VOCAB, DIM), dtype=jnp.float32)
    return {"token_id": token_id, "table": table}

def reference(token_id, table):
    # nn.Embedding forward: gather rows of the table by index
    return jnp.take(table, token_id, axis=0)

if __name__ == "__main__":
    import jax
    _d = setup_inputs()
    print(jax.jit(kernel)(*tuple(_d.values())))

</pallas_src>

<mosaic_0001>
#map = affine_map<(d0, d1) -> (0, 0, 0, 0)>
#map1 = affine_map<(d0, d1) -> (0, 0)>
#map2 = affine_map<(d0, d1) -> (0, 0, 0, 0, 0)>
module attributes {stable_mosaic.version = 14 : i64} {
  func.func @_gather_kernel(%arg0: i32, %arg1: i32, %arg2: memref<25x32x8x128xi32, #tpu.memory_space<hbm>>, %arg3: memref<1000000x64xf32, #tpu.memory_space<hbm>>, %arg4: memref<200x8x32x8x128xf32, #tpu.memory_space<hbm>>, %arg5: memref<25x8x128xi32, #tpu.memory_space<vmem>>, %arg6: memref<128x64xf32, #tpu.memory_space<vmem>>, %arg7: memref<128x64xf32, #tpu.memory_space<vmem>>, %arg8: memref<128x64xf32, #tpu.memory_space<vmem>>, %arg9: memref<128x64xf32, #tpu.memory_space<vmem>>, %arg10: memref<128x64xf32, #tpu.memory_space<vmem>>, %arg11: memref<8x8x129xf32, #tpu.memory_space<vmem>>, %arg12: memref<8x8x129xf32, #tpu.memory_space<vmem>>, %arg13: memref<8x8x129xf32, #tpu.memory_space<vmem>>, %arg14: memref<8x8x129xf32, #tpu.memory_space<vmem>>, %arg15: memref<8x8x129xf32, #tpu.memory_space<vmem>>, %arg16: memref<!tpu.dma_semaphore, #tpu.memory_space<semaphore_mem>>, %arg17: memref<!tpu.dma_semaphore, #tpu.memory_space<semaphore_mem>>, %arg18: memref<!tpu.dma_semaphore, #tpu.memory_space<semaphore_mem>>, %arg19: memref<!tpu.dma_semaphore, #tpu.memory_space<semaphore_mem>>, %arg20: memref<!tpu.dma_semaphore, #tpu.memory_space<semaphore_mem>>, %arg21: memref<!tpu.dma_semaphore, #tpu.memory_space<semaphore_mem>>, %arg22: memref<!tpu.dma_semaphore, #tpu.memory_space<semaphore_mem>>, %arg23: memref<!tpu.dma_semaphore, #tpu.memory_space<semaphore_mem>>, %arg24: memref<!tpu.dma_semaphore, #tpu.memory_space<semaphore_mem>>, %arg25: memref<!tpu.dma_semaphore, #tpu.memory_space<semaphore_mem>>) attributes {dimension_semantics = [#tpu.dimension_semantics<core_parallel>, #tpu.dimension_semantics<subcore_parallel>], iteration_bounds = array<i64: 2, 16>, scalar_prefetch = 0 : i64, scratch_operands = 21 : i64, tpu.core_type = #tpu.core_type<sc_vector_subcore>, window_params = [{transform_indices = #map}, {transform_indices = #map1}, {transform_indices = #map2}]} {
    %mul3A = arith.constant 2 : i32
    %mul3A_0 = arith.muli %arg1, %mul3A : i32
    %add3A = arith.addi %mul3A_0, %arg0 : i32
    "tpu.region"() ({
      %run_scoped3A = tpu.sem_alloc : memref<!tpu.dma_semaphore, #tpu.memory_space<semaphore_mem>>
      %dma_start3A_185 = arith.constant 0 : i32
      %dma_start3A_186 = arith.constant 0 : i32
      %dma_start3A_187 = arith.constant 0 : i32
      %dma_start3A_188 = tpu.memref_slice %arg2[%dma_start3A_185, %add3A, %dma_start3A_186, %dma_start3A_187] : memref<25x32x8x128xi32, #tpu.memory_space<hbm>> -> memref<25x1x8x128xi32, #tpu.memory_space<hbm>>
      %dma_start3A_189 = tpu.memref_squeeze %dma_start3A_188 : memref<25x1x8x128xi32, #tpu.memory_space<hbm>> -> memref<25x8x128xi32, #tpu.memory_space<hbm>>
      %dma_start3A_190 = arith.constant 0 : i32
      %dma_start3A_191 = arith.constant 0 : i32
      %dma_start3A_192 = arith.constant 0 : i32
      %dma_start3A_193 = tpu.memref_slice %arg2[%dma_start3A_190, %add3A, %dma_start3A_191, %dma_start3A_192] : memref<25x32x8x128xi32, #tpu.memory_space<hbm>> -> memref<25x1x8x128xi32, #tpu.memory_space<hbm>>
      %dma_start3A_194 = tpu.memref_squeeze %dma_start3A_193 : memref<25x1x8x128xi32, #tpu.memory_space<hbm>> -> memref<25x8x128xi32, #tpu.memory_space<hbm>>
      tpu.enqueue_dma source(%dma_start3A_194 : memref<25x8x128xi32, #tpu.memory_space<hbm>>) target(%arg5 : memref<25x8x128xi32, #tpu.memory_space<vmem>>) target_semaphore(%run_scoped3A : memref<!tpu.dma_semaphore, #tpu.memory_space<semaphore_mem>>)
      %dma_wait3A_195 = arith.constant 0 : i32
      %dma_wait3A_196 = arith.constant 0 : i32
      %dma_wait3A_197 = arith.constant 0 : i32
      %dma_wait3A_198 = tpu.memref_slice %arg2[%dma_wait3A_195, %add3A, %dma_wait3A_196, %dma_wait3A_197] : memref<25x32x8x128xi32, #tpu.memory_space<hbm>> -> memref<25x1x8x128xi32, #tpu.memory_space<hbm>>
      %dma_wait3A_199 = tpu.memref_squeeze %dma_wait3A_198 : memref<25x1x8x128xi32, #tpu.memory_space<hbm>> -> memref<25x8x128xi32, #tpu.memory_space<hbm>>
      %dma_wait3A_200 = arith.constant 0 : i32
      %dma_wait3A_201 = arith.constant 0 : i32
      %dma_wait3A_202 = arith.constant 0 : i32
      %dma_wait3A_203 = tpu.memref_slice %arg2[%dma_wait3A_200, %add3A, %dma_wait3A_201, %dma_wait3A_202] : memref<25x32x8x128xi32, #tpu.memory_space<hbm>> -> memref<25x1x8x128xi32, #tpu.memory_space<hbm>>
      %dma_wait3A_204 = tpu.memref_squeeze %dma_wait3A_203 : memref<25x1x8x128xi32, #tpu.memory_space<hbm>> -> memref<25x8x128xi32, #tpu.memory_space<hbm>>
      tpu.wait_dma2 semaphore(%run_scoped3A : memref<!tpu.dma_semaphore, #tpu.memory_space<semaphore_mem>>) src(%dma_wait3A_204 : memref<25x8x128xi32, #tpu.memory_space<hbm>>) dst(%arg5 : memref<25x8x128xi32, #tpu.memory_space<vmem>>)
      tpu.yield
    }) : () -> ()
    %iota3A = tpu.iota {dimensions = array<i32: 0>} : vector<16xi32>
    %add3A_1 = arith.constant 0 : i32
    %add3A_2 = vector.broadcast %add3A_1 : i32 to vector<16xi32>
    %add3A_3 = arith.addi %iota3A, %add3A_2 : vector<16xi32>
    %shift_right_arithmetic3A = arith.constant 3 : i32
    %shift_right_arithmetic3A_4 = vector.broadcast %shift_right_arithmetic3A : i32 to vector<16xi32>
    %shift_right_arithmetic3A_5 = arith.shrsi %add3A_3, %shift_right_arithmetic3A_4 : vector<16xi32>
    %add3A_6 = arith.constant 16 : i32
    %add3A_7 = vector.broadcast %add3A_6 : i32 to vector<16xi32>
    %add3A_8 = arith.addi %iota3A, %add3A_7 : vector<16xi32>
    %shift_right_arithmetic3A_9 = arith.constant 3 : i32
    %shift_right_arithmetic3A_10 = vector.broadcast %shift_right_arithmetic3A_9 : i32 to vector<16xi32>
    %shift_right_arithmetic3A_11 = arith.shrsi %add3A_8, %shift_right_arithmetic3A_10 : vector<16xi32>
    %add3A_12 = arith.constant 32 : i32
    %add3A_13 = vector.broadcast %add3A_12 : i32 to vector<16xi32>
    %add3A_14 = arith.addi %iota3A, %add3A_13 : vector<16xi32>
    %shift_right_arithmetic3A_15 = arith.constant 3 : i32
    %shift_right_arithmetic3A_16 = vector.broadcast %shift_right_arithmetic3A_15 : i32 to vector<16xi32>
    %shift_right_arithmetic3A_17 = arith.shrsi %add3A_14, %shift_right_arithmetic3A_16 : vector<16xi32>
    %add3A_18 = arith.constant 48 : i32
    %add3A_19 = vector.broadcast %add3A_18 : i32 to vector<16xi32>
    %add3A_20 = arith.addi %iota3A, %add3A_19 : vector<16xi32>
    %shift_right_arithmetic3A_21 = arith.constant 3 : i32
    %shift_right_arithmetic3A_22 = vector.broadcast %shift_right_arithmetic3A_21 : i32 to vector<16xi32>
    %shift_right_arithmetic3A_23 = arith.shrsi %add3A_20, %shift_right_arithmetic3A_22 : vector<16xi32>
    %add3A_24 = arith.constant 0 : i32
    %add3A_25 = vector.broadcast %add3A_24 : i32 to vector<16xi32>
    %add3A_26 = arith.addi %iota3A, %add3A_25 : vector<16xi32>
    %and3A = arith.constant 7 : i32
    %and3A_27 = vector.broadcast %and3A : i32 to vector<16xi32>
    %and3A_28 = arith.andi %add3A_26, %and3A_27 : vector<16xi32>
    %add3A_29 = arith.constant 16 : i32
    %add3A_30 = vector.broadcast %add3A_29 : i32 to vector<16xi32>
    %add3A_31 = arith.addi %iota3A, %add3A_30 : vector<16xi32>
    %and3A_32 = arith.constant 7 : i32
    %and3A_33 = vector.broadcast %and3A_32 : i32 to vector<16xi32>
    %and3A_34 = arith.andi %add3A_31, %and3A_33 : vector<16xi32>
    %add3A_35 = arith.constant 32 : i32
    %add3A_36 = vector.broadcast %add3A_35 : i32 to vector<16xi32>
    %add3A_37 = arith.addi %iota3A, %add3A_36 : vector<16xi32>
    %and3A_38 = arith.constant 7 : i32
    %and3A_39 = vector.broadcast %and3A_38 : i32 to vector<16xi32>
    %and3A_40 = arith.andi %add3A_37, %and3A_39 : vector<16xi32>
    %add3A_41 = arith.constant 48 : i32
    %add3A_42 = vector.broadcast %add3A_41 : i32 to vector<16xi32>
    %add3A_43 = arith.addi %iota3A, %add3A_42 : vector<16xi32>
    %and3A_44 = arith.constant 7 : i32
    %and3A_45 = vector.broadcast %and3A_44 : i32 to vector<16xi32>
    %and3A_46 = arith.andi %add3A_43, %and3A_45 : vector<16xi32>
    %dma_start3A = arith.constant 0 : i32
    %dma_start3A_47 = arith.constant 0 : i32
    %dma_start3A_48 = arith.constant 0 : i32
    %dma_start3A_49 = tpu.memref_slice %arg5[%dma_start3A, %dma_start3A_47, %dma_start3A_48] : memref<25x8x128xi32, #tpu.memory_space<vmem>> -> memref<1x1x128xi32, #tpu.memory_space<vmem>>
    %dma_start3A_50 = tpu.memref_squeeze %dma_start3A_49 : memref<1x1x128xi32, #tpu.memory_space<vmem>> -> memref<128xi32, #tpu.memory_space<vmem>>
    %dma_start3A_51 = arith.constant 0 : i32
    %dma_start3A_52 = arith.constant 0 : i32
    %dma_start3A_53 = tpu.memref_slice %arg3[%dma_start3A_51, %dma_start3A_52] : memref<1000000x64xf32, #tpu.memory_space<hbm>> -> memref<1000000x64xf32, #tpu.memory_space<hbm>>
    tpu.enqueue_indirect_dma source(%dma_start3A_53 : memref<1000000x64xf32, #tpu.memory_space<hbm>>) target(%arg6 : memref<128x64xf32, #tpu.memory_space<vmem>>) offsets(%dma_start3A_50 : memref<128xi32, #tpu.memory_space<vmem>>) semaphore(%arg16 : memref<!tpu.dma_semaphore, #tpu.memory_space<semaphore_mem>>)
    %dma_start3A_54 = arith.constant 0 : i32
    %dma_start3A_55 = arith.constant 1 : i32
    %dma_start3A_56 = arith.constant 0 : i32
    %dma_start3A_57 = tpu.memref_slice %arg5[%dma_start3A_54, %dma_start3A_55, %dma_start3A_56] : memref<25x8x128xi32, #tpu.memory_space<vmem>> -> memref<1x1x128xi32, #tpu.memory_space<vmem>>
    %dma_start3A_58 = tpu.memref_squeeze %dma_start3A_57 : memref<1x1x128xi32, #tpu.memory_space<vmem>> -> memref<128xi32, #tpu.memory_space<vmem>>
    %dma_start3A_59 = arith.constant 0 : i32
    %dma_start3A_60 = arith.constant 0 : i32
    %dma_start3A_61 = tpu.memref_slice %arg3[%dma_start3A_59, %dma_start3A_60] : memref<1000000x64xf32, #tpu.memory_space<hbm>> -> memref<1000000x64xf32, #tpu.memory_space<hbm>>
    tpu.enqueue_indirect_dma source(%dma_start3A_61 : memref<1000000x64xf32, #tpu.memory_space<hbm>>) target(%arg7 : memref<128x64xf32, #tpu.memory_space<vmem>>) offsets(%dma_start3A_58 : memref<128xi32, #tpu.memory_space<vmem>>) semaphore(%arg17 : memref<!tpu.dma_semaphore, #tpu.memory_space<semaphore_mem>>)
    %dma_start3A_62 = arith.constant 0 : i32
    %dma_start3A_63 = arith.constant 2 : i32
    %dma_start3A_64 = arith.constant 0 : i32
    %dma_start3A_65 = tpu.memref_slice %arg5[%dma_start3A_62, %dma_start3A_63, %dma_start3A_64] : memref<25x8x128xi32, #tpu.memory_space<vmem>> -> memref<1x1x128xi32, #tpu.memory_space<vmem>>
    %dma_start3A_66 = tpu.memref_squeeze %dma_start3A_65 : memref<1x1x128xi32, #tpu.memory_space<vmem>> -> memref<128xi32, #tpu.memory_space<vmem>>
    %dma_start3A_67 = arith.constant 0 : i32
    %dma_start3A_68 = arith.constant 0 : i32
    %dma_start3A_69 = tpu.memref_slice %arg3[%dma_start3A_67, %dma_start3A_68] : memref<1000000x64xf32, #tpu.memory_space<hbm>> -> memref<1000000x64xf32, #tpu.memory_space<hbm>>
    tpu.enqueue_indirect_dma source(%dma_start3A_69 : memref<1000000x64xf32, #tpu.memory_space<hbm>>) target(%arg8 : memref<128x64xf32, #tpu.memory_space<vmem>>) offsets(%dma_start3A_66 : memref<128xi32, #tpu.memory_space<vmem>>) semaphore(%arg18 : memref<!tpu.dma_semaphore, #tpu.memory_space<semaphore_mem>>)
    %dma_start3A_70 = arith.constant 0 : i32
    %dma_start3A_71 = arith.constant 3 : i32
    %dma_start3A_72 = arith.constant 0 : i32
    %dma_start3A_73 = tpu.memref_slice %arg5[%dma_start3A_70, %dma_start3A_71, %dma_start3A_72] : memref<25x8x128xi32, #tpu.memory_space<vmem>> -> memref<1x1x128xi32, #tpu.memory_space<vmem>>
    %dma_start3A_74 = tpu.memref_squeeze %dma_start3A_73 : memref<1x1x128xi32, #tpu.memory_space<vmem>> -> memref<128xi32, #tpu.memory_space<vmem>>
    %dma_start3A_75 = arith.constant 0 : i32
    %dma_start3A_76 = arith.constant 0 : i32
    %dma_start3A_77 = tpu.memref_slice %arg3[%dma_start3A_75, %dma_start3A_76] : memref<1000000x64xf32, #tpu.memory_space<hbm>> -> memref<1000000x64xf32, #tpu.memory_space<hbm>>
    tpu.enqueue_indirect_dma source(%dma_start3A_77 : memref<1000000x64xf32, #tpu.memory_space<hbm>>) target(%arg9 : memref<128x64xf32, #tpu.memory_space<vmem>>) offsets(%dma_start3A_74 : memref<128xi32, #tpu.memory_space<vmem>>) semaphore(%arg19 : memref<!tpu.dma_semaphore, #tpu.memory_space<semaphore_mem>>)
    %dma_start3A_78 = arith.constant 0 : i32
    %dma_start3A_79 = arith.constant 4 : i32
    %dma_start3A_80 = arith.constant 0 : i32
    %dma_start3A_81 = tpu.memref_slice %arg5[%dma_start3A_78, %dma_start3A_79, %dma_start3A_80] : memref<25x8x128xi32, #tpu.memory_space<vmem>> -> memref<1x1x128xi32, #tpu.memory_space<vmem>>
    %dma_start3A_82 = tpu.memref_squeeze %dma_start3A_81 : memref<1x1x128xi32, #tpu.memory_space<vmem>> -> memref<128xi32, #tpu.memory_space<vmem>>
    %dma_start3A_83 = arith.constant 0 : i32
    %dma_start3A_84 = arith.constant 0 : i32
    %dma_start3A_85 = tpu.memref_slice %arg3[%dma_start3A_83, %dma_start3A_84] : memref<1000000x64xf32, #tpu.memory_space<hbm>> -> memref<1000000x64xf32, #tpu.memory_space<hbm>>
    tpu.enqueue_indirect_dma source(%dma_start3A_85 : memref<1000000x64xf32, #tpu.memory_space<hbm>>) target(%arg10 : memref<128x64xf32, #tpu.memory_space<vmem>>) offsets(%dma_start3A_82 : memref<128xi32, #tpu.memory_space<vmem>>) semaphore(%arg20 : memref<!tpu.dma_semaphore, #tpu.memory_space<semaphore_mem>>)
    %scan3A = arith.constant 0 : i32
    %scan3A_86 = arith.constant 0 : i32
    %scan3A_87 = arith.constant 40 : i32
    %scan3A_88 = arith.addi %scan3A_86, %scan3A_87 : i32
    %scan3A_89 = arith.constant 1 : i32
    scf.for %scan3A_185 = %scan3A_86 to %scan3A_88 step %scan3A_89  : i32 {
      %mul3A_186 = arith.constant 5 : i32
      %mul3A_187 = arith.muli %mul3A_186, %scan3A_185 : i32
      %add3A_188 = arith.constant 0 : i32
      %add3A_189 = arith.addi %mul3A_187, %add3A_188 : i32
      %dma_wait3A_190 = arith.constant 0 : i32
      %dma_wait3A_191 = arith.constant 0 : i32
      %dma_wait3A_192 = tpu.memref_slice %arg3[%dma_wait3A_190, %dma_wait3A_191] : memref<1000000x64xf32, #tpu.memory_space<hbm>> -> memref<128x64xf32, #tpu.memory_space<hbm>>
      %dma_wait3A_193 = arith.constant 0 : i32
      %dma_wait3A_194 = arith.constant 0 : i32
      %dma_wait3A_195 = tpu.memref_slice %arg3[%dma_wait3A_193, %dma_wait3A_194] : memref<1000000x64xf32, #tpu.memory_space<hbm>> -> memref<128x64xf32, #tpu.memory_space<hbm>>
      tpu.wait_dma2 semaphore(%arg16 : memref<!tpu.dma_semaphore, #tpu.memory_space<semaphore_mem>>) src(%dma_wait3A_195 : memref<128x64xf32, #tpu.memory_space<hbm>>) dst(%arg6 : memref<128x64xf32, #tpu.memory_space<vmem>>)
      %gt3A = arith.constant 0 : i32
      %gt3A_196 = arith.cmpi sgt, %scan3A_185, %gt3A : i32
      %convert_element_type3A = arith.extui %gt3A_196 : i1 to i32
      %cond3A = arith.constant 0 : i32
      %cond3A_197 = arith.cmpi ne, %convert_element_type3A, %cond3A : i32
      scf.if %cond3A_197 {
        %dma_wait3A_404 = arith.constant 0 : i32
        %dma_wait3A_405 = arith.constant 0 : i32
        %dma_wait3A_406 = arith.constant 0 : i32
        %dma_wait3A_407 = arith.constant 0 : i32
        %dma_wait3A_408 = tpu.memref_slice %arg11[%dma_wait3A_405, %dma_wait3A_406, %dma_wait3A_407] : memref<8x8x129xf32, #tpu.memory_space<vmem>> -> memref<8x8x128xf32, #tpu.memory_space<vmem>>
        %dma_wait3A_409 = arith.constant 0 : i32
        %dma_wait3A_410 = arith.constant 0 : i32
        %dma_wait3A_411 = arith.constant 0 : i32
        %dma_wait3A_412 = tpu.memref_slice %arg4[%dma_wait3A_404, %dma_wait3A_409, %add3A, %dma_wait3A_410, %dma_wait3A_411] : memref<200x8x32x8x128xf32, #tpu.memory_space<hbm>> -> memref<1x8x1x8x128xf32, #tpu.memory_space<hbm>>
        %dma_wait3A_413 = tpu.memref_squeeze %dma_wait3A_412 : memref<1x8x1x8x128xf32, #tpu.memory_space<hbm>> -> memref<8x8x128xf32, #tpu.memory_space<hbm>>
        %dma_wait3A_414 = arith.constant 0 : i32
        %dma_wait3A_415 = arith.constant 0 : i32
        %dma_wait3A_416 = arith.constant 0 : i32
        %dma_wait3A_417 = tpu.memref_slice %arg4[%dma_wait3A_404, %dma_wait3A_414, %add3A, %dma_wait3A_415, %dma_wait3A_416] : memref<200x8x32x8x128xf32, #tpu.memory_space<hbm>> -> memref<1x8x1x8x128xf32, #tpu.memory_space<hbm>>
        %dma_wait3A_418 = tpu.memref_squeeze %dma_wait3A_417 : memref<1x8x1x8x128xf32, #tpu.memory_space<hbm>> -> memref<8x8x128xf32, #tpu.memory_space<hbm>>
        %dma_wait3A_419 = arith.constant 0 : i32
        %dma_wait3A_420 = arith.constant 0 : i32
        %dma_wait3A_421 = arith.constant 0 : i32
        %dma_wait3A_422 = tpu.memref_slice %arg11[%dma_wait3A_419, %dma_wait3A_420, %dma_wait3A_421] : memref<8x8x129xf32, #tpu.memory_space<vmem>> -> memref<8x8x128xf32, #tpu.memory_space<vmem>>
        tpu.wait_dma2 semaphore(%arg21 : memref<!tpu.dma_semaphore, #tpu.memory_space<semaphore_mem>>) src(%dma_wait3A_422 : memref<8x8x128xf32, #tpu.memory_space<vmem>>) dst(%dma_wait3A_418 : memref<8x8x128xf32, #tpu.memory_space<hbm>>)
      } else {
      }
      %scan3A_198 = arith.constant 0 : i32
      %scan3A_199 = arith.constant 0 : i32
      %scan3A_200 = arith.constant 32 : i32
      %scan3A_201 = arith.addi %scan3A_199, %scan3A_200 : i32
      %scan3A_202 = arith.constant 1 : i32
      scf.for %scan3A_404 = %scan3A_199 to %scan3A_201 step %scan3A_202  : i32 {
        %mul3A_405 = arith.constant 4 : i32
        %mul3A_406 = arith.muli %mul3A_405, %scan3A_404 : i32
        %add3A_407 = arith.constant 0 : i32
        %add3A_408 = arith.addi %mul3A_406, %add3A_407 : i32
        %broadcast_in_dim3A = arith.constant 0 : i32
        %broadcast_in_dim3A_409 = vector.broadcast %broadcast_in_dim3A : i32 to vector<16xi32>
        %add3A_410 = vector.broadcast %add3A_408 : i32 to vector<16xi32>
        %add3A_411 = arith.addi %broadcast_in_dim3A_409, %add3A_410 : vector<16xi32>
        %get3A = arith.index_cast %add3A_408 : i32 to index
        %get3A_412 = arith.constant 0 : index
        %get3A_413 = tpu.vector_load %arg6[%get3A, %get3A_412] {strides = array<i32>} : memref<128x64xf32, #tpu.memory_space<vmem>>, vector<16xf32>,
        tpu.vector_store_idx %arg11[%shift_right_arithmetic3A_5, %and3A_28, %add3A_411], %get3A_413 : memref<8x8x129xf32, #tpu.memory_space<vmem>>[vector<16xi32>, vector<16xi32>, vector<16xi32>], vector<16xf32>,
        %get3A_414 = arith.index_cast %add3A_408 : i32 to index
        %get3A_415 = arith.constant 16 : index
        %get3A_416 = tpu.vector_load %arg6[%get3A_414, %get3A_415] {strides = array<i32>} : memref<128x64xf32, #tpu.memory_space<vmem>>, vector<16xf32>,
        tpu.vector_store_idx %arg11[%shift_right_arithmetic3A_11, %and3A_34, %add3A_411], %get3A_416 : memref<8x8x129xf32, #tpu.memory_space<vmem>>[vector<16xi32>, vector<16xi32>, vector<16xi32>], vector<16xf32>,
        %get3A_417 = arith.index_cast %add3A_408 : i32 to index
        %get3A_418 = arith.constant 32 : index
        %get3A_419 = tpu.vector_load %arg6[%get3A_417, %get3A_418] {strides = array<i32>} : memref<128x64xf32, #tpu.memory_space<vmem>>, vector<16xf32>,
        tpu.vector_store_idx %arg11[%shift_right_arithmetic3A_17, %and3A_40, %add3A_411], %get3A_419 : memref<8x8x129xf32, #tpu.memory_space<vmem>>[vector<16xi32>, vector<16xi32>, vector<16xi32>], vector<16xf32>,
        %get3A_420 = arith.index_cast %add3A_408 : i32 to index
        %get3A_421 = arith.constant 48 : index
        %get3A_422 = tpu.vector_load %arg6[%get3A_420, %get3A_421] {strides = array<i32>} : memref<128x64xf32, #tpu.memory_space<vmem>>, vector<16xf32>,
        tpu.vector_store_idx %arg11[%shift_right_arithmetic3A_23, %and3A_46, %add3A_411], %get3A_422 : memref<8x8x129xf32, #tpu.memory_space<vmem>>[vector<16xi32>, vector<16xi32>, vector<16xi32>], vector<16xf32>,
        %add3A_423 = arith.constant 1 : i32
        %add3A_424 = arith.addi %mul3A_406, %add3A_423 : i32
        %broadcast_in_dim3A_425 = arith.constant 0 : i32
        %broadcast_in_dim3A_426 = vector.broadcast %broadcast_in_dim3A_425 : i32 to vector<16xi32>
        %add3A_427 = vector.broadcast %add3A_424 : i32 to vector<16xi32>
        %add3A_428 = arith.addi %broadcast_in_dim3A_426, %add3A_427 : vector<16xi32>
        %get3A_429 = arith.index_cast %add3A_424 : i32 to index
        %get3A_430 = arith.constant 0 : index
        %get3A_431 = tpu.vector_load %arg6[%get3A_429, %get3A_430] {strides = array<i32>} : memref<128x64xf32, #tpu.memory_space<vmem>>, vector<16xf32>,
        tpu.vector_store_idx %arg11[%shift_right_arithmetic3A_5, %and3A_28, %add3A_428], %get3A_431 : memref<8x8x129xf32, #tpu.memory_space<vmem>>[vector<16xi32>, vector<16xi32>, vector<16xi32>], vector<16xf32>,
        %get3A_432 = arith.index_cast %add3A_424 : i32 to index
        %get3A_433 = arith.constant 16 : index
        %get3A_434 = tpu.vector_load %arg6[%get3A_432, %get3A_433] {strides = array<i32>} : memref<128x64xf32, #tpu.memory_space<vmem>>, vector<16xf32>,
        tpu.vector_store_idx %arg11[%shift_right_arithmetic3A_11, %and3A_34, %add3A_428], %get3A_434 : memref<8x8x129xf32, #tpu.memory_space<vmem>>[vector<16xi32>, vector<16xi32>, vector<16xi32>], vector<16xf32>,
        %get3A_435 = arith.index_cast %add3A_424 : i32 to index
        %get3A_436 = arith.constant 32 : index
        %get3A_437 = tpu.vector_load %arg6[%get3A_435, %get3A_436] {strides = array<i32>} : memref<128x64xf32, #tpu.memory_space<vmem>>, vector<16xf32>,
        tpu.vector_store_idx %arg11[%shift_right_arithmetic3A_17, %and3A_40, %add3A_428], %get3A_437 : memref<8x8x129xf32, #tpu.memory_space<vmem>>[vector<16xi32>, vector<16xi32>, vector<16xi32>], vector<16xf32>,
        %get3A_438 = arith.index_cast %add3A_424 : i32 to index
        %get3A_439 = arith.constant 48 : index
        %get3A_440 = tpu.vector_load %arg6[%get3A_438, %get3A_439] {strides = array<i32>} : memref<128x64xf32, #tpu.memory_space<vmem>>, vector<16xf32>,
        tpu.vector_store_idx %arg11[%shift_right_arithmetic3A_23, %and3A_46, %add3A_428], %get3A_440 : memref<8x8x129xf32, #tpu.memory_space<vmem>>[vector<16xi32>, vector<16xi32>, vector<16xi32>], vector<16xf32>,
        %add3A_441 = arith.constant 2 : i32
        %add3A_442 = arith.addi %mul3A_406, %add3A_441 : i32
        %broadcast_in_dim3A_443 = arith.constant 0 : i32
        %broadcast_in_dim3A_444 = vector.broadcast %broadcast_in_dim3A_443 : i32 to vector<16xi32>
        %add3A_445 = vector.broadcast %add3A_442 : i32 to vector<16xi32>
        %add3A_446 = arith.addi %broadcast_in_dim3A_444, %add3A_445 : vector<16xi32>
        %get3A_447 = arith.index_cast %add3A_442 : i32 to index
        %get3A_448 = arith.constant 0 : index
        %get3A_449 = tpu.vector_load %arg6[%get3A_447, %get3A_448] {strides = array<i32>} : memref<128x64xf32, #tpu.memory_space<vmem>>, vector<16xf32>,
        tpu.vector_store_idx %arg11[%shift_right_arithmetic3A_5, %and3A_28, %add3A_446], %get3A_449 : memref<8x8x129xf32, #tpu.memory_space<vmem>>[vector<16xi32>, vector<16xi32>, vector<16xi32>], vector<16xf32>,
        %get3A_450 = arith.index_cast %add3A_442 : i32 to index
        %get3A_451 = arith.constant 16 : index
        %get3A_452 = tpu.vector_load %arg6[%get3A_450, %get3A_451] {strides = array<i32>} : memref<128x64xf32, #tpu.memory_space<vmem>>, vector<16xf32>,
        tpu.vector_store_idx %arg11[%shift_right_arithmetic3A_11, %and3A_34, %add3A_446], %get3A_452 : memref<8x8x129xf32, #tpu.memory_space<vmem>>[vector<16xi32>, vector<16xi32>, vector<16xi32>], vector<16xf32>,
        %get3A_453 = arith.index_cast %add3A_442 : i32 to index
        %get3A_454 = arith.constant 32 : index
        %get3A_455 = tpu.vector_load %arg6[%get3A_453, %get3A_454] {strides = array<i32>} : memref<128x64xf32, #tpu.memory_space<vmem>>, vector<16xf32>,
        tpu.vector_store_idx %arg11[%shift_right_arithmetic3A_17, %and3A_40, %add3A_446], %get3A_455 : memref<8x8x129xf32, #tpu.memory_space<vmem>>[vector<16xi32>, vector<16xi32>, vector<16xi32>], vector<16xf32>,
        %get3A_456 = arith.index_cast %add3A_442 : i32 to index
        %get3A_457 = arith.constant 48 : index
        %get3A_458 = tpu.vector_load %arg6[%get3A_456, %get3A_457] {strides = array<i32>} : memref<128x64xf32, #tpu.memory_space<vmem>>, vector<16xf32>,
        tpu.vector_store_idx %arg11[%shift_right_arithmetic3A_23, %and3A_46, %add3A_446], %get3A_458 : memref<8x8x129xf32, #tpu.memory_space<vmem>>[vector<16xi32>, vector<16xi32>, vector<16xi32>], vector<16xf32>,
        %add3A_459 = arith.constant 3 : i32
        %add3A_460 = arith.addi %mul3A_406, %add3A_459 : i32
        %broadcast_in_dim3A_461 = arith.constant 0 : i32
        %broadcast_in_dim3A_462 = vector.broadcast %broadcast_in_dim3A_461 : i32 to vector<16xi32>
        %add3A_463 = vector.broadcast %add3A_460 : i32 to vector<16xi32>
        %add3A_464 = arith.addi %broadcast_in_dim3A_462, %add3A_463 : vector<16xi32>
        %get3A_465 = arith.index_cast %add3A_460 : i32 to index
        %get3A_466 = arith.constant 0 : index
        %get3A_467 = tpu.vector_load %arg6[%get3A_465, %get3A_466] {strides = array<i32>} : memref<128x64xf32, #tpu.memory_space<vmem>>, vector<16xf32>,
        tpu.vector_store_idx %arg11[%shift_right_arithmetic3A_5, %and3A_28, %add3A_464], %get3A_467 : memref<8x8x129xf32, #tpu.memory_space<vmem>>[vector<16xi32>, vector<16xi32>, vector<16xi32>], vector<16xf32>,
        %get3A_468 = arith.index_cast %add3A_460 : i32 to index
        %get3A_469 = arith.constant 16 : index
        %get3A_470 = tpu.vector_load %arg6[%get3A_468, %get3A_469] {strides = array<i32>} : memref<128x64xf32, #tpu.memory_space<vmem>>, vector<16xf32>,
        tpu.vector_store_idx %arg11[%shift_right_arithmetic3A_11, %and3A_34, %add3A_464], %get3A_470 : memref<8x8x129xf32, #tpu.memory_space<vmem>>[vector<16xi32>, vector<16xi32>, vector<16xi32>], vector<16xf32>,
        %get3A_471 = arith.index_cast %add3A_460 : i32 to index
        %get3A_472 = arith.constant 32 : index
        %get3A_473 = tpu.vector_load %arg6[%get3A_471, %get3A_472] {strides = array<i32>} : memref<128x64xf32, #tpu.memory_space<vmem>>, vector<16xf32>,
        tpu.vector_store_idx %arg11[%shift_right_arithmetic3A_17, %and3A_40, %add3A_464], %get3A_473 : memref<8x8x129xf32, #tpu.memory_space<vmem>>[vector<16xi32>, vector<16xi32>, vector<16xi32>], vector<16xf32>,
        %get3A_474 = arith.index_cast %add3A_460 : i32 to index
        %get3A_475 = arith.constant 48 : index
        %get3A_476 = tpu.vector_load %arg6[%get3A_474, %get3A_475] {strides = array<i32>} : memref<128x64xf32, #tpu.memory_space<vmem>>, vector<16xf32>,
        tpu.vector_store_idx %arg11[%shift_right_arithmetic3A_23, %and3A_46, %add3A_464], %get3A_476 : memref<8x8x129xf32, #tpu.memory_space<vmem>>[vector<16xi32>, vector<16xi32>, vector<16xi32>], vector<16xf32>,
      }
      %scan3A_203 = arith.constant 32 : i32
      %dma_start3A_204 = arith.constant 0 : i32
      %dma_start3A_205 = arith.constant 0 : i32
      %dma_start3A_206 = arith.constant 0 : i32
      %dma_start3A_207 = tpu.memref_slice %arg11[%dma_start3A_204, %dma_start3A_205, %dma_start3A_206] : memref<8x8x129xf32, #tpu.memory_space<vmem>> -> memref<8x8x128xf32, #tpu.memory_space<vmem>>
      %dma_start3A_208 = arith.constant 0 : i32
      %dma_start3A_209 = arith.constant 0 : i32
      %dma_start3A_210 = arith.constant 0 : i32
      %dma_start3A_211 = tpu.memref_slice %arg4[%add3A_189, %dma_start3A_208, %add3A, %dma_start3A_209, %dma_start3A_210] : memref<200x8x32x8x128xf32, #tpu.memory_space<hbm>> -> memref<1x8x1x8x128xf32, #tpu.memory_space<hbm>>
      %dma_start3A_212 = tpu.memref_squeeze %dma_start3A_211 : memref<1x8x1x8x128xf32, #tpu.memory_space<hbm>> -> memref<8x8x128xf32, #tpu.memory_space<hbm>>
      %dma_start3A_213 = arith.constant 0 : i32
      %dma_start3A_214 = arith.constant 0 : i32
      %dma_start3A_215 = arith.constant 0 : i32
      %dma_start3A_216 = tpu.memref_slice %arg4[%add3A_189, %dma_start3A_213, %add3A, %dma_start3A_214, %dma_start3A_215] : memref<200x8x32x8x128xf32, #tpu.memory_space<hbm>> -> memref<1x8x1x8x128xf32, #tpu.memory_space<hbm>>
      %dma_start3A_217 = tpu.memref_squeeze %dma_start3A_216 : memref<1x8x1x8x128xf32, #tpu.memory_space<hbm>> -> memref<8x8x128xf32, #tpu.memory_space<hbm>>
      %dma_start3A_218 = arith.constant 0 : i32
      %dma_start3A_219 = arith.constant 0 : i32
      %dma_start3A_220 = arith.constant 0 : i32
      %dma_start3A_221 = tpu.memref_slice %arg11[%dma_start3A_218, %dma_start3A_219, %dma_start3A_220] : memref<8x8x129xf32, #tpu.memory_space<vmem>> -> memref<8x8x128xf32, #tpu.memory_space<vmem>>
      tpu.enqueue_dma source(%dma_start3A_221 : memref<8x8x128xf32, #tpu.memory_space<vmem>>) target(%dma_start3A_217 : memref<8x8x128xf32, #tpu.memory_space<hbm>>) target_semaphore(%arg21 : memref<!tpu.dma_semaphore, #tpu.memory_space<semaphore_mem>>)
      %add3A_222 = arith.constant 5 : i32
      %add3A_223 = arith.addi %add3A_189, %add3A_222 : i32
      %lt3A = arith.constant 200 : i32
      %lt3A_224 = arith.cmpi slt, %add3A_223, %lt3A : i32
      %convert_element_type3A_225 = arith.extui %lt3A_224 : i1 to i32
      %cond3A_226 = arith.constant 0 : i32
      %cond3A_227 = arith.cmpi ne, %convert_element_type3A_225, %cond3A_226 : i32
      scf.if %cond3A_227 {
        %add3A_404 = arith.constant 5 : i32
        %add3A_405 = arith.addi %add3A_189, %add3A_404 : i32
        %jit3A = arith.constant 8 : i32
        %div3A = arith.divsi %add3A_405, %jit3A : i32
        %sign3A = arith.constant 0 : i32
        %sign3A_406 = arith.cmpi sgt, %add3A_405, %sign3A : i32
        %sign3A_407 = arith.extui %sign3A_406 : i1 to i32
        %sign3A_408 = arith.constant 0 : i32
        %sign3A_409 = arith.cmpi slt, %add3A_405, %sign3A_408 : i32
        %sign3A_410 = arith.extui %sign3A_409 : i1 to i32
        %sign3A_411 = arith.subi %sign3A_407, %sign3A_410 : i32
        %sign3A_412 = arith.constant 0 : i32
        %sign3A_413 = arith.cmpi sgt, %jit3A, %sign3A_412 : i32
        %sign3A_414 = arith.extui %sign3A_413 : i1 to i32
        %sign3A_415 = arith.constant 0 : i32
        %sign3A_416 = arith.cmpi slt, %jit3A, %sign3A_415 : i32
        %sign3A_417 = arith.extui %sign3A_416 : i1 to i32
        %sign3A_418 = arith.subi %sign3A_414, %sign3A_417 : i32
        %ne3A = arith.cmpi ne, %sign3A_411, %sign3A_418 : i32
        %rem3A = arith.remsi %add3A_405, %jit3A : i32
        %ne3A_419 = arith.constant 0 : i32
        %ne3A_420 = arith.cmpi ne, %rem3A, %ne3A_419 : i32
        %and3A_421 = arith.andi %ne3A, %ne3A_420 : i1
        %sub3A = arith.constant 1 : i32
        %sub3A_422 = arith.subi %div3A, %sub3A : i32
        %select_n3A = arith.select %and3A_421, %sub3A_422, %div3A : i32
        %jit3A_423 = arith.constant 8 : i32
        %eq3A = arith.constant 0 : i32
        %eq3A_424 = arith.cmpi eq, %jit3A_423, %eq3A : i32
        %jit3A_425 = arith.constant 1 : i32
        %select_n3A_426 = arith.select %eq3A_424, %jit3A_425, %jit3A_423 : i32
        %rem3A_427 = arith.remsi %add3A_405, %select_n3A_426 : i32
        %ne3A_428 = arith.constant 0 : i32
        %ne3A_429 = arith.cmpi ne, %rem3A_427, %ne3A_428 : i32
        %lt3A_430 = arith.constant 0 : i32
        %lt3A_431 = arith.cmpi slt, %rem3A_427, %lt3A_430 : i32
        %lt3A_432 = arith.constant 0 : i32
        %lt3A_433 = arith.cmpi slt, %select_n3A_426, %lt3A_432 : i32
        %ne3A_434 = arith.xori %lt3A_431, %lt3A_433 : i1
        %and3A_435 = arith.andi %ne3A_434, %ne3A_429 : i1
        %add3A_436 = arith.addi %rem3A_427, %select_n3A_426 : i32
        %select_n3A_437 = arith.select %and3A_435, %add3A_436, %rem3A_427 : i32
        %dma_start3A_438 = arith.constant 0 : i32
        %dma_start3A_439 = tpu.memref_slice %arg5[%select_n3A, %select_n3A_437, %dma_start3A_438] : memref<25x8x128xi32, #tpu.memory_space<vmem>> -> memref<1x1x128xi32, #tpu.memory_space<vmem>>
        %dma_start3A_440 = tpu.memref_squeeze %dma_start3A_439 : memref<1x1x128xi32, #tpu.memory_space<vmem>> -> memref<128xi32, #tpu.memory_space<vmem>>
        %dma_start3A_441 = arith.constant 0 : i32
        %dma_start3A_442 = arith.constant 0 : i32
        %dma_start3A_443 = tpu.memref_slice %arg3[%dma_start3A_441, %dma_start3A_442] : memref<1000000x64xf32, #tpu.memory_space<hbm>> -> memref<1000000x64xf32, #tpu.memory_space<hbm>>
        tpu.enqueue_indirect_dma source(%dma_start3A_443 : memref<1000000x64xf32, #tpu.memory_space<hbm>>) target(%arg6 : memref<128x64xf32, #tpu.memory_space<vmem>>) offsets(%dma_start3A_440 : memref<128xi32, #tpu.memory_space<vmem>>) semaphore(%arg16 : memref<!tpu.dma_semaphore, #tpu.memory_space<semaphore_mem>>)
      } else {
      }
      %add3A_228 = arith.constant 1 : i32
      %add3A_229 = arith.addi %mul3A_187, %add3A_228 : i32
      %dma_wait3A_230 = arith.constant 0 : i32
      %dma_wait3A_231 = arith.constant 0 : i32
      %dma_wait3A_232 = tpu.memref_slice %arg3[%dma_wait3A_230, %dma_wait3A_231] : memref<1000000x64xf32, #tpu.memory_space<hbm>> -> memref<128x64xf32, #tpu.memory_space<hbm>>
      %dma_wait3A_233 = arith.constant 0 : i32
      %dma_wait3A_234 = arith.constant 0 : i32
      %dma_wait3A_235 = tpu.memref_slice %arg3[%dma_wait3A_233, %dma_wait3A_234] : memref<1000000x64xf32, #tpu.memory_space<hbm>> -> memref<128x64xf32, #tpu.memory_space<hbm>>
      tpu.wait_dma2 semaphore(%arg17 : memref<!tpu.dma_semaphore, #tpu.memory_space<semaphore_mem>>) src(%dma_wait3A_235 : memref<128x64xf32, #tpu.memory_space<hbm>>) dst(%arg7 : memref<128x64xf32, #tpu.memory_space<vmem>>)
      %gt3A_236 = arith.constant 0 : i32
      %gt3A_237 = arith.cmpi sgt, %scan3A_185, %gt3A_236 : i32
      %convert_element_type3A_238 = arith.extui %gt3A_237 : i1 to i32
      %cond3A_239 = arith.constant 0 : i32
      %cond3A_240 = arith.cmpi ne, %convert_element_type3A_238, %cond3A_239 : i32
      scf.if %cond3A_240 {
        %dma_wait3A_404 = arith.constant 0 : i32
        %dma_wait3A_405 = arith.constant 0 : i32
        %dma_wait3A_406 = arith.constant 0 : i32
        %dma_wait3A_407 = arith.constant 0 : i32
        %dma_wait3A_408 = tpu.memref_slice %arg12[%dma_wait3A_405, %dma_wait3A_406, %dma_wait3A_407] : memref<8x8x129xf32, #tpu.memory_space<vmem>> -> memref<8x8x128xf32, #tpu.memory_space<vmem>>
        %dma_wait3A_409 = arith.constant 0 : i32
        %dma_wait3A_410 = arith.constant 0 : i32
        %dma_wait3A_411 = arith.constant 0 : i32
        %dma_wait3A_412 = tpu.memref_slice %arg4[%dma_wait3A_404, %dma_wait3A_409, %add3A, %dma_wait3A_410, %dma_wait3A_411] : memref<200x8x32x8x128xf32, #tpu.memory_space<hbm>> -> memref<1x8x1x8x128xf32, #tpu.memory_space<hbm>>
        %dma_wait3A_413 = tpu.memref_squeeze %dma_wait3A_412 : memref<1x8x1x8x128xf32, #tpu.memory_space<hbm>> -> memref<8x8x128xf32, #tpu.memory_space<hbm>>
        %dma_wait3A_414 = arith.constant 0 : i32
        %dma_wait3A_415 = arith.constant 0 : i32
        %dma_wait3A_416 = arith.constant 0 : i32
        %dma_wait3A_417 = tpu.memref_slice %arg4[%dma_wait3A_404, %dma_wait3A_414, %add3A, %dma_wait3A_415, %dma_wait3A_416] : memref<200x8x32x8x128xf32, #tpu.memory_space<hbm>> -> memref<1x8x1x8x128xf32, #tpu.memory_space<hbm>>
        %dma_wait3A_418 = tpu.memref_squeeze %dma_wait3A_417 : memref<1x8x1x8x128xf32, #tpu.memory_space<hbm>> -> memref<8x8x128xf32, #tpu.memory_space<hbm>>
        %dma_wait3A_419 = arith.constant 0 : i32
        %dma_wait3A_420 = arith.constant 0 : i32
        %dma_wait3A_421 = arith.constant 0 : i32
        %dma_wait3A_422 = tpu.memref_slice %arg12[%dma_wait3A_419, %dma_wait3A_420, %dma_wait3A_421] : memref<8x8x129xf32, #tpu.memory_space<vmem>> -> memref<8x8x128xf32, #tpu.memory_space<vmem>>
        tpu.wait_dma2 semaphore(%arg22 : memref<!tpu.dma_semaphore, #tpu.memory_space<semaphore_mem>>) src(%dma_wait3A_422 : memref<8x8x128xf32, #tpu.memory_space<vmem>>) dst(%dma_wait3A_418 : memref<8x8x128xf32, #tpu.memory_space<hbm>>)
      } else {
      }
      %scan3A_241 = arith.constant 0 : i32
      %scan3A_242 = arith.constant 0 : i32
      %scan3A_243 = arith.constant 32 : i32
      %scan3A_244 = arith.addi %scan3A_242, %scan3A_243 : i32
      %scan3A_245 = arith.constant 1 : i32
      scf.for %scan3A_404 = %scan3A_242 to %scan3A_244 step %scan3A_245  : i32 {
        %mul3A_405 = arith.constant 4 : i32
        %mul3A_406 = arith.muli %mul3A_405, %scan3A_404 : i32
        %add3A_407 = arith.constant 0 : i32
        %add3A_408 = arith.addi %mul3A_406, %add3A_407 : i32
        %broadcast_in_dim3A = arith.constant 0 : i32
        %broadcast_in_dim3A_409 = vector.broadcast %broadcast_in_dim3A : i32 to vector<16xi32>
        %add3A_410 = vector.broadcast %add3A_408 : i32 to vector<16xi32>
        %add3A_411 = arith.addi %broadcast_in_dim3A_409, %add3A_410 : vector<16xi32>
        %get3A = arith.index_cast %add3A_408 : i32 to index
        %get3A_412 = arith.constant 0 : index
        %get3A_413 = tpu.vector_load %arg7[%get3A, %get3A_412] {strides = array<i32>} : memref<128x64xf32, #tpu.memory_space<vmem>>, vector<16xf32>,
        tpu.vector_store_idx %arg12[%shift_right_arithmetic3A_5, %and3A_28, %add3A_411], %get3A_413 : memref<8x8x129xf32, #tpu.memory_space<vmem>>[vector<16xi32>, vector<16xi32>, vector<16xi32>], vector<16xf32>,
        %get3A_414 = arith.index_cast %add3A_408 : i32 to index
        %get3A_415 = arith.constant 16 : index
        %get3A_416 = tpu.vector_load %arg7[%get3A_414, %get3A_415] {strides = array<i32>} : memref<128x64xf32, #tpu.memory_space<vmem>>, vector<16xf32>,
        tpu.vector_store_idx %arg12[%shift_right_arithmetic3A_11, %and3A_34, %add3A_411], %get3A_416 : memref<8x8x129xf32, #tpu.memory_space<vmem>>[vector<16xi32>, vector<16xi32>, vector<16xi32>], vector<16xf32>,
        %get3A_417 = arith.index_cast %add3A_408 : i32 to index
        %get3A_418 = arith.constant 32 : index
        %get3A_419 = tpu.vector_load %arg7[%get3A_417, %get3A_418] {strides = array<i32>} : memref<128x64xf32, #tpu.memory_space<vmem>>, vector<16xf32>,
        tpu.vector_store_idx %arg12[%shift_right_arithmetic3A_17, %and3A_40, %add3A_411], %get3A_419 : memref<8x8x129xf32, #tpu.memory_space<vmem>>[vector<16xi32>, vector<16xi32>, vector<16xi32>], vector<16xf32>,
        %get3A_420 = arith.index_cast %add3A_408 : i32 to index
        %get3A_421 = arith.constant 48 : index
        %get3A_422 = tpu.vector_load %arg7[%get3A_420, %get3A_421] {strides = array<i32>} : memref<128x64xf32, #tpu.memory_space<vmem>>, vector<16xf32>,
        tpu.vector_store_idx %arg12[%shift_right_arithmetic3A_23, %and3A_46, %add3A_411], %get3A_422 : memref<8x8x129xf32, #tpu.memory_space<vmem>>[vector<16xi32>, vector<16xi32>, vector<16xi32>], vector<16xf32>,
        %add3A_423 = arith.constant 1 : i32
        %add3A_424 = arith.addi %mul3A_406, %add3A_423 : i32
        %broadcast_in_dim3A_425 = arith.constant 0 : i32
        %broadcast_in_dim3A_426 = vector.broadcast %broadcast_in_dim3A_425 : i32 to vector<16xi32>
        %add3A_427 = vector.broadcast %add3A_424 : i32 to vector<16xi32>
        %add3A_428 = arith.addi %broadcast_in_dim3A_426, %add3A_427 : vector<16xi32>
        %get3A_429 = arith.index_cast %add3A_424 : i32 to index
        %get3A_430 = arith.constant 0 : index
        %get3A_431 = tpu.vector_load %arg7[%get3A_429, %get3A_430] {strides = array<i32>} : memref<128x64xf32, #tpu.memory_space<vmem>>, vector<16xf32>,
        tpu.vector_store_idx %arg12[%shift_right_arithmetic3A_5, %and3A_28, %add3A_428], %get3A_431 : memref<8x8x129xf32, #tpu.memory_space<vmem>>[vector<16xi32>, vector<16xi32>, vector<16xi32>], vector<16xf32>,
        %get3A_432 = arith.index_cast %add3A_424 : i32 to index
        %get3A_433 = arith.constant 16 : index
        %get3A_434 = tpu.vector_load %arg7[%get3A_432, %get3A_433] {strides = array<i32>} : memref<128x64xf32, #tpu.memory_space<vmem>>, vector<16xf32>,
        tpu.vector_store_idx %arg12[%shift_right_arithmetic3A_11, %and3A_34, %add3A_428], %get3A_434 : memref<8x8x129xf32, #tpu.memory_space<vmem>>[vector<16xi32>, vector<16xi32>, vector<16xi32>], vector<16xf32>,
        %get3A_435 = arith.index_cast %add3A_424 : i32 to index
        %get3A_436 = arith.constant 32 : index
        %get3A_437 = tpu.vector_load %arg7[%get3A_435, %get3A_436] {strides = array<i32>} : memref<128x64xf32, #tpu.memory_space<vmem>>, vector<16xf32>,
        tpu.vector_store_idx %arg12[%shift_right_arithmetic3A_17, %and3A_40, %add3A_428], %get3A_437 : memref<8x8x129xf32, #tpu.memory_space<vmem>>[vector<16xi32>, vector<16xi32>, vector<16xi32>], vector<16xf32>,
        %get3A_438 = arith.index_cast %add3A_424 : i32 to index
        %get3A_439 = arith.constant 48 : index
        %get3A_440 = tpu.vector_load %arg7[%get3A_438, %get3A_439] {strides = array<i32>} : memref<128x64xf32, #tpu.memory_space<vmem>>, vector<16xf32>,
        tpu.vector_store_idx %arg12[%shift_right_arithmetic3A_23, %and3A_46, %add3A_428], %get3A_440 : memref<8x8x129xf32, #tpu.memory_space<vmem>>[vector<16xi32>, vector<16xi32>, vector<16xi32>], vector<16xf32>,
        %add3A_441 = arith.constant 2 : i32
        %add3A_442 = arith.addi %mul3A_406, %add3A_441 : i32
        %broadcast_in_dim3A_443 = arith.constant 0 : i32
        %broadcast_in_dim3A_444 = vector.broadcast %broadcast_in_dim3A_443 : i32 to vector<16xi32>
        %add3A_445 = vector.broadcast %add3A_442 : i32 to vector<16xi32>
        %add3A_446 = arith.addi %broadcast_in_dim3A_444, %add3A_445 : vector<16xi32>
        %get3A_447 = arith.index_cast %add3A_442 : i32 to index
        %get3A_448 = arith.constant 0 : index
        %get3A_449 = tpu.vector_load %arg7[%get3A_447, %get3A_448] {strides = array<i32>} : memref<128x64xf32, #tpu.memory_space<vmem>>, vector<16xf32>,
        tpu.vector_store_idx %arg12[%shift_right_arithmetic3A_5, %and3A_28, %add3A_446], %get3A_449 : memref<8x8x129xf32, #tpu.memory_space<vmem>>[vector<16xi32>, vector<16xi32>, vector<16xi32>], vector<16xf32>,
        %get3A_450 = arith.index_cast %add3A_442 : i32 to index
        %get3A_451 = arith.constant 16 : index
        %get3A_452 = tpu.vector_load %arg7[%get3A_450, %get3A_451] {strides = array<i32>} : memref<128x64xf32, #tpu.memory_space<vmem>>, vector<16xf32>,
        tpu.vector_store_idx %arg12[%shift_right_arithmetic3A_11, %and3A_34, %add3A_446], %get3A_452 : memref<8x8x129xf32, #tpu.memory_space<vmem>>[vector<16xi32>, vector<16xi32>, vector<16xi32>], vector<16xf32>,
        %get3A_453 = arith.index_cast %add3A_442 : i32 to index
        %get3A_454 = arith.constant 32 : index
        %get3A_455 = tpu.vector_load %arg7[%get3A_453, %get3A_454] {strides = array<i32>} : memref<128x64xf32, #tpu.memory_space<vmem>>, vector<16xf32>,
        tpu.vector_store_idx %arg12[%shift_right_arithmetic3A_17, %and3A_40, %add3A_446], %get3A_455 : memref<8x8x129xf32, #tpu.memory_space<vmem>>[vector<16xi32>, vector<16xi32>, vector<16xi32>], vector<16xf32>,
        %get3A_456 = arith.index_cast %add3A_442 : i32 to index
        %get3A_457 = arith.constant 48 : index
        %get3A_458 = tpu.vector_load %arg7[%get3A_456, %get3A_457] {strides = array<i32>} : memref<128x64xf32, #tpu.memory_space<vmem>>, vector<16xf32>,
        tpu.vector_store_idx %arg12[%shift_right_arithmetic3A_23, %and3A_46, %add3A_446], %get3A_458 : memref<8x8x129xf32, #tpu.memory_space<vmem>>[vector<16xi32>, vector<16xi32>, vector<16xi32>], vector<16xf32>,
        %add3A_459 = arith.constant 3 : i32
        %add3A_460 = arith.addi %mul3A_406, %add3A_459 : i32
        %broadcast_in_dim3A_461 = arith.constant 0 : i32
        %broadcast_in_dim3A_462 = vector.broadcast %broadcast_in_dim3A_461 : i32 to vector<16xi32>
        %add3A_463 = vector.broadcast %add3A_460 : i32 to vector<16xi32>
        %add3A_464 = arith.addi %broadcast_in_dim3A_462, %add3A_463 : vector<16xi32>
        %get3A_465 = arith.index_cast %add3A_460 : i32 to index
        %get3A_466 = arith.constant 0 : index
        %get3A_467 = tpu.vector_load %arg7[%get3A_465, %get3A_466] {strides = array<i32>} : memref<128x64xf32, #tpu.memory_space<vmem>>, vector<16xf32>,
        tpu.vector_store_idx %arg12[%shift_right_arithmetic3A_5, %and3A_28, %add3A_464], %get3A_467 : memref<8x8x129xf32, #tpu.memory_space<vmem>>[vector<16xi32>, vector<16xi32>, vector<16xi32>], vector<16xf32>,
        %get3A_468 = arith.index_cast %add3A_460 : i32 to index
        %get3A_469 = arith.constant 16 : index
        %get3A_470 = tpu.vector_load %arg7[%get3A_468, %get3A_469] {strides = array<i32>} : memref<128x64xf32, #tpu.memory_space<vmem>>, vector<16xf32>,
        tpu.vector_store_idx %arg12[%shift_right_arithmetic3A_11, %and3A_34, %add3A_464], %get3A_470 : memref<8x8x129xf32, #tpu.memory_space<vmem>>[vector<16xi32>, vector<16xi32>, vector<16xi32>], vector<16xf32>,
        %get3A_471 = arith.index_cast %add3A_460 : i32 to index
        %get3A_472 = arith.constant 32 : index
        %get3A_473 = tpu.vector_load %arg7[%get3A_471, %get3A_472] {strides = array<i32>} : memref<128x64xf32, #tpu.memory_space<vmem>>, vector<16xf32>,
        tpu.vector_store_idx %arg12[%shift_right_arithmetic3A_17, %and3A_40, %add3A_464], %get3A_473 : memref<8x8x129xf32, #tpu.memory_space<vmem>>[vector<16xi32>, vector<16xi32>, vector<16xi32>], vector<16xf32>,
        %get3A_474 = arith.index_cast %add3A_460 : i32 to index
        %get3A_475 = arith.constant 48 : index
        %get3A_476 = tpu.vector_load %arg7[%get3A_474, %get3A_475] {strides = array<i32>} : memref<128x64xf32, #tpu.memory_space<vmem>>, vector<16xf32>,
        tpu.vector_store_idx %arg12[%shift_right_arithmetic3A_23, %and3A_46, %add3A_464], %get3A_476 : memref<8x8x129xf32, #tpu.memory_space<vmem>>[vector<16xi32>, vector<16xi32>, vector<16xi32>], vector<16xf32>,
      }
      %scan3A_246 = arith.constant 32 : i32
      %dma_start3A_247 = arith.constant 0 : i32
      %dma_start3A_248 = arith.constant 0 : i32
      %dma_start3A_249 = arith.constant 0 : i32
      %dma_start3A_250 = tpu.memref_slice %arg12[%dma_start3A_247, %dma_start3A_248, %dma_start3A_249] : memref<8x8x129xf32, #tpu.memory_space<vmem>> -> memref<8x8x128xf32, #tpu.memory_space<vmem>>
      %dma_start3A_251 = arith.constant 0 : i32
      %dma_start3A_252 = arith.constant 0 : i32
      %dma_start3A_253 = arith.constant 0 : i32
      %dma_start3A_254 = tpu.memref_slice %arg4[%add3A_229, %dma_start3A_251, %add3A, %dma_start3A_252, %dma_start3A_253] : memref<200x8x32x8x128xf32, #tpu.memory_space<hbm>> -> memref<1x8x1x8x128xf32, #tpu.memory_space<hbm>>
      %dma_start3A_255 = tpu.memref_squeeze %dma_start3A_254 : memref<1x8x1x8x128xf32, #tpu.memory_space<hbm>> -> memref<8x8x128xf32, #tpu.memory_space<hbm>>
      %dma_start3A_256 = arith.constant 0 : i32
      %dma_start3A_257 = arith.constant 0 : i32
      %dma_start3A_258 = arith.constant 0 : i32
      %dma_start3A_259 = tpu.memref_slice %arg4[%add3A_229, %dma_start3A_256, %add3A, %dma_start3A_257, %dma_start3A_258] : memref<200x8x32x8x128xf32, #tpu.memory_space<hbm>> -> memref<1x8x1x8x128xf32, #tpu.memory_space<hbm>>
      %dma_start3A_260 = tpu.memref_squeeze %dma_start3A_259 : memref<1x8x1x8x128xf32, #tpu.memory_space<hbm>> -> memref<8x8x128xf32, #tpu.memory_space<hbm>>
      %dma_start3A_261 = arith.constant 0 : i32
      %dma_start3A_262 = arith.constant 0 : i32
      %dma_start3A_263 = arith.constant 0 : i32
      %dma_start3A_264 = tpu.memref_slice %arg12[%dma_start3A_261, %dma_start3A_262, %dma_start3A_263] : memref<8x8x129xf32, #tpu.memory_space<vmem>> -> memref<8x8x128xf32, #tpu.memory_space<vmem>>
      tpu.enqueue_dma source(%dma_start3A_264 : memref<8x8x128xf32, #tpu.memory_space<vmem>>) target(%dma_start3A_260 : memref<8x8x128xf32, #tpu.memory_space<hbm>>) target_semaphore(%arg22 : memref<!tpu.dma_semaphore, #tpu.memory_space<semaphore_mem>>)
      %add3A_265 = arith.constant 5 : i32
      %add3A_266 = arith.addi %add3A_229, %add3A_265 : i32
      %lt3A_267 = arith.constant 200 : i32
      %lt3A_268 = arith.cmpi slt, %add3A_266, %lt3A_267 : i32
      %convert_element_type3A_269 = arith.extui %lt3A_268 : i1 to i32
      %cond3A_270 = arith.constant 0 : i32
      %cond3A_271 = arith.cmpi ne, %convert_element_type3A_269, %cond3A_270 : i32
      scf.if %cond3A_271 {
        %add3A_404 = arith.constant 5 : i32
        %add3A_405 = arith.addi %add3A_229, %add3A_404 : i32
        %jit3A = arith.constant 8 : i32
        %div3A = arith.divsi %add3A_405, %jit3A : i32
        %sign3A = arith.constant 0 : i32
        %sign3A_406 = arith.cmpi sgt, %add3A_405, %sign3A : i32
        %sign3A_407 = arith.extui %sign3A_406 : i1 to i32
        %sign3A_408 = arith.constant 0 : i32
        %sign3A_409 = arith.cmpi slt, %add3A_405, %sign3A_408 : i32
        %sign3A_410 = arith.extui %sign3A_409 : i1 to i32
        %sign3A_411 = arith.subi %sign3A_407, %sign3A_410 : i32
        %sign3A_412 = arith.constant 0 : i32
        %sign3A_413 = arith.cmpi sgt, %jit3A, %sign3A_412 : i32
        %sign3A_414 = arith.extui %sign3A_413 : i1 to i32
        %sign3A_415 = arith.constant 0 : i32
        %sign3A_416 = arith.cmpi slt, %jit3A, %sign3A_415 : i32
        %sign3A_417 = arith.extui %sign3A_416 : i1 to i32
        %sign3A_418 = arith.subi %sign3A_414, %sign3A_417 : i32
        %ne3A = arith.cmpi ne, %sign3A_411, %sign3A_418 : i32
        %rem3A = arith.remsi %add3A_405, %jit3A : i32
        %ne3A_419 = arith.constant 0 : i32
        %ne3A_420 = arith.cmpi ne, %rem3A, %ne3A_419 : i32
        %and3A_421 = arith.andi %ne3A, %ne3A_420 : i1
        %sub3A = arith.constant 1 : i32
        %sub3A_422 = arith.subi %div3A, %sub3A : i32
        %select_n3A = arith.select %and3A_421, %sub3A_422, %div3A : i32
        %jit3A_423 = arith.constant 8 : i32
        %eq3A = arith.constant 0 : i32
        %eq3A_424 = arith.cmpi eq, %jit3A_423, %eq3A : i32
        %jit3A_425 = arith.constant 1 : i32
        %select_n3A_426 = arith.select %eq3A_424, %jit3A_425, %jit3A_423 : i32
        %rem3A_427 = arith.remsi %add3A_405, %select_n3A_426 : i32
        %ne3A_428 = arith.constant 0 : i32
        %ne3A_429 = arith.cmpi ne, %rem3A_427, %ne3A_428 : i32
        %lt3A_430 = arith.constant 0 : i32
        %lt3A_431 = arith.cmpi slt, %rem3A_427, %lt3A_430 : i32
        %lt3A_432 = arith.constant 0 : i32
        %lt3A_433 = arith.cmpi slt, %select_n3A_426, %lt3A_432 : i32
        %ne3A_434 = arith.xori %lt3A_431, %lt3A_433 : i1
        %and3A_435 = arith.andi %ne3A_434, %ne3A_429 : i1
        %add3A_436 = arith.addi %rem3A_427, %select_n3A_426 : i32
        %select_n3A_437 = arith.select %and3A_435, %add3A_436, %rem3A_427 : i32
        %dma_start3A_438 = arith.constant 0 : i32
        %dma_start3A_439 = tpu.memref_slice %arg5[%select_n3A, %select_n3A_437, %dma_start3A_438] : memref<25x8x128xi32, #tpu.memory_space<vmem>> -> memref<1x1x128xi32, #tpu.memory_space<vmem>>
        %dma_start3A_440 = tpu.memref_squeeze %dma_start3A_439 : memref<1x1x128xi32, #tpu.memory_space<vmem>> -> memref<128xi32, #tpu.memory_space<vmem>>
        %dma_start3A_441 = arith.constant 0 : i32
        %dma_start3A_442 = arith.constant 0 : i32
        %dma_start3A_443 = tpu.memref_slice %arg3[%dma_start3A_441, %dma_start3A_442] : memref<1000000x64xf32, #tpu.memory_space<hbm>> -> memref<1000000x64xf32, #tpu.memory_space<hbm>>
        tpu.enqueue_indirect_dma source(%dma_start3A_443 : memref<1000000x64xf32, #tpu.memory_space<hbm>>) target(%arg7 : memref<128x64xf32, #tpu.memory_space<vmem>>) offsets(%dma_start3A_440 : memref<128xi32, #tpu.memory_space<vmem>>) semaphore(%arg17 : memref<!tpu.dma_semaphore, #tpu.memory_space<semaphore_mem>>)
      } else {
      }
      %add3A_272 = arith.constant 2 : i32
      %add3A_273 = arith.addi %mul3A_187, %add3A_272 : i32
      %dma_wait3A_274 = arith.constant 0 : i32
      %dma_wait3A_275 = arith.constant 0 : i32
      %dma_wait3A_276 = tpu.memref_slice %arg3[%dma_wait3A_274, %dma_wait3A_275] : memref<1000000x64xf32, #tpu.memory_space<hbm>> -> memref<128x64xf32, #tpu.memory_space<hbm>>
      %dma_wait3A_277 = arith.constant 0 : i32
      %dma_wait3A_278 = arith.constant 0 : i32
      %dma_wait3A_279 = tpu.memref_slice %arg3[%dma_wait3A_277, %dma_wait3A_278] : memref<1000000x64xf32, #tpu.memory_space<hbm>> -> memref<128x64xf32, #tpu.memory_space<hbm>>
      tpu.wait_dma2 semaphore(%arg18 : memref<!tpu.dma_semaphore, #tpu.memory_space<semaphore_mem>>) src(%dma_wait3A_279 : memref<128x64xf32, #tpu.memory_space<hbm>>) dst(%arg8 : memref<128x64xf32, #tpu.memory_space<vmem>>)
      %gt3A_280 = arith.constant 0 : i32
      %gt3A_281 = arith.cmpi sgt, %scan3A_185, %gt3A_280 : i32
      %convert_element_type3A_282 = arith.extui %gt3A_281 : i1 to i32
      %cond3A_283 = arith.constant 0 : i32
      %cond3A_284 = arith.cmpi ne, %convert_element_type3A_282, %cond3A_283 : i32
      scf.if %cond3A_284 {
        %dma_wait3A_404 = arith.constant 0 : i32
        %dma_wait3A_405 = arith.constant 0 : i32
        %dma_wait3A_406 = arith.constant 0 : i32
        %dma_wait3A_407 = arith.constant 0 : i32
        %dma_wait3A_408 = tpu.memref_slice %arg13[%dma_wait3A_405, %dma_wait3A_406, %dma_wait3A_407] : memref<8x8x129xf32, #tpu.memory_space<vmem>> -> memref<8x8x128xf32, #tpu.memory_space<vmem>>
        %dma_wait3A_409 = arith.constant 0 : i32
        %dma_wait3A_410 = arith.constant 0 : i32
        %dma_wait3A_411 = arith.constant 0 : i32
        %dma_wait3A_412 = tpu.memref_slice %arg4[%dma_wait3A_404, %dma_wait3A_409, %add3A, %dma_wait3A_410, %dma_wait3A_411] : memref<200x8x32x8x128xf32, #tpu.memory_space<hbm>> -> memref<1x8x1x8x128xf32, #tpu.memory_space<hbm>>
        %dma_wait3A_413 = tpu.memref_squeeze %dma_wait3A_412 : memref<1x8x1x8x128xf32, #tpu.memory_space<hbm>> -> memref<8x8x128xf32, #tpu.memory_space<hbm>>
        %dma_wait3A_414 = arith.constant 0 : i32
        %dma_wait3A_415 = arith.constant 0 : i32
        %dma_wait3A_416 = arith.constant 0 : i32
        %dma_wait3A_417 = tpu.memref_slice %arg4[%dma_wait3A_404, %dma_wait3A_414, %add3A, %dma_wait3A_415, %dma_wait3A_416] : memref<200x8x32x8x128xf32, #tpu.memory_space<hbm>> -> memref<1x8x1x8x128xf32, #tpu.memory_space<hbm>>
        %dma_wait3A_418 = tpu.memref_squeeze %dma_wait3A_417 : memref<1x8x1x8x128xf32, #tpu.memory_space<hbm>> -> memref<8x8x128xf32, #tpu.memory_space<hbm>>
        %dma_wait3A_419 = arith.constant 0 : i32
        %dma_wait3A_420 = arith.constant 0 : i32
        %dma_wait3A_421 = arith.constant 0 : i32
        %dma_wait3A_422 = tpu.memref_slice %arg13[%dma_wait3A_419, %dma_wait3A_420, %dma_wait3A_421] : memref<8x8x129xf32, #tpu.memory_space<vmem>> -> memref<8x8x128xf32, #tpu.memory_space<vmem>>
        tpu.wait_dma2 semaphore(%arg23 : memref<!tpu.dma_semaphore, #tpu.memory_space<semaphore_mem>>) src(%dma_wait3A_422 : memref<8x8x128xf32, #tpu.memory_space<vmem>>) dst(%dma_wait3A_418 : memref<8x8x128xf32, #tpu.memory_space<hbm>>)
      } else {
      }
      %scan3A_285 = arith.constant 0 : i32
      %scan3A_286 = arith.constant 0 : i32
      %scan3A_287 = arith.constant 32 : i32
      %scan3A_288 = arith.addi %scan3A_286, %scan3A_287 : i32
      %scan3A_289 = arith.constant 1 : i32
      scf.for %scan3A_404 = %scan3A_286 to %scan3A_288 step %scan3A_289  : i32 {
        %mul3A_405 = arith.constant 4 : i32
        %mul3A_406 = arith.muli %mul3A_405, %scan3A_404 : i32
        %add3A_407 = arith.constant 0 : i32
        %add3A_408 = arith.addi %mul3A_406, %add3A_407 : i32
        %broadcast_in_dim3A = arith.constant 0 : i32
        %broadcast_in_dim3A_409 = vector.broadcast %broadcast_in_dim3A : i32 to vector<16xi32>
        %add3A_410 = vector.broadcast %add3A_408 : i32 to vector<16xi32>
        %add3A_411 = arith.addi %broadcast_in_dim3A_409, %add3A_410 : vector<16xi32>
        %get3A = arith.index_cast %add3A_408 : i32 to index
        %get3A_412 = arith.constant 0 : index
        %get3A_413 = tpu.vector_load %arg8[%get3A, %get3A_412] {strides = array<i32>} : memref<128x64xf32, #tpu.memory_space<vmem>>, vector<16xf32>,
        tpu.vector_store_idx %arg13[%shift_right_arithmetic3A_5, %and3A_28, %add3A_411], %get3A_413 : memref<8x8x129xf32, #tpu.memory_space<vmem>>[vector<16xi32>, vector<16xi32>, vector<16xi32>], vector<16xf32>,
        %get3A_414 = arith.index_cast %add3A_408 : i32 to index
        %get3A_415 = arith.constant 16 : index
        %get3A_416 = tpu.vector_load %arg8[%get3A_414, %get3A_415] {strides = array<i32>} : memref<128x64xf32, #tpu.memory_space<vmem>>, vector<16xf32>,
        tpu.vector_store_idx %arg13[%shift_right_arithmetic3A_11, %and3A_34, %add3A_411], %get3A_416 : memref<8x8x129xf32, #tpu.memory_space<vmem>>[vector<16xi32>, vector<16xi32>, vector<16xi32>], vector<16xf32>,
        %get3A_417 = arith.index_cast %add3A_408 : i32 to index
        %get3A_418 = arith.constant 32 : index
        %get3A_419 = tpu.vector_load %arg8[%get3A_417, %get3A_418] {strides = array<i32>} : memref<128x64xf32, #tpu.memory_space<vmem>>, vector<16xf32>,
        tpu.vector_store_idx %arg13[%shift_right_arithmetic3A_17, %and3A_40, %add3A_411], %get3A_419 : memref<8x8x129xf32, #tpu.memory_space<vmem>>[vector<16xi32>, vector<16xi32>, vector<16xi32>], vector<16xf32>,
        %get3A_420 = arith.index_cast %add3A_408 : i32 to index
        %get3A_421 = arith.constant 48 : index
        %get3A_422 = tpu.vector_load %arg8[%get3A_420, %get3A_421] {strides = array<i32>} : memref<128x64xf32, #tpu.memory_space<vmem>>, vector<16xf32>,
        tpu.vector_store_idx %arg13[%shift_right_arithmetic3A_23, %and3A_46, %add3A_411], %get3A_422 : memref<8x8x129xf32, #tpu.memory_space<vmem>>[vector<16xi32>, vector<16xi32>, vector<16xi32>], vector<16xf32>,
        %add3A_423 = arith.constant 1 : i32
        %add3A_424 = arith.addi %mul3A_406, %add3A_423 : i32
        %broadcast_in_dim3A_425 = arith.constant 0 : i32
        %broadcast_in_dim3A_426 = vector.broadcast %broadcast_in_dim3A_425 : i32 to vector<16xi32>
        %add3A_427 = vector.broadcast %add3A_424 : i32 to vector<16xi32>
        %add3A_428 = arith.addi %broadcast_in_dim3A_426, %add3A_427 : vector<16xi32>
        %get3A_429 = arith.index_cast %add3A_424 : i32 to index
        %get3A_430 = arith.constant 0 : index
        %get3A_431 = tpu.vector_load %arg8[%get3A_429, %get3A_430] {strides = array<i32>} : memref<128x64xf32, #tpu.memory_space<vmem>>, vector<16xf32>,
        tpu.vector_store_idx %arg13[%shift_right_arithmetic3A_5, %and3A_28, %add3A_428], %get3A_431 : memref<8x8x129xf32, #tpu.memory_space<vmem>>[vector<16xi32>, vector<16xi32>, vector<16xi32>], vector<16xf32>,
        %get3A_432 = arith.index_cast %add3A_424 : i32 to index
        %get3A_433 = arith.constant 16 : index
        %get3A_434 = tpu.vector_load %arg8[%get3A_432, %get3A_433] {strides = array<i32>} : memref<128x64xf32, #tpu.memory_space<vmem>>, vector<16xf32>,
        tpu.vector_store_idx %arg13[%shift_right_arithmetic3A_11, %and3A_34, %add3A_428], %get3A_434 : memref<8x8x129xf32, #tpu.memory_space<vmem>>[vector<16xi32>, vector<16xi32>, vector<16xi32>], vector<16xf32>,
        %get3A_435 = arith.index_cast %add3A_424 : i32 to index
        %get3A_436 = arith.constant 32 : index
        %get3A_437 = tpu.vector_load %arg8[%get3A_435, %get3A_436] {strides = array<i32>} : memref<128x64xf32, #tpu.memory_space<vmem>>, vector<16xf32>,
        tpu.vector_store_idx %arg13[%shift_right_arithmetic3A_17, %and3A_40, %add3A_428], %get3A_437 : memref<8x8x129xf32, #tpu.memory_space<vmem>>[vector<16xi32>, vector<16xi32>, vector<16xi32>], vector<16xf32>,
        %get3A_438 = arith.index_cast %add3A_424 : i32 to index
        %get3A_439 = arith.constant 48 : index
        %get3A_440 = tpu.vector_load %arg8[%get3A_438, %get3A_439] {strides = array<i32>} : memref<128x64xf32, #tpu.memory_space<vmem>>, vector<16xf32>,
        tpu.vector_store_idx %arg13[%shift_right_arithmetic3A_23, %and3A_46, %add3A_428], %get3A_440 : memref<8x8x129xf32, #tpu.memory_space<vmem>>[vector<16xi32>, vector<16xi32>, vector<16xi32>], vector<16xf32>,
        %add3A_441 = arith.constant 2 : i32
        %add3A_442 = arith.addi %mul3A_406, %add3A_441 : i32
        %broadcast_in_dim3A_443 = arith.constant 0 : i32
        %broadcast_in_dim3A_444 = vector.broadcast %broadcast_in_dim3A_443 : i32 to vector<16xi32>
        %add3A_445 = vector.broadcast %add3A_442 : i32 to vector<16xi32>
        %add3A_446 = arith.addi %broadcast_in_dim3A_444, %add3A_445 : vector<16xi32>
        %get3A_447 = arith.index_cast %add3A_442 : i32 to index
        %get3A_448 = arith.constant 0 : index
        %get3A_449 = tpu.vector_load %arg8[%get3A_447, %get3A_448] {strides = array<i32>} : memref<128x64xf32, #tpu.memory_space<vmem>>, vector<16xf32>,
        tpu.vector_store_idx %arg13[%shift_right_arithmetic3A_5, %and3A_28, %add3A_446], %get3A_449 : memref<8x8x129xf32, #tpu.memory_space<vmem>>[vector<16xi32>, vector<16xi32>, vector<16xi32>], vector<16xf32>,
        %get3A_450 = arith.index_cast %add3A_442 : i32 to index
        %get3A_451 = arith.constant 16 : index
        %get3A_452 = tpu.vector_load %arg8[%get3A_450, %get3A_451] {strides = array<i32>} : memref<128x64xf32, #tpu.memory_space<vmem>>, vector<16xf32>,
        tpu.vector_store_idx %arg13[%shift_right_arithmetic3A_11, %and3A_34, %add3A_446], %get3A_452 : memref<8x8x129xf32, #tpu.memory_space<vmem>>[vector<16xi32>, vector<16xi32>, vector<16xi32>], vector<16xf32>,
        %get3A_453 = arith.index_cast %add3A_442 : i32 to index
        %get3A_454 = arith.constant 32 : index
        %get3A_455 = tpu.vector_load %arg8[%get3A_453, %get3A_454] {strides = array<i32>} : memref<128x64xf32, #tpu.memory_space<vmem>>, vector<16xf32>,
        tpu.vector_store_idx %arg13[%shift_right_arithmetic3A_17, %and3A_40, %add3A_446], %get3A_455 : memref<8x8x129xf32, #tpu.memory_space<vmem>>[vector<16xi32>, vector<16xi32>, vector<16xi32>], vector<16xf32>,
        %get3A_456 = arith.index_cast %add3A_442 : i32 to index
        %get3A_457 = arith.constant 48 : index
        %get3A_458 = tpu.vector_load %arg8[%get3A_456, %get3A_457] {strides = array<i32>} : memref<128x64xf32, #tpu.memory_space<vmem>>, vector<16xf32>,
        tpu.vector_store_idx %arg13[%shift_right_arithmetic3A_23, %and3A_46, %add3A_446], %get3A_458 : memref<8x8x129xf32, #tpu.memory_space<vmem>>[vector<16xi32>, vector<16xi32>, vector<16xi32>], vector<16xf32>,
        %add3A_459 = arith.constant 3 : i32
        %add3A_460 = arith.addi %mul3A_406, %add3A_459 : i32
        %broadcast_in_dim3A_461 = arith.constant 0 : i32
        %broadcast_in_dim3A_462 = vector.broadcast %broadcast_in_dim3A_461 : i32 to vector<16xi32>
        %add3A_463 = vector.broadcast %add3A_460 : i32 to vector<16xi32>
        %add3A_464 = arith.addi %broadcast_in_dim3A_462, %add3A_463 : vector<16xi32>
        %get3A_465 = arith.index_cast %add3A_460 : i32 to index
        %get3A_466 = arith.constant 0 : index
        %get3A_467 = tpu.vector_load %arg8[%get3A_465, %get3A_466] {strides = array<i32>} : memref<128x64xf32, #tpu.memory_space<vmem>>, vector<16xf32>,
        tpu.vector_store_idx %arg13[%shift_right_arithmetic3A_5, %and3A_28, %add3A_464], %get3A_467 : memref<8x8x129xf32, #tpu.memory_space<vmem>>[vector<16xi32>, vector<16xi32>, vector<16xi32>], vector<16xf32>,
        %get3A_468 = arith.index_cast %add3A_460 : i32 to index
        %get3A_469 = arith.constant 16 : index
        %get3A_470 = tpu.vector_load %arg8[%get3A_468, %get3A_469] {strides = array<i32>} : memref<128x64xf32, #tpu.memory_space<vmem>>, vector<16xf32>,
        tpu.vector_store_idx %arg13[%shift_right_arithmetic3A_11, %and3A_34, %add3A_464], %get3A_470 : memref<8x8x129xf32, #tpu.memory_space<vmem>>[vector<16xi32>, vector<16xi32>, vector<16xi32>], vector<16xf32>,
        %get3A_471 = arith.index_cast %add3A_460 : i32 to index
        %get3A_472 = arith.constant 32 : index
        %get3A_473 = tpu.vector_load %arg8[%get3A_471, %get3A_472] {strides = array<i32>} : memref<128x64xf32, #tpu.memory_space<vmem>>, vector<16xf32>,
        tpu.vector_store_idx %arg13[%shift_right_arithmetic3A_17, %and3A_40, %add3A_464], %get3A_473 : memref<8x8x129xf32, #tpu.memory_space<vmem>>[vector<16xi32>, vector<16xi32>, vector<16xi32>], vector<16xf32>,
        %get3A_474 = arith.index_cast %add3A_460 : i32 to index
        %get3A_475 = arith.constant 48 : index
        %get3A_476 = tpu.vector_load %arg8[%get3A_474, %get3A_475] {strides = array<i32>} : memref<128x64xf32, #tpu.memory_space<vmem>>, vector<16xf32>,
        tpu.vector_store_idx %arg13[%shift_right_arithmetic3A_23, %and3A_46, %add3A_464], %get3A_476 : memref<8x8x129xf32, #tpu.memory_space<vmem>>[vector<16xi32>, vector<16xi32>, vector<16xi32>], vector<16xf32>,
      }
      %scan3A_290 = arith.constant 32 : i32
      %dma_start3A_291 = arith.constant 0 : i32
      %dma_start3A_292 = arith.constant 0 : i32
      %dma_start3A_293 = arith.constant 0 : i32
      %dma_start3A_294 = tpu.memref_slice %arg13[%dma_start3A_291, %dma_start3A_292, %dma_start3A_293] : memref<8x8x129xf32, #tpu.memory_space<vmem>> -> memref<8x8x128xf32, #tpu.memory_space<vmem>>
      %dma_start3A_295 = arith.constant 0 : i32
      %dma_start3A_296 = arith.constant 0 : i32
      %dma_start3A_297 = arith.constant 0 : i32
      %dma_start3A_298 = tpu.memref_slice %arg4[%add3A_273, %dma_start3A_295, %add3A, %dma_start3A_296, %dma_start3A_297] : memref<200x8x32x8x128xf32, #tpu.memory_space<hbm>> -> memref<1x8x1x8x128xf32, #tpu.memory_space<hbm>>
      %dma_start3A_299 = tpu.memref_squeeze %dma_start3A_298 : memref<1x8x1x8x128xf32, #tpu.memory_space<hbm>> -> memref<8x8x128xf32, #tpu.memory_space<hbm>>
      %dma_start3A_300 = arith.constant 0 : i32
      %dma_start3A_301 = arith.constant 0 : i32
      %dma_start3A_302 = arith.constant 0 : i32
      %dma_start3A_303 = tpu.memref_slice %arg4[%add3A_273, %dma_start3A_300, %add3A, %dma_start3A_301, %dma_start3A_302] : memref<200x8x32x8x128xf32, #tpu.memory_space<hbm>> -> memref<1x8x1x8x128xf32, #tpu.memory_space<hbm>>
      %dma_start3A_304 = tpu.memref_squeeze %dma_start3A_303 : memref<1x8x1x8x128xf32, #tpu.memory_space<hbm>> -> memref<8x8x128xf32, #tpu.memory_space<hbm>>
      %dma_start3A_305 = arith.constant 0 : i32
      %dma_start3A_306 = arith.constant 0 : i32
      %dma_start3A_307 = arith.constant 0 : i32
      %dma_start3A_308 = tpu.memref_slice %arg13[%dma_start3A_305, %dma_start3A_306, %dma_start3A_307] : memref<8x8x129xf32, #tpu.memory_space<vmem>> -> memref<8x8x128xf32, #tpu.memory_space<vmem>>
      tpu.enqueue_dma source(%dma_start3A_308 : memref<8x8x128xf32, #tpu.memory_space<vmem>>) target(%dma_start3A_304 : memref<8x8x128xf32, #tpu.memory_space<hbm>>) target_semaphore(%arg23 : memref<!tpu.dma_semaphore, #tpu.memory_space<semaphore_mem>>)
      %add3A_309 = arith.constant 5 : i32
      %add3A_310 = arith.addi %add3A_273, %add3A_309 : i32
      %lt3A_311 = arith.constant 200 : i32
      %lt3A_312 = arith.cmpi slt, %add3A_310, %lt3A_311 : i32
      %convert_element_type3A_313 = arith.extui %lt3A_312 : i1 to i32
      %cond3A_314 = arith.constant 0 : i32
      %cond3A_315 = arith.cmpi ne, %convert_element_type3A_313, %cond3A_314 : i32
      scf.if %cond3A_315 {
        %add3A_404 = arith.constant 5 : i32
        %add3A_405 = arith.addi %add3A_273, %add3A_404 : i32
        %jit3A = arith.constant 8 : i32
        %div3A = arith.divsi %add3A_405, %jit3A : i32
        %sign3A = arith.constant 0 : i32
        %sign3A_406 = arith.cmpi sgt, %add3A_405, %sign3A : i32
        %sign3A_407 = arith.extui %sign3A_406 : i1 to i32
        %sign3A_408 = arith.constant 0 : i32
        %sign3A_409 = arith.cmpi slt, %add3A_405, %sign3A_408 : i32
        %sign3A_410 = arith.extui %sign3A_409 : i1 to i32
        %sign3A_411 = arith.subi %sign3A_407, %sign3A_410 : i32
        %sign3A_412 = arith.constant 0 : i32
        %sign3A_413 = arith.cmpi sgt, %jit3A, %sign3A_412 : i32
        %sign3A_414 = arith.extui %sign3A_413 : i1 to i32
        %sign3A_415 = arith.constant 0 : i32
        %sign3A_416 = arith.cmpi slt, %jit3A, %sign3A_415 : i32
        %sign3A_417 = arith.extui %sign3A_416 : i1 to i32
        %sign3A_418 = arith.subi %sign3A_414, %sign3A_417 : i32
        %ne3A = arith.cmpi ne, %sign3A_411, %sign3A_418 : i32
        %rem3A = arith.remsi %add3A_405, %jit3A : i32
        %ne3A_419 = arith.constant 0 : i32
        %ne3A_420 = arith.cmpi ne, %rem3A, %ne3A_419 : i32
        %and3A_421 = arith.andi %ne3A, %ne3A_420 : i1
        %sub3A = arith.constant 1 : i32
        %sub3A_422 = arith.subi %div3A, %sub3A : i32
        %select_n3A = arith.select %and3A_421, %sub3A_422, %div3A : i32
        %jit3A_423 = arith.constant 8 : i32
        %eq3A = arith.constant 0 : i32
        %eq3A_424 = arith.cmpi eq, %jit3A_423, %eq3A : i32
        %jit3A_425 = arith.constant 1 : i32
        %select_n3A_426 = arith.select %eq3A_424, %jit3A_425, %jit3A_423 : i32
        %rem3A_427 = arith.remsi %add3A_405, %select_n3A_426 : i32
        %ne3A_428 = arith.constant 0 : i32
        %ne3A_429 = arith.cmpi ne, %rem3A_427, %ne3A_428 : i32
        %lt3A_430 = arith.constant 0 : i32
        %lt3A_431 = arith.cmpi slt, %rem3A_427, %lt3A_430 : i32
        %lt3A_432 = arith.constant 0 : i32
        %lt3A_433 = arith.cmpi slt, %select_n3A_426, %lt3A_432 : i32
        %ne3A_434 = arith.xori %lt3A_431, %lt3A_433 : i1
        %and3A_435 = arith.andi %ne3A_434, %ne3A_429 : i1
        %add3A_436 = arith.addi %rem3A_427, %select_n3A_426 : i32
        %select_n3A_437 = arith.select %and3A_435, %add3A_436, %rem3A_427 : i32
        %dma_start3A_438 = arith.constant 0 : i32
        %dma_start3A_439 = tpu.memref_slice %arg5[%select_n3A, %select_n3A_437, %dma_start3A_438] : memref<25x8x128xi32, #tpu.memory_space<vmem>> -> memref<1x1x128xi32, #tpu.memory_space<vmem>>
        %dma_start3A_440 = tpu.memref_squeeze %dma_start3A_439 : memref<1x1x128xi32, #tpu.memory_space<vmem>> -> memref<128xi32, #tpu.memory_space<vmem>>
        %dma_start3A_441 = arith.constant 0 : i32
        %dma_start3A_442 = arith.constant 0 : i32
        %dma_start3A_443 = tpu.memref_slice %arg3[%dma_start3A_441, %dma_start3A_442] : memref<1000000x64xf32, #tpu.memory_space<hbm>> -> memref<1000000x64xf32, #tpu.memory_space<hbm>>
        tpu.enqueue_indirect_dma source(%dma_start3A_443 : memref<1000000x64xf32, #tpu.memory_space<hbm>>) target(%arg8 : memref<128x64xf32, #tpu.memory_space<vmem>>) offsets(%dma_start3A_440 : memref<128xi32, #tpu.memory_space<vmem>>) semaphore(%arg18 : memref<!tpu.dma_semaphore, #tpu.memory_space<semaphore_mem>>)
      } else {
      }
      %add3A_316 = arith.constant 3 : i32
      %add3A_317 = arith.addi %mul3A_187, %add3A_316 : i32
      %dma_wait3A_318 = arith.constant 0 : i32
      %dma_wait3A_319 = arith.constant 0 : i32
      %dma_wait3A_320 = tpu.memref_slice %arg3[%dma_wait3A_318, %dma_wait3A_319] : memref<1000000x64xf32, #tpu.memory_space<hbm>> -> memref<128x64xf32, #tpu.memory_space<hbm>>
      %dma_wait3A_321 = arith.constant 0 : i32
      %dma_wait3A_322 = arith.constant 0 : i32
      %dma_wait3A_323 = tpu.memref_slice %arg3[%dma_wait3A_321, %dma_wait3A_322] : memref<1000000x64xf32, #tpu.memory_space<hbm>> -> memref<128x64xf32, #tpu.memory_space<hbm>>
      tpu.wait_dma2 semaphore(%arg19 : memref<!tpu.dma_semaphore, #tpu.memory_space<semaphore_mem>>) src(%dma_wait3A_323 : memref<128x64xf32, #tpu.memory_space<hbm>>) dst(%arg9 : memref<128x64xf32, #tpu.memory_space<vmem>>)
      %gt3A_324 = arith.constant 0 : i32
      %gt3A_325 = arith.cmpi sgt, %scan3A_185, %gt3A_324 : i32
      %convert_element_type3A_326 = arith.extui %gt3A_325 : i1 to i32
      %cond3A_327 = arith.constant 0 : i32
      %cond3A_328 = arith.cmpi ne, %convert_element_type3A_326, %cond3A_327 : i32
      scf.if %cond3A_328 {
        %dma_wait3A_404 = arith.constant 0 : i32
        %dma_wait3A_405 = arith.constant 0 : i32
        %dma_wait3A_406 = arith.constant 0 : i32
        %dma_wait3A_407 = arith.constant 0 : i32
        %dma_wait3A_408 = tpu.memref_slice %arg14[%dma_wait3A_405, %dma_wait3A_406, %dma_wait3A_407] : memref<8x8x129xf32, #tpu.memory_space<vmem>> -> memref<8x8x128xf32, #tpu.memory_space<vmem>>
        %dma_wait3A_409 = arith.constant 0 : i32
        %dma_wait3A_410 = arith.constant 0 : i32
        %dma_wait3A_411 = arith.constant 0 : i32
        %dma_wait3A_412 = tpu.memref_slice %arg4[%dma_wait3A_404, %dma_wait3A_409, %add3A, %dma_wait3A_410, %dma_wait3A_411] : memref<200x8x32x8x128xf32, #tpu.memory_space<hbm>> -> memref<1x8x1x8x128xf32, #tpu.memory_space<hbm>>
        %dma_wait3A_413 = tpu.memref_squeeze %dma_wait3A_412 : memref<1x8x1x8x128xf32, #tpu.memory_space<hbm>> -> memref<8x8x128xf32, #tpu.memory_space<hbm>>
        %dma_wait3A_414 = arith.constant 0 : i32
        %dma_wait3A_415 = arith.constant 0 : i32
        %dma_wait3A_416 = arith.constant 0 : i32
        %dma_wait3A_417 = tpu.memref_slice %arg4[%dma_wait3A_404, %dma_wait3A_414, %add3A, %dma_wait3A_415, %dma_wait3A_416] : memref<200x8x32x8x128xf32, #tpu.memory_space<hbm>> -> memref<1x8x1x8x128xf32, #tpu.memory_space<hbm>>
        %dma_wait3A_418 = tpu.memref_squeeze %dma_wait3A_417 : memref<1x8x1x8x128xf32, #tpu.memory_space<hbm>> -> memref<8x8x128xf32, #tpu.memory_space<hbm>>
        %dma_wait3A_419 = arith.constant 0 : i32
        %dma_wait3A_420 = arith.constant 0 : i32
        %dma_wait3A_421 = arith.constant 0 : i32
        %dma_wait3A_422 = tpu.memref_slice %arg14[%dma_wait3A_419, %dma_wait3A_420, %dma_wait3A_421] : memref<8x8x129xf32, #tpu.memory_space<vmem>> -> memref<8x8x128xf32, #tpu.memory_space<vmem>>
        tpu.wait_dma2 semaphore(%arg24 : memref<!tpu.dma_semaphore, #tpu.memory_space<semaphore_mem>>) src(%dma_wait3A_422 : memref<8x8x128xf32, #tpu.memory_space<vmem>>) dst(%dma_wait3A_418 : memref<8x8x128xf32, #tpu.memory_space<hbm>>)
      } else {
      }
      %scan3A_329 = arith.constant 0 : i32
      %scan3A_330 = arith.constant 0 : i32
      %scan3A_331 = arith.constant 32 : i32
      %scan3A_332 = arith.addi %scan3A_330, %scan3A_331 : i32
      %scan3A_333 = arith.constant 1 : i32
      scf.for %scan3A_404 = %scan3A_330 to %scan3A_332 step %scan3A_333  : i32 {
        %mul3A_405 = arith.constant 4 : i32
        %mul3A_406 = arith.muli %mul3A_405, %scan3A_404 : i32
        %add3A_407 = arith.constant 0 : i32
        %add3A_408 = arith.addi %mul3A_406, %add3A_407 : i32
        %broadcast_in_dim3A = arith.constant 0 : i32
        %broadcast_in_dim3A_409 = vector.broadcast %broadcast_in_dim3A : i32 to vector<16xi32>
        %add3A_410 = vector.broadcast %add3A_408 : i32 to vector<16xi32>
        %add3A_411 = arith.addi %broadcast_in_dim3A_409, %add3A_410 : vector<16xi32>
        %get3A = arith.index_cast %add3A_408 : i32 to index
        %get3A_412 = arith.constant 0 : index
        %get3A_413 = tpu.vector_load %arg9[%get3A, %get3A_412] {strides = array<i32>} : memref<128x64xf32, #tpu.memory_space<vmem>>, vector<16xf32>,
        tpu.vector_store_idx %arg14[%shift_right_arithmetic3A_5, %and3A_28, %add3A_411], %get3A_413 : memref<8x8x129xf32, #tpu.memory_space<vmem>>[vector<16xi32>, vector<16xi32>, vector<16xi32>], vector<16xf32>,
        %get3A_414 = arith.index_cast %add3A_408 : i32 to index
        %get3A_415 = arith.constant 16 : index
        %get3A_416 = tpu.vector_load %arg9[%get3A_414, %get3A_415] {strides = array<i32>} : memref<128x64xf32, #tpu.memory_space<vmem>>, vector<16xf32>,
        tpu.vector_store_idx %arg14[%shift_right_arithmetic3A_11, %and3A_34, %add3A_411], %get3A_416 : memref<8x8x129xf32, #tpu.memory_space<vmem>>[vector<16xi32>, vector<16xi32>, vector<16xi32>], vector<16xf32>,
        %get3A_417 = arith.index_cast %add3A_408 : i32 to index
        %get3A_418 = arith.constant 32 : index
        %get3A_419 = tpu.vector_load %arg9[%get3A_417, %get3A_418] {strides = array<i32>} : memref<128x64xf32, #tpu.memory_space<vmem>>, vector<16xf32>,
        tpu.vector_store_idx %arg14[%shift_right_arithmetic3A_17, %and3A_40, %add3A_411], %get3A_419 : memref<8x8x129xf32, #tpu.memory_space<vmem>>[vector<16xi32>, vector<16xi32>, vector<16xi32>], vector<16xf32>,
        %get3A_420 = arith.index_cast %add3A_408 : i32 to index
        %get3A_421 = arith.constant 48 : index
        %get3A_422 = tpu.vector_load %arg9[%get3A_420, %get3A_421] {strides = array<i32>} : memref<128x64xf32, #tpu.memory_space<vmem>>, vector<16xf32>,
        tpu.vector_store_idx %arg14[%shift_right_arithmetic3A_23, %and3A_46, %add3A_411], %get3A_422 : memref<8x8x129xf32, #tpu.memory_space<vmem>>[vector<16xi32>, vector<16xi32>, vector<16xi32>], vector<16xf32>,
        %add3A_423 = arith.constant 1 : i32
        %add3A_424 = arith.addi %mul3A_406, %add3A_423 : i32
        %broadcast_in_dim3A_425 = arith.constant 0 : i32
        %broadcast_in_dim3A_426 = vector.broadcast %broadcast_in_dim3A_425 : i32 to vector<16xi32>
        %add3A_427 = vector.broadcast %add3A_424 : i32 to vector<16xi32>
        %add3A_428 = arith.addi %broadcast_in_dim3A_426, %add3A_427 : vector<16xi32>
        %get3A_429 = arith.index_cast %add3A_424 : i32 to index
        %get3A_430 = arith.constant 0 : index
        %get3A_431 = tpu.vector_load %arg9[%get3A_429, %get3A_430] {strides = array<i32>} : memref<128x64xf32, #tpu.memory_space<vmem>>, vector<16xf32>,
        tpu.vector_store_idx %arg14[%shift_right_arithmetic3A_5, %and3A_28, %add3A_428], %get3A_431 : memref<8x8x129xf32, #tpu.memory_space<vmem>>[vector<16xi32>, vector<16xi32>, vector<16xi32>], vector<16xf32>,
        %get3A_432 = arith.index_cast %add3A_424 : i32 to index
        %get3A_433 = arith.constant 16 : index
        %get3A_434 = tpu.vector_load %arg9[%get3A_432, %get3A_433] {strides = array<i32>} : memref<128x64xf32, #tpu.memory_space<vmem>>, vector<16xf32>,
        tpu.vector_store_idx %arg14[%shift_right_arithmetic3A_11, %and3A_34, %add3A_428], %get3A_434 : memref<8x8x129xf32, #tpu.memory_space<vmem>>[vector<16xi32>, vector<16xi32>, vector<16xi32>], vector<16xf32>,
        %get3A_435 = arith.index_cast %add3A_424 : i32 to index
        %get3A_436 = arith.constant 32 : index
        %get3A_437 = tpu.vector_load %arg9[%get3A_435, %get3A_436] {strides = array<i32>} : memref<128x64xf32, #tpu.memory_space<vmem>>, vector<16xf32>,
        tpu.vector_store_idx %arg14[%shift_right_arithmetic3A_17, %and3A_40, %add3A_428], %get3A_437 : memref<8x8x129xf32, #tpu.memory_space<vmem>>[vector<16xi32>, vector<16xi32>, vector<16xi32>], vector<16xf32>,
        %get3A_438 = arith.index_cast %add3A_424 : i32 to index
        %get3A_439 = arith.constant 48 : index
        %get3A_440 = tpu.vector_load %arg9[%get3A_438, %get3A_439] {strides = array<i32>} : memref<128x64xf32, #tpu.memory_space<vmem>>, vector<16xf32>,
        tpu.vector_store_idx %arg14[%shift_right_arithmetic3A_23, %and3A_46, %add3A_428], %get3A_440 : memref<8x8x129xf32, #tpu.memory_space<vmem>>[vector<16xi32>, vector<16xi32>, vector<16xi32>], vector<16xf32>,
        %add3A_441 = arith.constant 2 : i32
        %add3A_442 = arith.addi %mul3A_406, %add3A_441 : i32
        %broadcast_in_dim3A_443 = arith.constant 0 : i32
        %broadcast_in_dim3A_444 = vector.broadcast %broadcast_in_dim3A_443 : i32 to vector<16xi32>
        %add3A_445 = vector.broadcast %add3A_442 : i32 to vector<16xi32>
        %add3A_446 = arith.addi %broadcast_in_dim3A_444, %add3A_445 : vector<16xi32>
        %get3A_447 = arith.index_cast %add3A_442 : i32 to index
        %get3A_448 = arith.constant 0 : index
        %get3A_449 = tpu.vector_load %arg9[%get3A_447, %get3A_448] {strides = array<i32>} : memref<128x64xf32, #tpu.memory_space<vmem>>, vector<16xf32>,
        tpu.vector_store_idx %arg14[%shift_right_arithmetic3A_5, %and3A_28, %add3A_446], %get3A_449 : memref<8x8x129xf32, #tpu.memory_space<vmem>>[vector<16xi32>, vector<16xi32>, vector<16xi32>], vector<16xf32>,
        %get3A_450 = arith.index_cast %add3A_442 : i32 to index
        %get3A_451 = arith.constant 16 : index
        %get3A_452 = tpu.vector_load %arg9[%get3A_450, %get3A_451] {strides = array<i32>} : memref<128x64xf32, #tpu.memory_space<vmem>>, vector<16xf32>,
        tpu.vector_store_idx %arg14[%shift_right_arithmetic3A_11, %and3A_34, %add3A_446], %get3A_452 : memref<8x8x129xf32, #tpu.memory_space<vmem>>[vector<16xi32>, vector<16xi32>, vector<16xi32>], vector<16xf32>,
        %get3A_453 = arith.index_cast %add3A_442 : i32 to index
        %get3A_454 = arith.constant 32 : index
        %get3A_455 = tpu.vector_load %arg9[%get3A_453, %get3A_454] {strides = array<i32>} : memref<128x64xf32, #tpu.memory_space<vmem>>, vector<16xf32>,
        tpu.vector_store_idx %arg14[%shift_right_arithmetic3A_17, %and3A_40, %add3A_446], %get3A_455 : memref<8x8x129xf32, #tpu.memory_space<vmem>>[vector<16xi32>, vector<16xi32>, vector<16xi32>], vector<16xf32>,
        %get3A_456 = arith.index_cast %add3A_442 : i32 to index
        %get3A_457 = arith.constant 48 : index
        %get3A_458 = tpu.vector_load %arg9[%get3A_456, %get3A_457] {strides = array<i32>} : memref<128x64xf32, #tpu.memory_space<vmem>>, vector<16xf32>,
        tpu.vector_store_idx %arg14[%shift_right_arithmetic3A_23, %and3A_46, %add3A_446], %get3A_458 : memref<8x8x129xf32, #tpu.memory_space<vmem>>[vector<16xi32>, vector<16xi32>, vector<16xi32>], vector<16xf32>,
        %add3A_459 = arith.constant 3 : i32
        %add3A_460 = arith.addi %mul3A_406, %add3A_459 : i32
        %broadcast_in_dim3A_461 = arith.constant 0 : i32
        %broadcast_in_dim3A_462 = vector.broadcast %broadcast_in_dim3A_461 : i32 to vector<16xi32>
        %add3A_463 = vector.broadcast %add3A_460 : i32 to vector<16xi32>
        %add3A_464 = arith.addi %broadcast_in_dim3A_462, %add3A_463 : vector<16xi32>
        %get3A_465 = arith.index_cast %add3A_460 : i32 to index
        %get3A_466 = arith.constant 0 : index
        %get3A_467 = tpu.vector_load %arg9[%get3A_465, %get3A_466] {strides = array<i32>} : memref<128x64xf32, #tpu.memory_space<vmem>>, vector<16xf32>,
        tpu.vector_store_idx %arg14[%shift_right_arithmetic3A_5, %and3A_28, %add3A_464], %get3A_467 : memref<8x8x129xf32, #tpu.memory_space<vmem>>[vector<16xi32>, vector<16xi32>, vector<16xi32>], vector<16xf32>,
        %get3A_468 = arith.index_cast %add3A_460 : i32 to index
        %get3A_469 = arith.constant 16 : index
        %get3A_470 = tpu.vector_load %arg9[%get3A_468, %get3A_469] {strides = array<i32>} : memref<128x64xf32, #tpu.memory_space<vmem>>, vector<16xf32>,
        tpu.vector_store_idx %arg14[%shift_right_arithmetic3A_11, %and3A_34, %add3A_464], %get3A_470 : memref<8x8x129xf32, #tpu.memory_space<vmem>>[vector<16xi32>, vector<16xi32>, vector<16xi32>], vector<16xf32>,
        %get3A_471 = arith.index_cast %add3A_460 : i32 to index
        %get3A_472 = arith.constant 32 : index
        %get3A_473 = tpu.vector_load %arg9[%get3A_471, %get3A_472] {strides = array<i32>} : memref<128x64xf32, #tpu.memory_space<vmem>>, vector<16xf32>,
        tpu.vector_store_idx %arg14[%shift_right_arithmetic3A_17, %and3A_40, %add3A_464], %get3A_473 : memref<8x8x129xf32, #tpu.memory_space<vmem>>[vector<16xi32>, vector<16xi32>, vector<16xi32>], vector<16xf32>,
        %get3A_474 = arith.index_cast %add3A_460 : i32 to index
        %get3A_475 = arith.constant 48 : index
        %get3A_476 = tpu.vector_load %arg9[%get3A_474, %get3A_475] {strides = array<i32>} : memref<128x64xf32, #tpu.memory_space<vmem>>, vector<16xf32>,
        tpu.vector_store_idx %arg14[%shift_right_arithmetic3A_23, %and3A_46, %add3A_464], %get3A_476 : memref<8x8x129xf32, #tpu.memory_space<vmem>>[vector<16xi32>, vector<16xi32>, vector<16xi32>], vector<16xf32>,
      }
      %scan3A_334 = arith.constant 32 : i32
      %dma_start3A_335 = arith.constant 0 : i32
      %dma_start3A_336 = arith.constant 0 : i32
      %dma_start3A_337 = arith.constant 0 : i32
      %dma_start3A_338 = tpu.memref_slice %arg14[%dma_start3A_335, %dma_start3A_336, %dma_start3A_337] : memref<8x8x129xf32, #tpu.memory_space<vmem>> -> memref<8x8x128xf32, #tpu.memory_space<vmem>>
      %dma_start3A_339 = arith.constant 0 : i32
      %dma_start3A_340 = arith.constant 0 : i32
      %dma_start3A_341 = arith.constant 0 : i32
      %dma_start3A_342 = tpu.memref_slice %arg4[%add3A_317, %dma_start3A_339, %add3A, %dma_start3A_340, %dma_start3A_341] : memref<200x8x32x8x128xf32, #tpu.memory_space<hbm>> -> memref<1x8x1x8x128xf32, #tpu.memory_space<hbm>>
      %dma_start3A_343 = tpu.memref_squeeze %dma_start3A_342 : memref<1x8x1x8x128xf32, #tpu.memory_space<hbm>> -> memref<8x8x128xf32, #tpu.memory_space<hbm>>
      %dma_start3A_344 = arith.constant 0 : i32
      %dma_start3A_345 = arith.constant 0 : i32
      %dma_start3A_346 = arith.constant 0 : i32
      %dma_start3A_347 = tpu.memref_slice %arg4[%add3A_317, %dma_start3A_344, %add3A, %dma_start3A_345, %dma_start3A_346] : memref<200x8x32x8x128xf32, #tpu.memory_space<hbm>> -> memref<1x8x1x8x128xf32, #tpu.memory_space<hbm>>
      %dma_start3A_348 = tpu.memref_squeeze %dma_start3A_347 : memref<1x8x1x8x128xf32, #tpu.memory_space<hbm>> -> memref<8x8x128xf32, #tpu.memory_space<hbm>>
      %dma_start3A_349 = arith.constant 0 : i32
      %dma_start3A_350 = arith.constant 0 : i32
      %dma_start3A_351 = arith.constant 0 : i32
      %dma_start3A_352 = tpu.memref_slice %arg14[%dma_start3A_349, %dma_start3A_350, %dma_start3A_351] : memref<8x8x129xf32, #tpu.memory_space<vmem>> -> memref<8x8x128xf32, #tpu.memory_space<vmem>>
      tpu.enqueue_dma source(%dma_start3A_352 : memref<8x8x128xf32, #tpu.memory_space<vmem>>) target(%dma_start3A_348 : memref<8x8x128xf32, #tpu.memory_space<hbm>>) target_semaphore(%arg24 : memref<!tpu.dma_semaphore, #tpu.memory_space<semaphore_mem>>)
      %add3A_353 = arith.constant 5 : i32
      %add3A_354 = arith.addi %add3A_317, %add3A_353 : i32
      %lt3A_355 = arith.constant 200 : i32
      %lt3A_356 = arith.cmpi slt, %add3A_354, %lt3A_355 : i32
      %convert_element_type3A_357 = arith.extui %lt3A_356 : i1 to i32
      %cond3A_358 = arith.constant 0 : i32
      %cond3A_359 = arith.cmpi ne, %convert_element_type3A_357, %cond3A_358 : i32
      scf.if %cond3A_359 {
        %add3A_404 = arith.constant 5 : i32
        %add3A_405 = arith.addi %add3A_317, %add3A_404 : i32
        %jit3A = arith.constant 8 : i32
        %div3A = arith.divsi %add3A_405, %jit3A : i32
        %sign3A = arith.constant 0 : i32
        %sign3A_406 = arith.cmpi sgt, %add3A_405, %sign3A : i32
        %sign3A_407 = arith.extui %sign3A_406 : i1 to i32
        %sign3A_408 = arith.constant 0 : i32
        %sign3A_409 = arith.cmpi slt, %add3A_405, %sign3A_408 : i32
        %sign3A_410 = arith.extui %sign3A_409 : i1 to i32
        %sign3A_411 = arith.subi %sign3A_407, %sign3A_410 : i32
        %sign3A_412 = arith.constant 0 : i32
        %sign3A_413 = arith.cmpi sgt, %jit3A, %sign3A_412 : i32
        %sign3A_414 = arith.extui %sign3A_413 : i1 to i32
        %sign3A_415 = arith.constant 0 : i32
        %sign3A_416 = arith.cmpi slt, %jit3A, %sign3A_415 : i32
        %sign3A_417 = arith.extui %sign3A_416 : i1 to i32
        %sign3A_418 = arith.subi %sign3A_414, %sign3A_417 : i32
        %ne3A = arith.cmpi ne, %sign3A_411, %sign3A_418 : i32
        %rem3A = arith.remsi %add3A_405, %jit3A : i32
        %ne3A_419 = arith.constant 0 : i32
        %ne3A_420 = arith.cmpi ne, %rem3A, %ne3A_419 : i32
        %and3A_421 = arith.andi %ne3A, %ne3A_420 : i1
        %sub3A = arith.constant 1 : i32
        %sub3A_422 = arith.subi %div3A, %sub3A : i32
        %select_n3A = arith.select %and3A_421, %sub3A_422, %div3A : i32
        %jit3A_423 = arith.constant 8 : i32
        %eq3A = arith.constant 0 : i32
        %eq3A_424 = arith.cmpi eq, %jit3A_423, %eq3A : i32
        %jit3A_425 = arith.constant 1 : i32
        %select_n3A_426 = arith.select %eq3A_424, %jit3A_425, %jit3A_423 : i32
        %rem3A_427 = arith.remsi %add3A_405, %select_n3A_426 : i32
        %ne3A_428 = arith.constant 0 : i32
        %ne3A_429 = arith.cmpi ne, %rem3A_427, %ne3A_428 : i32
        %lt3A_430 = arith.constant 0 : i32
        %lt3A_431 = arith.cmpi slt, %rem3A_427, %lt3A_430 : i32
        %lt3A_432 = arith.constant 0 : i32
        %lt3A_433 = arith.cmpi slt, %select_n3A_426, %lt3A_432 : i32
        %ne3A_434 = arith.xori %lt3A_431, %lt3A_433 : i1
        %and3A_435 = arith.andi %ne3A_434, %ne3A_429 : i1
        %add3A_436 = arith.addi %rem3A_427, %select_n3A_426 : i32
        %select_n3A_437 = arith.select %and3A_435, %add3A_436, %rem3A_427 : i32
        %dma_start3A_438 = arith.constant 0 : i32
        %dma_start3A_439 = tpu.memref_slice %arg5[%select_n3A, %select_n3A_437, %dma_start3A_438] : memref<25x8x128xi32, #tpu.memory_space<vmem>> -> memref<1x1x128xi32, #tpu.memory_space<vmem>>
        %dma_start3A_440 = tpu.memref_squeeze %dma_start3A_439 : memref<1x1x128xi32, #tpu.memory_space<vmem>> -> memref<128xi32, #tpu.memory_space<vmem>>
        %dma_start3A_441 = arith.constant 0 : i32
        %dma_start3A_442 = arith.constant 0 : i32
        %dma_start3A_443 = tpu.memref_slice %arg3[%dma_start3A_441, %dma_start3A_442] : memref<1000000x64xf32, #tpu.memory_space<hbm>> -> memref<1000000x64xf32, #tpu.memory_space<hbm>>
        tpu.enqueue_indirect_dma source(%dma_start3A_443 : memref<1000000x64xf32, #tpu.memory_space<hbm>>) target(%arg9 : memref<128x64xf32, #tpu.memory_space<vmem>>) offsets(%dma_start3A_440 : memref<128xi32, #tpu.memory_space<vmem>>) semaphore(%arg19 : memref<!tpu.dma_semaphore, #tpu.memory_space<semaphore_mem>>)
      } else {
      }
      %add3A_360 = arith.constant 4 : i32
      %add3A_361 = arith.addi %mul3A_187, %add3A_360 : i32
      %dma_wait3A_362 = arith.constant 0 : i32
      %dma_wait3A_363 = arith.constant 0 : i32
      %dma_wait3A_364 = tpu.memref_slice %arg3[%dma_wait3A_362, %dma_wait3A_363] : memref<1000000x64xf32, #tpu.memory_space<hbm>> -> memref<128x64xf32, #tpu.memory_space<hbm>>
      %dma_wait3A_365 = arith.constant 0 : i32
      %dma_wait3A_366 = arith.constant 0 : i32
      %dma_wait3A_367 = tpu.memref_slice %arg3[%dma_wait3A_365, %dma_wait3A_366] : memref<1000000x64xf32, #tpu.memory_space<hbm>> -> memref<128x64xf32, #tpu.memory_space<hbm>>
      tpu.wait_dma2 semaphore(%arg20 : memref<!tpu.dma_semaphore, #tpu.memory_space<semaphore_mem>>) src(%dma_wait3A_367 : memref<128x64xf32, #tpu.memory_space<hbm>>) dst(%arg10 : memref<128x64xf32, #tpu.memory_space<vmem>>)
      %gt3A_368 = arith.constant 0 : i32
      %gt3A_369 = arith.cmpi sgt, %scan3A_185, %gt3A_368 : i32
      %convert_element_type3A_370 = arith.extui %gt3A_369 : i1 to i32
      %cond3A_371 = arith.constant 0 : i32
      %cond3A_372 = arith.cmpi ne, %convert_element_type3A_370, %cond3A_371 : i32
      scf.if %cond3A_372 {
        %dma_wait3A_404 = arith.constant 0 : i32
        %dma_wait3A_405 = arith.constant 0 : i32
        %dma_wait3A_406 = arith.constant 0 : i32
        %dma_wait3A_407 = arith.constant 0 : i32
        %dma_wait3A_408 = tpu.memref_slice %arg15[%dma_wait3A_405, %dma_wait3A_406, %dma_wait3A_407] : memref<8x8x129xf32, #tpu.memory_space<vmem>> -> memref<8x8x128xf32, #tpu.memory_space<vmem>>
        %dma_wait3A_409 = arith.constant 0 : i32
        %dma_wait3A_410 = arith.constant 0 : i32
        %dma_wait3A_411 = arith.constant 0 : i32
        %dma_wait3A_412 = tpu.memref_slice %arg4[%dma_wait3A_404, %dma_wait3A_409, %add3A, %dma_wait3A_410, %dma_wait3A_411] : memref<200x8x32x8x128xf32, #tpu.memory_space<hbm>> -> memref<1x8x1x8x128xf32, #tpu.memory_space<hbm>>
        %dma_wait3A_413 = tpu.memref_squeeze %dma_wait3A_412 : memref<1x8x1x8x128xf32, #tpu.memory_space<hbm>> -> memref<8x8x128xf32, #tpu.memory_space<hbm>>
        %dma_wait3A_414 = arith.constant 0 : i32
        %dma_wait3A_415 = arith.constant 0 : i32
        %dma_wait3A_416 = arith.constant 0 : i32
        %dma_wait3A_417 = tpu.memref_slice %arg4[%dma_wait3A_404, %dma_wait3A_414, %add3A, %dma_wait3A_415, %dma_wait3A_416] : memref<200x8x32x8x128xf32, #tpu.memory_space<hbm>> -> memref<1x8x1x8x128xf32, #tpu.memory_space<hbm>>
        %dma_wait3A_418 = tpu.memref_squeeze %dma_wait3A_417 : memref<1x8x1x8x128xf32, #tpu.memory_space<hbm>> -> memref<8x8x128xf32, #tpu.memory_space<hbm>>
        %dma_wait3A_419 = arith.constant 0 : i32
        %dma_wait3A_420 = arith.constant 0 : i32
        %dma_wait3A_421 = arith.constant 0 : i32
        %dma_wait3A_422 = tpu.memref_slice %arg15[%dma_wait3A_419, %dma_wait3A_420, %dma_wait3A_421] : memref<8x8x129xf32, #tpu.memory_space<vmem>> -> memref<8x8x128xf32, #tpu.memory_space<vmem>>
        tpu.wait_dma2 semaphore(%arg25 : memref<!tpu.dma_semaphore, #tpu.memory_space<semaphore_mem>>) src(%dma_wait3A_422 : memref<8x8x128xf32, #tpu.memory_space<vmem>>) dst(%dma_wait3A_418 : memref<8x8x128xf32, #tpu.memory_space<hbm>>)
      } else {
      }
      %scan3A_373 = arith.constant 0 : i32
      %scan3A_374 = arith.constant 0 : i32
      %scan3A_375 = arith.constant 32 : i32
      %scan3A_376 = arith.addi %scan3A_374, %scan3A_375 : i32
      %scan3A_377 = arith.constant 1 : i32
      scf.for %scan3A_404 = %scan3A_374 to %scan3A_376 step %scan3A_377  : i32 {
        %mul3A_405 = arith.constant 4 : i32
        %mul3A_406 = arith.muli %mul3A_405, %scan3A_404 : i32
        %add3A_407 = arith.constant 0 : i32
        %add3A_408 = arith.addi %mul3A_406, %add3A_407 : i32
        %broadcast_in_dim3A = arith.constant 0 : i32
        %broadcast_in_dim3A_409 = vector.broadcast %broadcast_in_dim3A : i32 to vector<16xi32>
        %add3A_410 = vector.broadcast %add3A_408 : i32 to vector<16xi32>
        %add3A_411 = arith.addi %broadcast_in_dim3A_409, %add3A_410 : vector<16xi32>
        %get3A = arith.index_cast %add3A_408 : i32 to index
        %get3A_412 = arith.constant 0 : index
        %get3A_413 = tpu.vector_load %arg10[%get3A, %get3A_412] {strides = array<i32>} : memref<128x64xf32, #tpu.memory_space<vmem>>, vector<16xf32>,
        tpu.vector_store_idx %arg15[%shift_right_arithmetic3A_5, %and3A_28, %add3A_411], %get3A_413 : memref<8x8x129xf32, #tpu.memory_space<vmem>>[vector<16xi32>, vector<16xi32>, vector<16xi32>], vector<16xf32>,
        %get3A_414 = arith.index_cast %add3A_408 : i32 to index
        %get3A_415 = arith.constant 16 : index
        %get3A_416 = tpu.vector_load %arg10[%get3A_414, %get3A_415] {strides = array<i32>} : memref<128x64xf32, #tpu.memory_space<vmem>>, vector<16xf32>,
        tpu.vector_store_idx %arg15[%shift_right_arithmetic3A_11, %and3A_34, %add3A_411], %get3A_416 : memref<8x8x129xf32, #tpu.memory_space<vmem>>[vector<16xi32>, vector<16xi32>, vector<16xi32>], vector<16xf32>,
        %get3A_417 = arith.index_cast %add3A_408 : i32 to index
        %get3A_418 = arith.constant 32 : index
        %get3A_419 = tpu.vector_load %arg10[%get3A_417, %get3A_418] {strides = array<i32>} : memref<128x64xf32, #tpu.memory_space<vmem>>, vector<16xf32>,
        tpu.vector_store_idx %arg15[%shift_right_arithmetic3A_17, %and3A_40, %add3A_411], %get3A_419 : memref<8x8x129xf32, #tpu.memory_space<vmem>>[vector<16xi32>, vector<16xi32>, vector<16xi32>], vector<16xf32>,
        %get3A_420 = arith.index_cast %add3A_408 : i32 to index
        %get3A_421 = arith.constant 48 : index
        %get3A_422 = tpu.vector_load %arg10[%get3A_420, %get3A_421] {strides = array<i32>} : memref<128x64xf32, #tpu.memory_space<vmem>>, vector<16xf32>,
        tpu.vector_store_idx %arg15[%shift_right_arithmetic3A_23, %and3A_46, %add3A_411], %get3A_422 : memref<8x8x129xf32, #tpu.memory_space<vmem>>[vector<16xi32>, vector<16xi32>, vector<16xi32>], vector<16xf32>,
        %add3A_423 = arith.constant 1 : i32
        %add3A_424 = arith.addi %mul3A_406, %add3A_423 : i32
        %broadcast_in_dim3A_425 = arith.constant 0 : i32
        %broadcast_in_dim3A_426 = vector.broadcast %broadcast_in_dim3A_425 : i32 to vector<16xi32>
        %add3A_427 = vector.broadcast %add3A_424 : i32 to vector<16xi32>
        %add3A_428 = arith.addi %broadcast_in_dim3A_426, %add3A_427 : vector<16xi32>
        %get3A_429 = arith.index_cast %add3A_424 : i32 to index
        %get3A_430 = arith.constant 0 : index
        %get3A_431 = tpu.vector_load %arg10[%get3A_429, %get3A_430] {strides = array<i32>} : memref<128x64xf32, #tpu.memory_space<vmem>>, vector<16xf32>,
        tpu.vector_store_idx %arg15[%shift_right_arithmetic3A_5, %and3A_28, %add3A_428], %get3A_431 : memref<8x8x129xf32, #tpu.memory_space<vmem>>[vector<16xi32>, vector<16xi32>, vector<16xi32>], vector<16xf32>,
        %get3A_432 = arith.index_cast %add3A_424 : i32 to index
        %get3A_433 = arith.constant 16 : index
        %get3A_434 = tpu.vector_load %arg10[%get3A_432, %get3A_433] {strides = array<i32>} : memref<128x64xf32, #tpu.memory_space<vmem>>, vector<16xf32>,
        tpu.vector_store_idx %arg15[%shift_right_arithmetic3A_11, %and3A_34, %add3A_428], %get3A_434 : memref<8x8x129xf32, #tpu.memory_space<vmem>>[vector<16xi32>, vector<16xi32>, vector<16xi32>], vector<16xf32>,
        %get3A_435 = arith.index_cast %add3A_424 : i32 to index
        %get3A_436 = arith.constant 32 : index
        %get3A_437 = tpu.vector_load %arg10[%get3A_435, %get3A_436] {strides = array<i32>} : memref<128x64xf32, #tpu.memory_space<vmem>>, vector<16xf32>,
        tpu.vector_store_idx %arg15[%shift_right_arithmetic3A_17, %and3A_40, %add3A_428], %get3A_437 : memref<8x8x129xf32, #tpu.memory_space<vmem>>[vector<16xi32>, vector<16xi32>, vector<16xi32>], vector<16xf32>,
        %get3A_438 = arith.index_cast %add3A_424 : i32 to index
        %get3A_439 = arith.constant 48 : index
        %get3A_440 = tpu.vector_load %arg10[%get3A_438, %get3A_439] {strides = array<i32>} : memref<128x64xf32, #tpu.memory_space<vmem>>, vector<16xf32>,
        tpu.vector_store_idx %arg15[%shift_right_arithmetic3A_23, %and3A_46, %add3A_428], %get3A_440 : memref<8x8x129xf32, #tpu.memory_space<vmem>>[vector<16xi32>, vector<16xi32>, vector<16xi32>], vector<16xf32>,
        %add3A_441 = arith.constant 2 : i32
        %add3A_442 = arith.addi %mul3A_406, %add3A_441 : i32
        %broadcast_in_dim3A_443 = arith.constant 0 : i32
        %broadcast_in_dim3A_444 = vector.broadcast %broadcast_in_dim3A_443 : i32 to vector<16xi32>
        %add3A_445 = vector.broadcast %add3A_442 : i32 to vector<16xi32>
        %add3A_446 = arith.addi %broadcast_in_dim3A_444, %add3A_445 : vector<16xi32>
        %get3A_447 = arith.index_cast %add3A_442 : i32 to index
        %get3A_448 = arith.constant 0 : index
        %get3A_449 = tpu.vector_load %arg10[%get3A_447, %get3A_448] {strides = array<i32>} : memref<128x64xf32, #tpu.memory_space<vmem>>, vector<16xf32>,
        tpu.vector_store_idx %arg15[%shift_right_arithmetic3A_5, %and3A_28, %add3A_446], %get3A_449 : memref<8x8x129xf32, #tpu.memory_space<vmem>>[vector<16xi32>, vector<16xi32>, vector<16xi32>], vector<16xf32>,
        %get3A_450 = arith.index_cast %add3A_442 : i32 to index
        %get3A_451 = arith.constant 16 : index
        %get3A_452 = tpu.vector_load %arg10[%get3A_450, %get3A_451] {strides = array<i32>} : memref<128x64xf32, #tpu.memory_space<vmem>>, vector<16xf32>,
        tpu.vector_store_idx %arg15[%shift_right_arithmetic3A_11, %and3A_34, %add3A_446], %get3A_452 : memref<8x8x129xf32, #tpu.memory_space<vmem>>[vector<16xi32>, vector<16xi32>, vector<16xi32>], vector<16xf32>,
        %get3A_453 = arith.index_cast %add3A_442 : i32 to index
        %get3A_454 = arith.constant 32 : index
        %get3A_455 = tpu.vector_load %arg10[%get3A_453, %get3A_454] {strides = array<i32>} : memref<128x64xf32, #tpu.memory_space<vmem>>, vector<16xf32>,
        tpu.vector_store_idx %arg15[%shift_right_arithmetic3A_17, %and3A_40, %add3A_446], %get3A_455 : memref<8x8x129xf32, #tpu.memory_space<vmem>>[vector<16xi32>, vector<16xi32>, vector<16xi32>], vector<16xf32>,
        %get3A_456 = arith.index_cast %add3A_442 : i32 to index
        %get3A_457 = arith.constant 48 : index
        %get3A_458 = tpu.vector_load %arg10[%get3A_456, %get3A_457] {strides = array<i32>} : memref<128x64xf32, #tpu.memory_space<vmem>>, vector<16xf32>,
        tpu.vector_store_idx %arg15[%shift_right_arithmetic3A_23, %and3A_46, %add3A_446], %get3A_458 : memref<8x8x129xf32, #tpu.memory_space<vmem>>[vector<16xi32>, vector<16xi32>, vector<16xi32>], vector<16xf32>,
        %add3A_459 = arith.constant 3 : i32
        %add3A_460 = arith.addi %mul3A_406, %add3A_459 : i32
        %broadcast_in_dim3A_461 = arith.constant 0 : i32
        %broadcast_in_dim3A_462 = vector.broadcast %broadcast_in_dim3A_461 : i32 to vector<16xi32>
        %add3A_463 = vector.broadcast %add3A_460 : i32 to vector<16xi32>
        %add3A_464 = arith.addi %broadcast_in_dim3A_462, %add3A_463 : vector<16xi32>
        %get3A_465 = arith.index_cast %add3A_460 : i32 to index
        %get3A_466 = arith.constant 0 : index
        %get3A_467 = tpu.vector_load %arg10[%get3A_465, %get3A_466] {strides = array<i32>} : memref<128x64xf32, #tpu.memory_space<vmem>>, vector<16xf32>,
        tpu.vector_store_idx %arg15[%shift_right_arithmetic3A_5, %and3A_28, %add3A_464], %get3A_467 : memref<8x8x129xf32, #tpu.memory_space<vmem>>[vector<16xi32>, vector<16xi32>, vector<16xi32>], vector<16xf32>,
        %get3A_468 = arith.index_cast %add3A_460 : i32 to index
        %get3A_469 = arith.constant 16 : index
        %get3A_470 = tpu.vector_load %arg10[%get3A_468, %get3A_469] {strides = array<i32>} : memref<128x64xf32, #tpu.memory_space<vmem>>, vector<16xf32>,
        tpu.vector_store_idx %arg15[%shift_right_arithmetic3A_11, %and3A_34, %add3A_464], %get3A_470 : memref<8x8x129xf32, #tpu.memory_space<vmem>>[vector<16xi32>, vector<16xi32>, vector<16xi32>], vector<16xf32>,
        %get3A_471 = arith.index_cast %add3A_460 : i32 to index
        %get3A_472 = arith.constant 32 : index
        %get3A_473 = tpu.vector_load %arg10[%get3A_471, %get3A_472] {strides = array<i32>} : memref<128x64xf32, #tpu.memory_space<vmem>>, vector<16xf32>,
        tpu.vector_store_idx %arg15[%shift_right_arithmetic3A_17, %and3A_40, %add3A_464], %get3A_473 : memref<8x8x129xf32, #tpu.memory_space<vmem>>[vector<16xi32>, vector<16xi32>, vector<16xi32>], vector<16xf32>,
        %get3A_474 = arith.index_cast %add3A_460 : i32 to index
        %get3A_475 = arith.constant 48 : index
        %get3A_476 = tpu.vector_load %arg10[%get3A_474, %get3A_475] {strides = array<i32>} : memref<128x64xf32, #tpu.memory_space<vmem>>, vector<16xf32>,
        tpu.vector_store_idx %arg15[%shift_right_arithmetic3A_23, %and3A_46, %add3A_464], %get3A_476 : memref<8x8x129xf32, #tpu.memory_space<vmem>>[vector<16xi32>, vector<16xi32>, vector<16xi32>], vector<16xf32>,
      }
      %scan3A_378 = arith.constant 32 : i32
      %dma_start3A_379 = arith.constant 0 : i32
      %dma_start3A_380 = arith.constant 0 : i32
      %dma_start3A_381 = arith.constant 0 : i32
      %dma_start3A_382 = tpu.memref_slice %arg15[%dma_start3A_379, %dma_start3A_380, %dma_start3A_381] : memref<8x8x129xf32, #tpu.memory_space<vmem>> -> memref<8x8x128xf32, #tpu.memory_space<vmem>>
      %dma_start3A_383 = arith.constant 0 : i32
      %dma_start3A_384 = arith.constant 0 : i32
      %dma_start3A_385 = arith.constant 0 : i32
      %dma_start3A_386 = tpu.memref_slice %arg4[%add3A_361, %dma_start3A_383, %add3A, %dma_start3A_384, %dma_start3A_385] : memref<200x8x32x8x128xf32, #tpu.memory_space<hbm>> -> memref<1x8x1x8x128xf32, #tpu.memory_space<hbm>>
      %dma_start3A_387 = tpu.memref_squeeze %dma_start3A_386 : memref<1x8x1x8x128xf32, #tpu.memory_space<hbm>> -> memref<8x8x128xf32, #tpu.memory_space<hbm>>
      %dma_start3A_388 = arith.constant 0 : i32
      %dma_start3A_389 = arith.constant 0 : i32
      %dma_start3A_390 = arith.constant 0 : i32
      %dma_start3A_391 = tpu.memref_slice %arg4[%add3A_361, %dma_start3A_388, %add3A, %dma_start3A_389, %dma_start3A_390] : memref<200x8x32x8x128xf32, #tpu.memory_space<hbm>> -> memref<1x8x1x8x128xf32, #tpu.memory_space<hbm>>
      %dma_start3A_392 = tpu.memref_squeeze %dma_start3A_391 : memref<1x8x1x8x128xf32, #tpu.memory_space<hbm>> -> memref<8x8x128xf32, #tpu.memory_space<hbm>>
      %dma_start3A_393 = arith.constant 0 : i32
      %dma_start3A_394 = arith.constant 0 : i32
      %dma_start3A_395 = arith.constant 0 : i32
      %dma_start3A_396 = tpu.memref_slice %arg15[%dma_start3A_393, %dma_start3A_394, %dma_start3A_395] : memref<8x8x129xf32, #tpu.memory_space<vmem>> -> memref<8x8x128xf32, #tpu.memory_space<vmem>>
      tpu.enqueue_dma source(%dma_start3A_396 : memref<8x8x128xf32, #tpu.memory_space<vmem>>) target(%dma_start3A_392 : memref<8x8x128xf32, #tpu.memory_space<hbm>>) target_semaphore(%arg25 : memref<!tpu.dma_semaphore, #tpu.memory_space<semaphore_mem>>)
      %add3A_397 = arith.constant 5 : i32
      %add3A_398 = arith.addi %add3A_361, %add3A_397 : i32
      %lt3A_399 = arith.constant 200 : i32
      %lt3A_400 = arith.cmpi slt, %add3A_398, %lt3A_399 : i32
      %convert_element_type3A_401 = arith.extui %lt3A_400 : i1 to i32
      %cond3A_402 = arith.constant 0 : i32
      %cond3A_403 = arith.cmpi ne, %convert_element_type3A_401, %cond3A_402 : i32
      scf.if %cond3A_403 {
        %add3A_404 = arith.constant 5 : i32
        %add3A_405 = arith.addi %add3A_361, %add3A_404 : i32
        %jit3A = arith.constant 8 : i32
        %div3A = arith.divsi %add3A_405, %jit3A : i32
        %sign3A = arith.constant 0 : i32
        %sign3A_406 = arith.cmpi sgt, %add3A_405, %sign3A : i32
        %sign3A_407 = arith.extui %sign3A_406 : i1 to i32
        %sign3A_408 = arith.constant 0 : i32
        %sign3A_409 = arith.cmpi slt, %add3A_405, %sign3A_408 : i32
        %sign3A_410 = arith.extui %sign3A_409 : i1 to i32
        %sign3A_411 = arith.subi %sign3A_407, %sign3A_410 : i32
        %sign3A_412 = arith.constant 0 : i32
        %sign3A_413 = arith.cmpi sgt, %jit3A, %sign3A_412 : i32
        %sign3A_414 = arith.extui %sign3A_413 : i1 to i32
        %sign3A_415 = arith.constant 0 : i32
        %sign3A_416 = arith.cmpi slt, %jit3A, %sign3A_415 : i32
        %sign3A_417 = arith.extui %sign3A_416 : i1 to i32
        %sign3A_418 = arith.subi %sign3A_414, %sign3A_417 : i32
        %ne3A = arith.cmpi ne, %sign3A_411, %sign3A_418 : i32
        %rem3A = arith.remsi %add3A_405, %jit3A : i32
        %ne3A_419 = arith.constant 0 : i32
        %ne3A_420 = arith.cmpi ne, %rem3A, %ne3A_419 : i32
        %and3A_421 = arith.andi %ne3A, %ne3A_420 : i1
        %sub3A = arith.constant 1 : i32
        %sub3A_422 = arith.subi %div3A, %sub3A : i32
        %select_n3A = arith.select %and3A_421, %sub3A_422, %div3A : i32
        %jit3A_423 = arith.constant 8 : i32
        %eq3A = arith.constant 0 : i32
        %eq3A_424 = arith.cmpi eq, %jit3A_423, %eq3A : i32
        %jit3A_425 = arith.constant 1 : i32
        %select_n3A_426 = arith.select %eq3A_424, %jit3A_425, %jit3A_423 : i32
        %rem3A_427 = arith.remsi %add3A_405, %select_n3A_426 : i32
        %ne3A_428 = arith.constant 0 : i32
        %ne3A_429 = arith.cmpi ne, %rem3A_427, %ne3A_428 : i32
        %lt3A_430 = arith.constant 0 : i32
        %lt3A_431 = arith.cmpi slt, %rem3A_427, %lt3A_430 : i32
        %lt3A_432 = arith.constant 0 : i32
        %lt3A_433 = arith.cmpi slt, %select_n3A_426, %lt3A_432 : i32
        %ne3A_434 = arith.xori %lt3A_431, %lt3A_433 : i1
        %and3A_435 = arith.andi %ne3A_434, %ne3A_429 : i1
        %add3A_436 = arith.addi %rem3A_427, %select_n3A_426 : i32
        %select_n3A_437 = arith.select %and3A_435, %add3A_436, %rem3A_427 : i32
        %dma_start3A_438 = arith.constant 0 : i32
        %dma_start3A_439 = tpu.memref_slice %arg5[%select_n3A, %select_n3A_437, %dma_start3A_438] : memref<25x8x128xi32, #tpu.memory_space<vmem>> -> memref<1x1x128xi32, #tpu.memory_space<vmem>>
        %dma_start3A_440 = tpu.memref_squeeze %dma_start3A_439 : memref<1x1x128xi32, #tpu.memory_space<vmem>> -> memref<128xi32, #tpu.memory_space<vmem>>
        %dma_start3A_441 = arith.constant 0 : i32
        %dma_start3A_442 = arith.constant 0 : i32
        %dma_start3A_443 = tpu.memref_slice %arg3[%dma_start3A_441, %dma_start3A_442] : memref<1000000x64xf32, #tpu.memory_space<hbm>> -> memref<1000000x64xf32, #tpu.memory_space<hbm>>
        tpu.enqueue_indirect_dma source(%dma_start3A_443 : memref<1000000x64xf32, #tpu.memory_space<hbm>>) target(%arg10 : memref<128x64xf32, #tpu.memory_space<vmem>>) offsets(%dma_start3A_440 : memref<128xi32, #tpu.memory_space<vmem>>) semaphore(%arg20 : memref<!tpu.dma_semaphore, #tpu.memory_space<semaphore_mem>>)
      } else {
      }
    }
    %scan3A_90 = arith.constant 40 : i32
    %dma_wait3A = arith.constant 0 : i32
    %dma_wait3A_91 = arith.constant 0 : i32
    %dma_wait3A_92 = arith.constant 0 : i32
    %dma_wait3A_93 = arith.constant 0 : i32
    %dma_wait3A_94 = tpu.memref_slice %arg11[%dma_wait3A_91, %dma_wait3A_92, %dma_wait3A_93] : memref<8x8x129xf32, #tpu.memory_space<vmem>> -> memref<8x8x128xf32, #tpu.memory_space<vmem>>
    %dma_wait3A_95 = arith.constant 0 : i32
    %dma_wait3A_96 = arith.constant 0 : i32
    %dma_wait3A_97 = arith.constant 0 : i32
    %dma_wait3A_98 = tpu.memref_slice %arg4[%dma_wait3A, %dma_wait3A_95, %add3A, %dma_wait3A_96, %dma_wait3A_97] : memref<200x8x32x8x128xf32, #tpu.memory_space<hbm>> -> memref<1x8x1x8x128xf32, #tpu.memory_space<hbm>>
    %dma_wait3A_99 = tpu.memref_squeeze %dma_wait3A_98 : memref<1x8x1x8x128xf32, #tpu.memory_space<hbm>> -> memref<8x8x128xf32, #tpu.memory_space<hbm>>
    %dma_wait3A_100 = arith.constant 0 : i32
    %dma_wait3A_101 = arith.constant 0 : i32
    %dma_wait3A_102 = arith.constant 0 : i32
    %dma_wait3A_103 = tpu.memref_slice %arg4[%dma_wait3A, %dma_wait3A_100, %add3A, %dma_wait3A_101, %dma_wait3A_102] : memref<200x8x32x8x128xf32, #tpu.memory_space<hbm>> -> memref<1x8x1x8x128xf32, #tpu.memory_space<hbm>>
    %dma_wait3A_104 = tpu.memref_squeeze %dma_wait3A_103 : memref<1x8x1x8x128xf32, #tpu.memory_space<hbm>> -> memref<8x8x128xf32, #tpu.memory_space<hbm>>
    %dma_wait3A_105 = arith.constant 0 : i32
    %dma_wait3A_106 = arith.constant 0 : i32
    %dma_wait3A_107 = arith.constant 0 : i32
    %dma_wait3A_108 = tpu.memref_slice %arg11[%dma_wait3A_105, %dma_wait3A_106, %dma_wait3A_107] : memref<8x8x129xf32, #tpu.memory_space<vmem>> -> memref<8x8x128xf32, #tpu.memory_space<vmem>>
    tpu.wait_dma2 semaphore(%arg21 : memref<!tpu.dma_semaphore, #tpu.memory_space<semaphore_mem>>) src(%dma_wait3A_108 : memref<8x8x128xf32, #tpu.memory_space<vmem>>) dst(%dma_wait3A_104 : memref<8x8x128xf32, #tpu.memory_space<hbm>>)
    %dma_wait3A_109 = arith.constant 0 : i32
    %dma_wait3A_110 = arith.constant 0 : i32
    %dma_wait3A_111 = arith.constant 0 : i32
    %dma_wait3A_112 = arith.constant 0 : i32
    %dma_wait3A_113 = tpu.memref_slice %arg12[%dma_wait3A_110, %dma_wait3A_111, %dma_wait3A_112] : memref<8x8x129xf32, #tpu.memory_space<vmem>> -> memref<8x8x128xf32, #tpu.memory_space<vmem>>
    %dma_wait3A_114 = arith.constant 0 : i32
    %dma_wait3A_115 = arith.constant 0 : i32
    %dma_wait3A_116 = arith.constant 0 : i32
    %dma_wait3A_117 = tpu.memref_slice %arg4[%dma_wait3A_109, %dma_wait3A_114, %add3A, %dma_wait3A_115, %dma_wait3A_116] : memref<200x8x32x8x128xf32, #tpu.memory_space<hbm>> -> memref<1x8x1x8x128xf32, #tpu.memory_space<hbm>>
    %dma_wait3A_118 = tpu.memref_squeeze %dma_wait3A_117 : memref<1x8x1x8x128xf32, #tpu.memory_space<hbm>> -> memref<8x8x128xf32, #tpu.memory_space<hbm>>
    %dma_wait3A_119 = arith.constant 0 : i32
    %dma_wait3A_120 = arith.constant 0 : i32
    %dma_wait3A_121 = arith.constant 0 : i32
    %dma_wait3A_122 = tpu.memref_slice %arg4[%dma_wait3A_109, %dma_wait3A_119, %add3A, %dma_wait3A_120, %dma_wait3A_121] : memref<200x8x32x8x128xf32, #tpu.memory_space<hbm>> -> memref<1x8x1x8x128xf32, #tpu.memory_space<hbm>>
    %dma_wait3A_123 = tpu.memref_squeeze %dma_wait3A_122 : memref<1x8x1x8x128xf32, #tpu.memory_space<hbm>> -> memref<8x8x128xf32, #tpu.memory_space<hbm>>
    %dma_wait3A_124 = arith.constant 0 : i32
    %dma_wait3A_125 = arith.constant 0 : i32
    %dma_wait3A_126 = arith.constant 0 : i32
    %dma_wait3A_127 = tpu.memref_slice %arg12[%dma_wait3A_124, %dma_wait3A_125, %dma_wait3A_126] : memref<8x8x129xf32, #tpu.memory_space<vmem>> -> memref<8x8x128xf32, #tpu.memory_space<vmem>>
    tpu.wait_dma2 semaphore(%arg22 : memref<!tpu.dma_semaphore, #tpu.memory_space<semaphore_mem>>) src(%dma_wait3A_127 : memref<8x8x128xf32, #tpu.memory_space<vmem>>) dst(%dma_wait3A_123 : memref<8x8x128xf32, #tpu.memory_space<hbm>>)
    %dma_wait3A_128 = arith.constant 0 : i32
    %dma_wait3A_129 = arith.constant 0 : i32
    %dma_wait3A_130 = arith.constant 0 : i32
    %dma_wait3A_131 = arith.constant 0 : i32
    %dma_wait3A_132 = tpu.memref_slice %arg13[%dma_wait3A_129, %dma_wait3A_130, %dma_wait3A_131] : memref<8x8x129xf32, #tpu.memory_space<vmem>> -> memref<8x8x128xf32, #tpu.memory_space<vmem>>
    %dma_wait3A_133 = arith.constant 0 : i32
    %dma_wait3A_134 = arith.constant 0 : i32
    %dma_wait3A_135 = arith.constant 0 : i32
    %dma_wait3A_136 = tpu.memref_slice %arg4[%dma_wait3A_128, %dma_wait3A_133, %add3A, %dma_wait3A_134, %dma_wait3A_135] : memref<200x8x32x8x128xf32, #tpu.memory_space<hbm>> -> memref<1x8x1x8x128xf32, #tpu.memory_space<hbm>>
    %dma_wait3A_137 = tpu.memref_squeeze %dma_wait3A_136 : memref<1x8x1x8x128xf32, #tpu.memory_space<hbm>> -> memref<8x8x128xf32, #tpu.memory_space<hbm>>
    %dma_wait3A_138 = arith.constant 0 : i32
    %dma_wait3A_139 = arith.constant 0 : i32
    %dma_wait3A_140 = arith.constant 0 : i32
    %dma_wait3A_141 = tpu.memref_slice %arg4[%dma_wait3A_128, %dma_wait3A_138, %add3A, %dma_wait3A_139, %dma_wait3A_140] : memref<200x8x32x8x128xf32, #tpu.memory_space<hbm>> -> memref<1x8x1x8x128xf32, #tpu.memory_space<hbm>>
    %dma_wait3A_142 = tpu.memref_squeeze %dma_wait3A_141 : memref<1x8x1x8x128xf32, #tpu.memory_space<hbm>> -> memref<8x8x128xf32, #tpu.memory_space<hbm>>
    %dma_wait3A_143 = arith.constant 0 : i32
    %dma_wait3A_144 = arith.constant 0 : i32
    %dma_wait3A_145 = arith.constant 0 : i32
    %dma_wait3A_146 = tpu.memref_slice %arg13[%dma_wait3A_143, %dma_wait3A_144, %dma_wait3A_145] : memref<8x8x129xf32, #tpu.memory_space<vmem>> -> memref<8x8x128xf32, #tpu.memory_space<vmem>>
    tpu.wait_dma2 semaphore(%arg23 : memref<!tpu.dma_semaphore, #tpu.memory_space<semaphore_mem>>) src(%dma_wait3A_146 : memref<8x8x128xf32, #tpu.memory_space<vmem>>) dst(%dma_wait3A_142 : memref<8x8x128xf32, #tpu.memory_space<hbm>>)
    %dma_wait3A_147 = arith.constant 0 : i32
    %dma_wait3A_148 = arith.constant 0 : i32
    %dma_wait3A_149 = arith.constant 0 : i32
    %dma_wait3A_150 = arith.constant 0 : i32
    %dma_wait3A_151 = tpu.memref_slice %arg14[%dma_wait3A_148, %dma_wait3A_149, %dma_wait3A_150] : memref<8x8x129xf32, #tpu.memory_space<vmem>> -> memref<8x8x128xf32, #tpu.memory_space<vmem>>
    %dma_wait3A_152 = arith.constant 0 : i32
    %dma_wait3A_153 = arith.constant 0 : i32
    %dma_wait3A_154 = arith.constant 0 : i32
    %dma_wait3A_155 = tpu.memref_slice %arg4[%dma_wait3A_147, %dma_wait3A_152, %add3A, %dma_wait3A_153, %dma_wait3A_154] : memref<200x8x32x8x128xf32, #tpu.memory_space<hbm>> -> memref<1x8x1x8x128xf32, #tpu.memory_space<hbm>>
    %dma_wait3A_156 = tpu.memref_squeeze %dma_wait3A_155 : memref<1x8x1x8x128xf32, #tpu.memory_space<hbm>> -> memref<8x8x128xf32, #tpu.memory_space<hbm>>
    %dma_wait3A_157 = arith.constant 0 : i32
    %dma_wait3A_158 = arith.constant 0 : i32
    %dma_wait3A_159 = arith.constant 0 : i32
    %dma_wait3A_160 = tpu.memref_slice %arg4[%dma_wait3A_147, %dma_wait3A_157, %add3A, %dma_wait3A_158, %dma_wait3A_159] : memref<200x8x32x8x128xf32, #tpu.memory_space<hbm>> -> memref<1x8x1x8x128xf32, #tpu.memory_space<hbm>>
    %dma_wait3A_161 = tpu.memref_squeeze %dma_wait3A_160 : memref<1x8x1x8x128xf32, #tpu.memory_space<hbm>> -> memref<8x8x128xf32, #tpu.memory_space<hbm>>
    %dma_wait3A_162 = arith.constant 0 : i32
    %dma_wait3A_163 = arith.constant 0 : i32
    %dma_wait3A_164 = arith.constant 0 : i32
    %dma_wait3A_165 = tpu.memref_slice %arg14[%dma_wait3A_162, %dma_wait3A_163, %dma_wait3A_164] : memref<8x8x129xf32, #tpu.memory_space<vmem>> -> memref<8x8x128xf32, #tpu.memory_space<vmem>>
    tpu.wait_dma2 semaphore(%arg24 : memref<!tpu.dma_semaphore, #tpu.memory_space<semaphore_mem>>) src(%dma_wait3A_165 : memref<8x8x128xf32, #tpu.memory_space<vmem>>) dst(%dma_wait3A_161 : memref<8x8x128xf32, #tpu.memory_space<hbm>>)
    %dma_wait3A_166 = arith.constant 0 : i32
    %dma_wait3A_167 = arith.constant 0 : i32
    %dma_wait3A_168 = arith.constant 0 : i32
    %dma_wait3A_169 = arith.constant 0 : i32
    %dma_wait3A_170 = tpu.memref_slice %arg15[%dma_wait3A_167, %dma_wait3A_168, %dma_wait3A_169] : memref<8x8x129xf32, #tpu.memory_space<vmem>> -> memref<8x8x128xf32, #tpu.memory_space<vmem>>
    %dma_wait3A_171 = arith.constant 0 : i32
    %dma_wait3A_172 = arith.constant 0 : i32
    %dma_wait3A_173 = arith.constant 0 : i32
    %dma_wait3A_174 = tpu.memref_slice %arg4[%dma_wait3A_166, %dma_wait3A_171, %add3A, %dma_wait3A_172, %dma_wait3A_173] : memref<200x8x32x8x128xf32, #tpu.memory_space<hbm>> -> memref<1x8x1x8x128xf32, #tpu.memory_space<hbm>>
    %dma_wait3A_175 = tpu.memref_squeeze %dma_wait3A_174 : memref<1x8x1x8x128xf32, #tpu.memory_space<hbm>> -> memref<8x8x128xf32, #tpu.memory_space<hbm>>
    %dma_wait3A_176 = arith.constant 0 : i32
    %dma_wait3A_177 = arith.constant 0 : i32
    %dma_wait3A_178 = arith.constant 0 : i32
    %dma_wait3A_179 = tpu.memref_slice %arg4[%dma_wait3A_166, %dma_wait3A_176, %add3A, %dma_wait3A_177, %dma_wait3A_178] : memref<200x8x32x8x128xf32, #tpu.memory_space<hbm>> -> memref<1x8x1x8x128xf32, #tpu.memory_space<hbm>>
    %dma_wait3A_180 = tpu.memref_squeeze %dma_wait3A_179 : memref<1x8x1x8x128xf32, #tpu.memory_space<hbm>> -> memref<8x8x128xf32, #tpu.memory_space<hbm>>
    %dma_wait3A_181 = arith.constant 0 : i32
    %dma_wait3A_182 = arith.constant 0 : i32
    %dma_wait3A_183 = arith.constant 0 : i32
    %dma_wait3A_184 = tpu.memref_slice %arg15[%dma_wait3A_181, %dma_wait3A_182, %dma_wait3A_183] : memref<8x8x129xf32, #tpu.memory_space<vmem>> -> memref<8x8x128xf32, #tpu.memory_space<vmem>>
    tpu.wait_dma2 semaphore(%arg25 : memref<!tpu.dma_semaphore, #tpu.memory_space<semaphore_mem>>) src(%dma_wait3A_184 : memref<8x8x128xf32, #tpu.memory_space<vmem>>) dst(%dma_wait3A_180 : memref<8x8x128xf32, #tpu.memory_space<hbm>>)
    return
  }
}

</mosaic_0001>

<sc_bundles>
// kernel: kernel.3.cloned.1.call-start
scs
__scs_entry_jumppad:
0x0: {  	(pc) =	sbr.rel $0x88, $3  }
0x1: {  	(tag) =	ssettag $0x0;
	lr =	simm.s32 $0x1  }
0x2: {  	[smem:$0x3F9F] =	sst lr;
	_ =	strace $0xD0000000  }
0x3: {  	_ = 	snop  }
0x4: {  	_ = 	snop  }
0x5: {  	_ = 	snop  }
0x6: {  	_ = 	snop  }
0x7: {  	_ = 	snop  }
__scs_overlays_trampoline_lowered:
0x8: {  	[smem:$0x3FAE] =	sst s0  }
0x9: {  	[smem:$0x3FAF] =	sst s1  }
0xa: {  	[smem:$0x3FB0] =	sst s2  }
0xb: {  	[smem:$0x3FB1] =	sst s3  }
0xc: {  	[smem:$0x3FB2] =	sst s4  }
0xd: {  	[smem:$0x3FB3] =	sst s5  }
0xe: {  	[smem:$0x3FB4] =	sst s6  }
0xf: {  	[smem:$0x3FB5] =	sst s7  }
0x10: {  	[smem:$0x3FB6] =	sst s8  }
0x11: {  	[smem:$0x3FB7] =	sst s9;
	s0 =	simm.s32 @!p0 $0x0  }
0x12: {  	s1 =	sld [smem:$0x3F9D];
	s0 =	simm.s32 @p0 $0x1  }
0x13: {  	[smem:$0x3FB8] =	sst s0;
	s0 =	simm.s32 @!p1 $0x0  }
0x14: {  	s2 =	sld [smem:$0x3F9C];
	s0 =	simm.s32 @p1 $0x1  }
0x15: {  	[smem:$0x3FB9] =	sst s0;
	s0 =	simm.s32 @!p2 $0x0  }
0x16: {  	s3 =	sld [smem:$0x3FDB];
	s0 =	simm.s32 @p2 $0x1  }
0x17: {  	s4 =	simm.s32 $0x1BF5;
	[smem:$0x3FBB] =	sst s0  }
0x18: {  	s0 =	sld [smem:$0x3F9E];
	_ =	swait.ge [sflag:s4], $0x0  }
0x19: {  	s7 =	sld [smem:$0x3F9F]  }
0x1a: {  	s8 =	sadd.s32 $0xFFFFE003, lr  }
0x1b: {  	s9 =	sadd.s32 $0xFFFFFEF7, lr;
	s5 =	simm.s32 $0xFFFFFFFF;
	p2 =	slt.u32 s8, $0xFFFFF086  }
0x1c: {  	p1 =	slt.u32 s9, $0xF7A;
	s5 =	simm.s32 @!p2 $0x0  }
0x1d: {  	s5 =	simm.s32 @p1 $0x1;
	p0 =	seq.s32 s7, s2  }
0x1e: {  	s7 =	smul.u32 @!p0 $0xF7A, s2;
	p2 =	seq.s32 @!p0 s5, $0x0  }
0x1f: {  	s9 =	smul.u32 $0xF7A, s1;
	s8 =	simm.s32 @!p0 $0x1BF5;
	p2 =	por !p2, p0  }
0x20: {  	[sflag:s8] =	ssyncset.s32 @!p0 $0xFFFFF086;
	s6 =	sadd.s32 @!p0 s3, s7;
	s7 =	simm.s32 @!p0 $0x108  }
0x21: {  	s3 =	sadd.s32 s3, s9;
	s6 =	sadd.s32 @!p0 $0x88, s6;
	s7 =	simm.s32 @p2 $0x1082  }
0x22: {  	[simem:s7], [sflag:s8] =	dma.local @!p0 [hbm:s6], $0xF7A  }
0x23: {  	s9 =	sor.u32 $0xD0000000, s2;
	s6 =	simm.s32 $0x108;
	_ =	swait.ge @!p0 [sflag:s8], $0x0  }
0x24: {  	s3 =	sadd.s32 $0x88, s3;
	s6 =	simm.s32 @!p1 $0x1082;
	[sflag:s4] =	ssyncset.s32 $0xFFFFF086  }
0x25: {  	[simem:s6], [sflag:s4] =	dma.local [hbm:s3], $0xF7A  }
0x26: {  	[smem:$0x3F9F] =	sst s1;
	(tag) =	ssettag s2;
	_ =	strace s9  }
0x27: {  	s1 =	sld [smem:$0x3FAF]  }
0x28: {  	s2 =	sld [smem:$0x3FB0]  }
0x29: {  	s4 =	sld [smem:$0x3FB2]  }
0x2a: {  	p0 =	seq.s32 s5, $0x0;
	s5 =	sld [smem:$0x3FB3]  }
0x2b: {  	s6 =	sld [smem:$0x3FB4]  }
0x2c: {  	s7 =	sld [smem:$0x3FB5]  }
0x2d: {  	s3 =	simm.s32 $0x108;
	s8 =	sld [smem:$0x3FB6]  }
0x2e: {  	s3 =	simm.s32 @!p0 $0x1082;
	s9 =	sld [smem:$0x3FB7]  }
0x2f: {  	lr =	sadd.s32 s0, s3;
	s0 =	sld [smem:$0x3FAE]  }
0x30: {  	s3 =	sld [smem:$0x3FB1]  }
0x31: {  	[smem:$0x3FBA] =	sst s10  }
0x32: {  	s10 =	sld [smem:$0x3FB8];
	_ =	sdelay $0x3  }
0x33: {  	p0 =	seq.s32 s10, $0x1;
	s10 =	sld [smem:$0x3FBA];
	_ =	sdelay $0x3  }
0x34: {  	[smem:$0x3FBA] =	sst s10  }
0x35: {  	s10 =	sld [smem:$0x3FB9];
	_ =	sdelay $0x3  }
0x36: {  	p1 =	seq.s32 s10, $0x1;
	s10 =	sld [smem:$0x3FBA];
	_ =	sdelay $0x3  }
0x37: {  	[smem:$0x3FBA] =	sst s10  }
0x38: {  	s10 =	sld [smem:$0x3FBB]  }
0x39: {  	_ = 	snop;
	(pc) =	sbr.ind lr, $3  }
0x3a: {  	_ = 	snop  }
0x3b: {  	_ = 	snop  }
0x3c: {  	p2 =	seq.s32 s10, $0x1;
	s10 =	sld [smem:$0x3FBA]  }
0x3d: {  	_ =	shalt  }
0x3e: {  	_ =	shalt  }
0x3f: {  	_ =	shalt  }
0x40: {  	_ =	shalt  }
0x41: {  	_ =	shalt  }
0x42: {  	_ =	shalt  }
0x43: {  	_ =	shalt  }
0x44: {  	_ =	shalt  }
0x45: {  	_ =	shalt  }
0x46: {  	_ =	shalt  }
0x47: {  	_ =	shalt  }
0x48: {  	_ =	shalt  }
0x49: {  	_ =	shalt  }
0x4a: {  	_ =	shalt  }
0x4b: {  	_ =	shalt  }
0x4c: {  	_ =	shalt  }
0x4d: {  	_ =	shalt  }
0x4e: {  	_ =	shalt  }
0x4f: {  	_ =	shalt  }
0x50: {  	_ =	shalt  }
0x51: {  	_ =	shalt  }
0x52: {  	_ =	shalt  }
0x53: {  	_ =	shalt  }
0x54: {  	_ =	shalt  }
0x55: {  	_ =	shalt  }
0x56: {  	_ =	shalt  }
0x57: {  	_ =	shalt  }
0x58: {  	_ =	shalt  }
0x59: {  	_ =	shalt  }
0x5a: {  	_ =	shalt  }
0x5b: {  	_ =	shalt  }
0x5c: {  	_ =	shalt  }
0x5d: {  	_ =	shalt  }
0x5e: {  	_ =	shalt  }
0x5f: {  	_ =	shalt  }
0x60: {  	_ =	shalt  }
0x61: {  	_ =	shalt  }
0x62: {  	_ =	shalt  }
0x63: {  	_ =	shalt  }
0x64: {  	_ =	shalt  }
0x65: {  	_ =	shalt  }
0x66: {  	_ =	shalt  }
0x67: {  	_ =	shalt  }
0x68: {  	_ =	shalt  }
0x69: {  	_ =	shalt  }
0x6a: {  	_ =	shalt  }
0x6b: {  	_ =	shalt  }
0x6c: {  	_ =	shalt  }
0x6d: {  	_ =	shalt  }
0x6e: {  	_ =	shalt  }
0x6f: {  	_ =	shalt  }
0x70: {  	_ =	shalt  }
0x71: {  	_ =	shalt  }
0x72: {  	_ =	shalt  }
0x73: {  	_ =	shalt  }
0x74: {  	_ =	shalt  }
0x75: {  	_ =	shalt  }
0x76: {  	_ =	shalt  }
0x77: {  	_ =	shalt  }
0x78: {  	_ =	shalt  }
0x79: {  	_ =	shalt  }
0x7a: {  	_ =	shalt  }
0x7b: {  	_ =	shalt  }
0x7c: {  	_ =	shalt  }
0x7d: {  	_ =	shalt  }
0x7e: {  	_ =	shalt  }
0x7f: {  	_ =	shalt  }
0x80: {  	_ =	shalt  }
0x81: {  	_ =	shalt  }
0x82: {  	_ =	shalt  }
0x83: {  	_ =	shalt  }
0x84: {  	_ =	shalt  }
0x85: {  	_ =	shalt  }
0x86: {  	_ =	shalt  }
0x87: {  	_ =	shalt  }
.Lfunc_end0:
.L_simem_size_0:
called_computation_lowered:
.L_overlay_start_0:
0x88: {  	s2 =	sld [smem:$0x3FD9]  }
0x89: {  	s3 =	sld [smem:$0x3FFE];
	_ =	sdelay $0x1  }
0x8a: {  	s1 =	srdreg.scid  }
0x8b: {  	s0 =	sand.u32 $0x1, s1  }
0x8c: {  	s17 =	sshll.u32 s0, $0xA;
	s2 =	sadd.s32 s3, s2  }
0x8d: {  	s2 =	sadd.s32 s2, s17  }
0x8e: {  	[smem:$0x3FC6] =	sst s2  }
0x8f: {  	_ = 	snop  }
0x90: {  	s2 =	sld [smem:$0x3FC9]  }
0x91: {  	s18 =	sld [smem:$0x3FD0];
	(tm) =	ssettm $0x1  }
0x92: {  	s4 =	sld [smem:$0x3FFB];
	_ =	sdelay $0x3  }
0x93: {  	_ =	strace s4  }
0x94: {  	s4 =	sld [smem:$0x3FFC];
	_ =	sdelay $0x3  }
0x95: {  	_ =	strace s4  }
0x96: {  	s4 =	sld [smem:$0x3FFD];
	_ =	sdelay $0x3  }
0x97: {  	_ =	strace s4  }
0x98: {  	_ =	strace $0x8FFFFFFF  }
0x99: {  	s19 =	sld [smem:$0x3FDB];
	_ =	sdelay $0x1  }
0x9a: {  	s5 =	simm.s32 $_scs_section_size  }
0x9b: {  	s6 =	simm.s32 $_size__tile_overlayer_lowered;
	s7 =	simm.s32 $_tile_overlayer_lowered  }
0x9c: {  	s22 =	simm.s32 $0x1BFF;
	s21 =	sshll.u32 s7, $0x1;
	s4 =	sadd.s32 s5, s19  }
0x9d: {  	s8 =	simm.s32 $0x0;
	s20 =	sshll.u32 s6, $0x1;
	s6 =	sadd.s32 s21, s4  }
0x9e: {  	[timem:s8], [sflag:s22] =	dma.local [hbm:s6], s20  }
0x9f: {  	_ =	swait.ge [sflag:s22], s20  }
0xa0: {  	s5 =	ssub.s32 $0x0, s20;
	[sflag:s22] =	ssyncset.done $0x0  }
0xa1: {  	[sflag:s22] =	ssyncadd.s32 s5;
	_ =	sdelay $0x1  }
0xa2: {  	s23 =	simm.s32 $0x1B8B  }
0xa3: {  	_ =	swait.ge [sflag:s23], $0x1  }
0xa4: {  	[sflag:s23] =	ssyncset.done $0x0  }
0xa5: {  	s25 =	simm.s32 $0x1B8E;
	s24 =	sld [smem:$0x3FFE];
	[sflag:s23] =	ssyncadd.s32 $0xFFFFFFFF  }
0xa6: {  	s26 =	simm.s32 $execute0_lowered;
	[smem:$0x3FD2] =	sst s25  }
0xa7: {  	s6 =	sshll.u32 s26, $0x1;
	_ =	strace $0x80000046;
	[dreg:$0x1] =	wrdreg $0xFFFFFFFF  }
0xa8: {  	s28 =	simm.s32 $_size_execute0_lowered;
	s4 =	sadd.s32 s4, s6;
	[dreg:$0x0] =	wrdreg $0x0  }
0xa9: {  	s6 =	sshll.u32 s28, $0x1;
	[dreg:$0x2] =	wrdreg s4  }
0xaa: {  	[dreg:$0x3] =	wrdreg s6  }
0xab: {  	[dreg:$0x4] =	wrdreg $0xC0  }
0xac: {  	_ =	task [dreg:s8], $0x5FFFF  }
0xad: {  	[dreg:$0x1] =	wrdreg $0xFFFFFFFF  }
0xae: {  	[dreg:$0x0] =	wrdreg $0x60  }
0xaf: {  	[dreg:$0x2] =	wrdreg s2  }
0xb0: {  	[dreg:$0x3] =	wrdreg s24  }
0xb1: {  	[dreg:$0x4] =	wrdreg s18  }
0xb2: {  	[dreg:$0x5] =	wrdreg $0x9  }
0xb3: {  	_ =	task.clear_ibuf [dreg:s8], $0x6FFFF;
	_ =	strace $0x90000046  }
0xb4: {  	s29 =	simm.s32 $0x9;
	_ =	strace $0x80000048  }
0xb5: {  	_ =	swait.ge [sflag:s29], $0x1  }
0xb6: {  	[sflag:s29] =	ssyncadd.s32 $0xFFFFFFFF  }
0xb7: {  	_ =	strace $0x90000048  }
0xb8: {  	_ =	sfence  }
0xb9: {  	s30 =	sld [smem:$0x0];
	_ =	sdelay $0x2  }
0xba: {  	s31 =	sshll.u32 s1, $0xD;
	s1 =	sshrl.u32 s1, $0x2  }
0xbb: {  	s3 =	sand.u32 $0x4000, s31;
	s1 =	sadd.s32 s1, s30  }
0xbc: {  	s0 =	sor.u32 s3, s0;
	s1 =	sshll.u32 s1, $0x11  }
0xbd: {  	s0 =	sor.u32 s1, s0  }
0xbe: {  	s0 =	sadd.s32 $0x8F2B, s0  }
0xbf: {  	[sflag:s0] =	ssyncadd.remote.s32 $0x1  }
0xc0: {  	_ =	sfence.sel $0xFFFF  }
0xc1: {  	[dreg:$0x0] =	wrdreg $0xFFFFFFFF;
	(pc) =	sbr.abs _section_cstart, $3  }
0xc2: {  	[dreg:$0x1] =	wrdreg $0xFFFFFFFF  }
0xc3: {  	_ =	task.clear_ibuf [dreg:s8], $0x2FFFF;
	_ =	strace $0x9FFFFFFF  }
0xc4: {  	(tm) =	ssettm $0x7FFFFFFF  }
0xc5: {  	_ =	shalt  }
tec
execute0_lowered:
.L_overlay_start_1:
0x0: {  	(tag) =	ssettag $0x1  }
0x1: {  	s0 =	rddreg [dreg:$0x0]  }
0x2: {  	s1 =	rddreg [dreg:$0x1]  }
0x3: {  	s2 =	rddreg [dreg:$0x2]  }
0x4: {  	s3 =	srdreg.scid;
	s5 =	stileid.u32  }
0x5: {  	s15 =	simm.s32 $0x80;
	s28 =	simm.s32 $0x7;
	s29 =	simm.s32 $0x12600  }
0x6: {  	s30 =	simm.s32 $0x3;
	s31 =	simm.s32 $0x8;
	s12 =	simm.s32 $0x9  }
0x7: {  	s13 =	simm.s32 $0x16A00;
	s18 =	simm.s32 $0x5;
	s20 =	simm.s32 $0xA  }
0x8: {  	s4 =	sand.u32 $0x1, s3;
	s3 =	simm.s32 $0x0;
	s5 =	sshll.u32 s5, $0xB  }
0x9: {  	s6 =	sshll.u32 s4, $0xA;
	[smem:$0x7FF] =	sst s3;
	s7 =	ssub.s32 $0x2, s4  }
0xa: {  	s4 =	sor.u32 s6, s5;
	_ =	strace $0x80000047;
	s22 =	sshrl.u32 s7, $0x1  }
0xb: {  	s5 =	sadd.s32 $0xF42800, s1;
	s1 =	simm.s32 $0x4;
	s8 =	sshrl.u32 s4, $0x3  }
0xc: {  	s23 =	ssub.s32 s7, s22;
	s24 =	sor.u32 $0x40000, s4;
	s25 =	sor.u32 $0x80000, s4  }
.Ltmp0:
0xd: {  	s9 =	sor.u32 $0xC0000, s4;
	s10 =	sor.u32 $0x100000, s4;
	(pc) =	sbr.rel .LBB2_1-.Ltmp0, $4  }
0xe: {  	v0 =	vlaneseq.u32;
	s22 =	simm.s32 $0x18C00;
	s7 =	simm.s32 $0x0;
	[dreg:$0x5] =	wrdreg s24  }
0xf: {  	v0 =	vmul.u32 $0x88, v0;
	s0 =	sadd.s32 s0, s8;
	[dreg:$0x6] =	wrdreg s25;
	s26 =	smax.u32 s23, $0x1  }
0x10: {  	s24 =	simm.s32 $0x1;
	s25 =	simm.s32 $0x10400;
	[dreg:$0x4] =	wrdreg s0  }
0x11: {  	v1 =	vadd.s32 $0x880, v0;
	v2 =	vadd.s32 $0x1100, v0;
	v3 =	vadd.s32 $0x1980, v0;
	[dreg:$0x7] =	wrdreg s26;
	s26 =	simm.s32 $0x2;
	s0 =	simm.s32 $0x14800  }
.LBB2_40:
0x12: {  	s6 =	simm.s32 $0x6  }
0x13: {  	_ =	swait.ge [sflag:s6], $0x2000  }
0x14: {  	[sflag:s6] =	ssyncset.done $0x0  }
0x15: {  	[sflag:s6] =	ssyncadd.s32 $0xFFFFE000  }
0x16: {  	_ =	swait.ge [sflag:s28], $0x2000  }
0x17: {  	[sflag:s28] =	ssyncset.done $0x0  }
0x18: {  	[sflag:s28] =	ssyncadd.s32 $0xFFFFE000  }
0x19: {  	_ =	swait.ge [sflag:s31], $0x2000  }
0x1a: {  	[sflag:s31] =	ssyncset.done $0x0  }
0x1b: {  	[sflag:s31] =	ssyncadd.s32 $0xFFFFE000  }
0x1c: {  	_ =	swait.ge [sflag:s12], $0x2000  }
0x1d: {  	[sflag:s12] =	ssyncset.done $0x0  }
0x1e: {  	[sflag:s12] =	ssyncadd.s32 $0xFFFFE000  }
0x1f: {  	_ =	swait.ge [sflag:s20], $0x2000  }
0x20: {  	s7 =	rddreg [dreg:$0x8]  }
0x21: {  	s23 =	rddreg [dreg:$0x7];
	s7 =	sadd.s32 $0x1, s7  }
0x22: {  	p0 =	sne.s32 s7, s23  }
.Ltmp1:
0x23: {  	_ = 	snop;
	(pc) =	sbr.rel @!p0 .LBB2_41-.Ltmp1, $3  }
0x24: {  	_ =	sdelay $0x1  }
0x25: {  	[sflag:s20] =	ssyncset.done $0x0  }
0x26: {  	[sflag:s20] =	ssyncadd.s32 $0xFFFFE000  }
.LBB2_1:
0x27: {  	[dreg:$0x8] =	wrdreg s7  }
0x28: {  	s6 =	rddreg [dreg:$0x4]  }
0x29: {  	s23 =	simm.s32 $0x400;
	s8 =	simm.s32 $0x8000;
	s7 =	simm.s32 $0xB  }
0x2a: {  	[tilespmem:s3], [sflag:$0xB] =	stream.strided.gather [hbm4b:s6+s23], $0x6400, s8, s23, $0x38;
	[tilespmem:$0x1AE00] =	vst v63  }
0x2b: {  	_ =	swait.ge [sflag:s7], $0x6400  }
0x2c: {  	[sflag:s7] =	ssyncset.done $0x0  }
0x2d: {  	s8 =	simm.s32 $0x6400;
	[sflag:s7] =	ssyncadd.s32 $0xFFFF9C00  }
0x2e: {  	[tilespmem:s8], [sflag:$0x1] =	stream.indirect.gather [hbm4b:s5+s15], $0x40, s3, s15, $0xb8;
	[tilespmem:$0x1AE00] =	vst v63  }
0x2f: {  	s11 =	simm.s32 $0x8400  }
0x30: {  	[tilespmem:s11], [sflag:$0x2] =	stream.indirect.gather [hbm4b:s5+s15], $0x40, s15, s15, $0xb8;
	[tilespmem:$0x1AE00] =	vst v63  }
0x31: {  	s14 =	simm.s32 $0x100;
	s16 =	simm.s32 $0xA400  }
0x32: {  	[tilespmem:s16], [sflag:$0x3] =	stream.indirect.gather [hbm4b:s5+s15], $0x40, s14, s15, $0xb8;
	[tilespmem:$0x1AE00] =	vst v63  }
0x33: {  	s17 =	simm.s32 $0x180;
	s19 =	simm.s32 $0xC400  }
0x34: {  	[tilespmem:s19], [sflag:$0x4] =	stream.indirect.gather [hbm4b:s5+s15], $0x40, s17, s15, $0xb8;
	[tilespmem:$0x1AE00] =	vst v63  }
0x35: {  	s21 =	simm.s32 $0x200;
	s23 =	simm.s32 $0xE400;
	s14 =	simm.s32 $0x0  }
0x36: {  	[tilespmem:s23], [sflag:$0x5] =	stream.indirect.gather [hbm4b:s5+s15], $0x40, s21, s15, $0xb8;
	[tilespmem:$0x1AE00] =	vst v63  }
.LBB2_2:
0x37: {  	_ =	swait.ge [sflag:s24], $0x2000  }
0x38: {  	p0 =	seq.s32 s14, $0x0;
	[sflag:s24] =	ssyncset.done $0x0  }
0x39: {  	s6 =	simm.s32 @!p0 $0x6;
	[sflag:s24] =	ssyncadd.s32 $0xFFFFE000  }
0x3a: {  	s11 =	simm.s32 $0x0;
	_ =	swait.ge @!p0 [sflag:s6], $0x2000  }
0x3b: {  	v4 =	vmov s11;
	[sflag:s6] =	ssyncset.done @!p0 $0x0  }
0x3c: {  	s11 =	simm.s32 $0x6480;
	v4 =	vand.u32 $0x7C, v4;
	[sflag:s6] =	ssyncadd.s32 @!p0 $0xFFFFE000  }
0x3d: {  	v6 =	vadd.s32 v0, v4;
	v5 =	vld [tilespmem:s11+$0xFFFFFF80];
	_ =	sdelay $0x4  }
0x3e: {  	[tilespmem:v6+s25+$0x0] =	vst.idx.msk $0xffff, v5  }
0x3f: {  	v6 =	vadd.s32 v1, v4;
	v5 =	vld [tilespmem:s11+$0xFFFFFF90];
	_ =	sdelay $0x4  }
0x40: {  	[tilespmem:v6+s25+$0x0] =	vst.idx.msk $0xffff, v5  }
0x41: {  	v6 =	vadd.s32 v2, v4;
	v5 =	vld [tilespmem:s11+$0xFFFFFFA0];
	_ =	sdelay $0x4  }
0x42: {  	[tilespmem:v6+s25+$0x0] =	vst.idx.msk $0xffff, v5  }
0x43: {  	v4 =	vadd.s32 v3, v4;
	v5 =	vld [tilespmem:s11+$0xFFFFFFB0];
	_ =	sdelay $0x2  }
0x44: {  	s19 =	simm.s32 $0x1  }
0x45: {  	v6 =	vmov s19  }
0x46: {  	[tilespmem:v4+s25+$0x0] =	vst.idx.msk $0xffff, v5;
	v4 =	vand.u32 $0x7D, v6  }
0x47: {  	v5 =	vld [tilespmem:s11+$0xFFFFFFC0];
	v6 =	vadd.s32 v0, v4;
	_ =	sdelay $0x4  }
0x48: {  	[tilespmem:v6+s25+$0x0] =	vst.idx.msk $0xffff, v5  }
0x49: {  	v6 =	vadd.s32 v1, v4;
	v5 =	vld [tilespmem:s11+$0xFFFFFFD0];
	_ =	sdelay $0x4  }
0x4a: {  	[tilespmem:v6+s25+$0x0] =	vst.idx.msk $0xffff, v5  }
0x4b: {  	v6 =	vadd.s32 v2, v4;
	v5 =	vld [tilespmem:s11+$0xFFFFFFE0];
	_ =	sdelay $0x4  }
0x4c: {  	[tilespmem:v6+s25+$0x0] =	vst.idx.msk $0xffff, v5  }
0x4d: {  	v4 =	vadd.s32 v3, v4;
	v5 =	vld [tilespmem:s11+$0xFFFFFFF0];
	_ =	sdelay $0x2  }
0x4e: {  	s21 =	simm.s32 $0x2  }
0x4f: {  	v6 =	vmov s21  }
0x50: {  	[tilespmem:v4+s25+$0x0] =	vst.idx.msk $0xffff, v5;
	v4 =	vand.u32 $0x7E, v6  }
0x51: {  	v5 =	vld [tilespmem:s11+$0x0];
	v6 =	vadd.s32 v0, v4;
	_ =	sdelay $0x4  }
0x52: {  	[tilespmem:v6+s25+$0x0] =	vst.idx.msk $0xffff, v5  }
0x53: {  	v6 =	vadd.s32 v1, v4;
	v5 =	vld [tilespmem:s11+$0x10];
	_ =	sdelay $0x4  }
0x54: {  	[tilespmem:v6+s25+$0x0] =	vst.idx.msk $0xffff, v5  }
0x55: {  	v6 =	vadd.s32 v2, v4;
	v5 =	vld [tilespmem:s11+$0x20];
	_ =	sdelay $0x4  }
0x56: {  	[tilespmem:v6+s25+$0x0] =	vst.idx.msk $0xffff, v5  }
0x57: {  	v4 =	vadd.s32 v3, v4;
	v5 =	vld [tilespmem:s11+$0x30];
	_ =	sdelay $0x2  }
0x58: {  	s23 =	simm.s32 $0x3  }
0x59: {  	v6 =	vmov s23  }
0x5a: {  	[tilespmem:v4+s25+$0x0] =	vst.idx.msk $0xffff, v5;
	v5 =	vand.u32 $0x7F, v6  }
0x5b: {  	v4 =	vld [tilespmem:s11+$0x40];
	v6 =	vadd.s32 v0, v5;
	_ =	sdelay $0x4  }
0x5c: {  	[tilespmem:v6+s25+$0x0] =	vst.idx.msk $0xffff, v4  }
0x5d: {  	v6 =	vadd.s32 v1, v5;
	v4 =	vld [tilespmem:s11+$0x50];
	_ =	sdelay $0x4  }
0x5e: {  	[tilespmem:v6+s25+$0x0] =	vst.idx.msk $0xffff, v4  }
0x5f: {  	v6 =	vadd.s32 v2, v5;
	v4 =	vld [tilespmem:s11+$0x60];
	_ =	sdelay $0x4  }
0x60: {  	[tilespmem:v6+s25+$0x0] =	vst.idx.msk $0xffff, v4  }
0x61: {  	v5 =	vadd.s32 v3, v5;
	v4 =	vld [tilespmem:s11+$0x70];
	_ =	sdelay $0x2  }
0x62: {  	s16 =	simm.s32 $0x4  }
0x63: {  	s17 =	simm.s32 $0x8;
	s6 =	smul.u32 $0x5, s14;
	v6 =	vmov s16  }
.LBB2_3:
0x64: {  	p1 =	sne.s32 s17, $0x7C;
	v6 =	vand.u32 $0x7C, v6;
	[tilespmem:v5+s25+$0x0] =	vst.idx.msk $0xffff, v4;
	s11 =	sadd.s32 $0x100, s11  }
0x65: {  	v4 =	vld [tilespmem:s11+$0xFFFFFF80];
	v5 =	vadd.s32 v0, v6;
	_ =	sdelay $0x4  }
0x66: {  	[tilespmem:v5+s25+$0x0] =	vst.idx.msk $0xffff, v4  }
0x67: {  	v5 =	vadd.s32 v1, v6;
	v4 =	vld [tilespmem:s11+$0xFFFFFF90];
	_ =	sdelay $0x4  }
0x68: {  	[tilespmem:v5+s25+$0x0] =	vst.idx.msk $0xffff, v4  }
0x69: {  	v5 =	vadd.s32 v2, v6;
	v4 =	vld [tilespmem:s11+$0xFFFFFFA0];
	_ =	sdelay $0x4  }
0x6a: {  	[tilespmem:v5+s25+$0x0] =	vst.idx.msk $0xffff, v4  }
0x6b: {  	v5 =	vadd.s32 v3, v6;
	v4 =	vld [tilespmem:s11+$0xFFFFFFB0];
	_ =	sdelay $0x2  }
0x6c: {  	s19 =	sadd.s32 $0x1, s16  }
0x6d: {  	v6 =	vmov s19  }
0x6e: {  	[tilespmem:v5+s25+$0x0] =	vst.idx.msk $0xffff, v4;
	v4 =	vand.u32 $0x7D, v6  }
0x6f: {  	v5 =	vld [tilespmem:s11+$0xFFFFFFC0];
	v6 =	vadd.s32 v0, v4;
	_ =	sdelay $0x4  }
0x70: {  	[tilespmem:v6+s25+$0x0] =	vst.idx.msk $0xffff, v5  }
0x71: {  	v6 =	vadd.s32 v1, v4;
	v5 =	vld [tilespmem:s11+$0xFFFFFFD0];
	_ =	sdelay $0x4  }
0x72: {  	[tilespmem:v6+s25+$0x0] =	vst.idx.msk $0xffff, v5  }
0x73: {  	v6 =	vadd.s32 v2, v4;
	v5 =	vld [tilespmem:s11+$0xFFFFFFE0];
	_ =	sdelay $0x4  }
0x74: {  	[tilespmem:v6+s25+$0x0] =	vst.idx.msk $0xffff, v5  }
0x75: {  	v4 =	vadd.s32 v3, v4;
	v5 =	vld [tilespmem:s11+$0xFFFFFFF0];
	_ =	sdelay $0x2  }
0x76: {  	s19 =	sadd.s32 $0x2, s16  }
0x77: {  	v6 =	vmov s19  }
0x78: {  	[tilespmem:v4+s25+$0x0] =	vst.idx.msk $0xffff, v5;
	v4 =	vand.u32 $0x7E, v6  }
0x79: {  	v5 =	vld [tilespmem:s11+$0x0];
	v6 =	vadd.s32 v0, v4;
	_ =	sdelay $0x4  }
0x7a: {  	[tilespmem:v6+s25+$0x0] =	vst.idx.msk $0xffff, v5  }
0x7b: {  	v6 =	vadd.s32 v1, v4;
	v5 =	vld [tilespmem:s11+$0x10];
	_ =	sdelay $0x4  }
0x7c: {  	[tilespmem:v6+s25+$0x0] =	vst.idx.msk $0xffff, v5  }
0x7d: {  	v6 =	vadd.s32 v2, v4;
	v5 =	vld [tilespmem:s11+$0x20];
	_ =	sdelay $0x4  }
0x7e: {  	[tilespmem:v6+s25+$0x0] =	vst.idx.msk $0xffff, v5  }
0x7f: {  	v4 =	vadd.s32 v3, v4;
	v5 =	vld [tilespmem:s11+$0x30];
	_ =	sdelay $0x2  }
0x80: {  	s19 =	sadd.s32 $0x3, s16;
	s16 =	smov.u32 s17  }
0x81: {  	v6 =	vmov s19  }
0x82: {  	[tilespmem:v4+s25+$0x0] =	vst.idx.msk $0xffff, v5;
	v5 =	vand.u32 $0x7F, v6  }
0x83: {  	v4 =	vld [tilespmem:s11+$0x40];
	v6 =	vadd.s32 v0, v5;
	_ =	sdelay $0x4  }
0x84: {  	[tilespmem:v6+s25+$0x0] =	vst.idx.msk $0xffff, v4  }
0x85: {  	v6 =	vadd.s32 v1, v5;
	v4 =	vld [tilespmem:s11+$0x50];
	_ =	sdelay $0x4  }
0x86: {  	[tilespmem:v6+s25+$0x0] =	vst.idx.msk $0xffff, v4  }
0x87: {  	v6 =	vadd.s32 v2, v5;
	v4 =	vld [tilespmem:s11+$0x60];
	_ =	sdelay $0x4  }
0x88: {  	[tilespmem:v6+s25+$0x0] =	vst.idx.msk $0xffff, v4  }
.Ltmp2:
0x89: {  	v5 =	vadd.s32 v3, v5;
	v4 =	vld [tilespmem:s11+$0x70];
	(pc) =	sbr.rel @p1 .LBB2_3-.Ltmp2, $2  }
0x8a: {  	_ =	sdelay $0x2  }
0x8b: {  	s17 =	sadd.s32 $0x4, s17;
	v6 =	vmov s16  }
0x8c: {  	_ =	sdelay $0x3  }
0x8d: {  	v6 =	vand.u32 $0x7C, v6;
	[tilespmem:v5+s25+$0x0] =	vst.idx.msk $0xffff, v4;
	s11 =	sadd.s32 $0x100, s11  }
0x8e: {  	v4 =	vld [tilespmem:s11+$0xFFFFFF80];
	v5 =	vadd.s32 v0, v6;
	_ =	sdelay $0x4  }
0x8f: {  	[tilespmem:v5+s25+$0x0] =	vst.idx.msk $0xffff, v4  }
0x90: {  	v5 =	vadd.s32 v1, v6;
	v4 =	vld [tilespmem:s11+$0xFFFFFF90];
	_ =	sdelay $0x4  }
0x91: {  	[tilespmem:v5+s25+$0x0] =	vst.idx.msk $0xffff, v4  }
0x92: {  	v5 =	vadd.s32 v2, v6;
	v4 =	vld [tilespmem:s11+$0xFFFFFFA0];
	_ =	sdelay $0x4  }
0x93: {  	[tilespmem:v5+s25+$0x0] =	vst.idx.msk $0xffff, v4  }
0x94: {  	v5 =	vadd.s32 v3, v6;
	v4 =	vld [tilespmem:s11+$0xFFFFFFB0];
	_ =	sdelay $0x2  }
0x95: {  	s17 =	sadd.s32 $0x1, s16  }
0x96: {  	v55 =	vmov s17  }
0x97: {  	[tilespmem:v5+s25+$0x0] =	vst.idx.msk $0xffff, v4;
	v4 =	vand.u32 $0x7D, v55  }
0x98: {  	v5 =	vld [tilespmem:s11+$0xFFFFFFC0];
	v6 =	vadd.s32 v0, v4;
	_ =	sdelay $0x4  }
0x99: {  	[tilespmem:v6+s25+$0x0] =	vst.idx.msk $0xffff, v5  }
0x9a: {  	v56 =	vadd.s32 v1, v4;
	v5 =	vld [tilespmem:s11+$0xFFFFFFD0];
	_ =	sdelay $0x4  }
0x9b: {  	[tilespmem:v56+s25+$0x0] =	vst.idx.msk $0xffff, v5  }
0x9c: {  	v57 =	vadd.s32 v2, v4;
	v5 =	vld [tilespmem:s11+$0xFFFFFFE0];
	_ =	sdelay $0x4  }
0x9d: {  	[tilespmem:v57+s25+$0x0] =	vst.idx.msk $0xffff, v5  }
0x9e: {  	v4 =	vadd.s32 v3, v4;
	v5 =	vld [tilespmem:s11+$0xFFFFFFF0];
	_ =	sdelay $0x2  }
0x9f: {  	s19 =	sadd.s32 $0x2, s16  }
0xa0: {  	v58 =	vmov s19  }
0xa1: {  	[tilespmem:v4+s25+$0x0] =	vst.idx.msk $0xffff, v5;
	v4 =	vand.u32 $0x7E, v58  }
0xa2: {  	v5 =	vld [tilespmem:s11+$0x0];
	v6 =	vadd.s32 v0, v4;
	_ =	sdelay $0x4  }
0xa3: {  	[tilespmem:v6+s25+$0x0] =	vst.idx.msk $0xffff, v5  }
0xa4: {  	v59 =	vadd.s32 v1, v4;
	v5 =	vld [tilespmem:s11+$0x10];
	_ =	sdelay $0x4  }
0xa5: {  	[tilespmem:v59+s25+$0x0] =	vst.idx.msk $0xffff, v5  }
0xa6: {  	v60 =	vadd.s32 v2, v4;
	v5 =	vld [tilespmem:s11+$0x20];
	_ =	sdelay $0x4  }
0xa7: {  	[tilespmem:v60+s25+$0x0] =	vst.idx.msk $0xffff, v5  }
0xa8: {  	v4 =	vadd.s32 v3, v4;
	v5 =	vld [tilespmem:s11+$0x30];
	_ =	sdelay $0x2  }
0xa9: {  	s21 =	sadd.s32 $0x3, s16  }
0xaa: {  	v61 =	vmov s21  }
0xab: {  	[tilespmem:v4+s25+$0x0] =	vst.idx.msk $0xffff, v5;
	v4 =	vand.u32 $0x7F, v61  }
0xac: {  	v5 =	vld [tilespmem:s11+$0x40];
	v6 =	vadd.s32 v0, v4;
	_ =	sdelay $0x4  }
0xad: {  	[tilespmem:v6+s25+$0x0] =	vst.idx.msk $0xffff, v5  }
0xae: {  	v62 =	vadd.s32 v1, v4;
	v5 =	vld [tilespmem:s11+$0x50];
	_ =	sdelay $0x4  }
0xaf: {  	[tilespmem:v62+s25+$0x0] =	vst.idx.msk $0xffff, v5  }
0xb0: {  	v63 =	vadd.s32 v2, v4;
	v5 =	vld [tilespmem:s11+$0x60];
	_ =	sdelay $0x4  }
0xb1: {  	[tilespmem:v63+s25+$0x0] =	vst.idx.msk $0xffff, v5  }
0xb2: {  	v4 =	vadd.s32 v3, v4;
	v5 =	vld [tilespmem:s11+$0x70]  }
0xb3: {  	s11 =	smul.u32 $0x140000, s14;
	_ =	sdelay $0x1  }
0xb4: {  	s23 =	sor.u32 s4, s11  }
0xb5: {  	s16 =	sshrl.u32 s23, $0x3  }
0xb6: {  	s7 =	simm.s32 $0x10400;
	s17 =	sadd.s32 s2, s16;
	[tilespmem:v4+s25+$0x0] =	vst.idx.msk $0xffff, v5  }
0xb7: {  	[hbm4b:s17+s3] =	stream.linear.scatter [tilespmem:s7], [sflag:$0x6], $0x80, $0x38;
	[tilespmem:$0x1AE00] =	vst v63  }
0xb8: {  	s8 =	simm.s32 $0x10488;
	s19 =	sadd.s32 $0x10, s17  }
0xb9: {  	[hbm4b:s19+s3] =	stream.linear.scatter [tilespmem:s8], [sflag:$0x6], $0x80, $0x38;
	[tilespmem:$0x1AE00] =	vst v63  }
0xba: {  	s21 =	simm.s32 $0x10510;
	s23 =	sadd.s32 $0x20, s17  }
0xbb: {  	[hbm4b:s23+s3] =	stream.linear.scatter [tilespmem:s21], [sflag:$0x6], $0x80, $0x38;
	[tilespmem:$0x1AE00] =	vst v63  }
0xbc: {  	s7 =	simm.s32 $0x10598;
	s8 =	sadd.s32 $0x30, s17  }
0xbd: {  	[hbm4b:s8+s3] =	stream.linear.scatter [tilespmem:s7], [sflag:$0x6], $0x80, $0x38;
	[tilespmem:$0x1AE00] =	vst v63  }
0xbe: {  	s21 =	simm.s32 $0x10620;
	s23 =	sadd.s32 $0x40, s17  }
0xbf: {  	[hbm4b:s23+s3] =	stream.linear.scatter [tilespmem:s21], [sflag:$0x6], $0x80, $0x38;
	[tilespmem:$0x1AE00] =	vst v63  }
0xc0: {  	s16 =	simm.s32 $0x440;
	s7 =	simm.s32 $0x106A8;
	s8 =	sadd.s32 $0x50, s17  }
0xc1: {  	[hbm4b:s8+s3] =	stream.linear.scatter [tilespmem:s7], [sflag:$0x6], $0x80, $0x38;
	[tilespmem:$0x1AE00] =	vst v63  }
0xc2: {  	s19 =	simm.s32 $0x2200;
	s21 =	simm.s32 $0x10730;
	s23 =	sadd.s32 $0x60, s17  }
0xc3: {  	[hbm4b:s23+s3] =	stream.linear.scatter [tilespmem:s21], [sflag:$0x6], $0x80, $0x38;
	[tilespmem:$0x1AE00] =	vst v63  }
0xc4: {  	s21 =	simm.s32 $0x107B8;
	s23 =	sadd.s32 $0x70, s17;
	s17 =	sadd.s32 $0x1000, s17  }
.LBB2_5:
0xc5: {  	[hbm4b:s23+s3] =	stream.linear.scatter [tilespmem:s21], [sflag:$0x6], $0x80, $0x38;
	[tilespmem:$0x1AE00] =	vst v63  }
0xc6: {  	s21 =	smov.u32 s16;
	s16 =	smov.u32 s19  }
0xc7: {  	s7 =	sadd.s32 $0x1100, s19;
	s16 =	sshra.s32 s16, $0x2;
	s23 =	sadd.s32 $0x10400, s21  }
0xc8: {  	[hbm4b:s17+s3] =	stream.linear.scatter [tilespmem:s23], [sflag:$0x6], $0x80, $0x38;
	[tilespmem:$0x1AE00] =	vst v63  }
0xc9: {  	p1 =	sne.s32 s19, $0x7700;
	s19 =	sadd.s32 $0x10488, s21;
	s23 =	sadd.s32 $0x10, s17  }
0xca: {  	[hbm4b:s23+s3] =	stream.linear.scatter [tilespmem:s19], [sflag:$0x6], $0x80, $0x38;
	[tilespmem:$0x1AE00] =	vst v63  }
0xcb: {  	s19 =	sadd.s32 $0x10510, s21;
	s23 =	sadd.s32 $0x20, s17  }
0xcc: {  	[hbm4b:s23+s3] =	stream.linear.scatter [tilespmem:s19], [sflag:$0x6], $0x80, $0x38;
	[tilespmem:$0x1AE00] =	vst v63  }
0xcd: {  	s19 =	sadd.s32 $0x10598, s21;
	s23 =	sadd.s32 $0x30, s17  }
0xce: {  	[hbm4b:s23+s3] =	stream.linear.scatter [tilespmem:s19], [sflag:$0x6], $0x80, $0x38;
	[tilespmem:$0x1AE00] =	vst v63  }
0xcf: {  	s19 =	sadd.s32 $0x10620, s21;
	s23 =	sadd.s32 $0x40, s17  }
0xd0: {  	[hbm4b:s23+s3] =	stream.linear.scatter [tilespmem:s19], [sflag:$0x6], $0x80, $0x38;
	[tilespmem:$0x1AE00] =	vst v63  }
.Ltmp3:
0xd1: {  	s19 =	sadd.s32 $0x106A8, s21;
	s23 =	sadd.s32 $0x50, s17;
	(pc) =	sbr.rel @p1 .LBB2_5-.Ltmp3, $4  }
0xd2: {  	[hbm4b:s23+s3] =	stream.linear.scatter [tilespmem:s19], [sflag:$0x6], $0x80, $0x38;
	[tilespmem:$0x1AE00] =	vst v63  }
0xd3: {  	s19 =	sadd.s32 $0x10730, s21;
	s23 =	sadd.s32 $0x60, s17;
	s21 =	sadd.s32 $0x107B8, s21  }
0xd4: {  	[hbm4b:s23+s3] =	stream.linear.scatter [tilespmem:s19], [sflag:$0x6], $0x80, $0x38;
	[tilespmem:$0x1AE00] =	vst v63  }
0xd5: {  	s23 =	sadd.s32 $0x70, s17;
	s17 =	sadd.s32 $0x1000, s17;
	s19 =	smov.u32 s7  }
0xd6: {  	[hbm4b:s23+s3] =	stream.linear.scatter [tilespmem:s21], [sflag:$0x6], $0x80, $0x38;
	[tilespmem:$0x1AE00] =	vst v63  }
0xd7: {  	s7 =	sadd.s32 $0x10400, s16  }
0xd8: {  	[hbm4b:s17+s3] =	stream.linear.scatter [tilespmem:s7], [sflag:$0x6], $0x80, $0x38;
	[tilespmem:$0x1AE00] =	vst v63  }
0xd9: {  	s21 =	sadd.s32 $0x10488, s16;
	s19 =	sadd.s32 $0x10, s17  }
0xda: {  	[hbm4b:s19+s3] =	stream.linear.scatter [tilespmem:s21], [sflag:$0x6], $0x80, $0x38;
	[tilespmem:$0x1AE00] =	vst v63  }
0xdb: {  	s23 =	sadd.s32 $0x10510, s16;
	s8 =	sadd.s32 $0x20, s17  }
0xdc: {  	[hbm4b:s8+s3] =	stream.linear.scatter [tilespmem:s23], [sflag:$0x6], $0x80, $0x38;
	[tilespmem:$0x1AE00] =	vst v63  }
0xdd: {  	s19 =	sadd.s32 $0x10598, s16;
	s21 =	sadd.s32 $0x30, s17  }
0xde: {  	[hbm4b:s21+s3] =	stream.linear.scatter [tilespmem:s19], [sflag:$0x6], $0x80, $0x38;
	[tilespmem:$0x1AE00] =	vst v63  }
0xdf: {  	s23 =	sadd.s32 $0x10620, s16;
	s8 =	sadd.s32 $0x40, s17  }
0xe0: {  	[hbm4b:s8+s3] =	stream.linear.scatter [tilespmem:s23], [sflag:$0x6], $0x80, $0x38;
	[tilespmem:$0x1AE00] =	vst v63  }
0xe1: {  	p1 =	sne.s32 s14, $0x27;
	s19 =	sadd.s32 $0x106A8, s16;
	s21 =	sadd.s32 $0x50, s17  }
0xe2: {  	[hbm4b:s21+s3] =	stream.linear.scatter [tilespmem:s19], [sflag:$0x6], $0x80, $0x38;
	[tilespmem:$0x1AE00] =	vst v63  }
.Ltmp4:
0xe3: {  	_ = 	snop;
	(pc) =	sbr.rel @p1 .LBB2_8-.Ltmp4, $4  }
0xe4: {  	s23 =	sadd.s32 $0x10730, s16;
	s8 =	sadd.s32 $0x60, s17  }
0xe5: {  	[hbm4b:s8+s3] =	stream.linear.scatter [tilespmem:s23], [sflag:$0x6], $0x80, $0x38;
	[tilespmem:$0x1AE00] =	vst v63  }
0xe6: {  	s21 =	sadd.s32 $0x107B8, s16;
	s23 =	sadd.s32 $0x70, s17  }
0xe7: {  	[hbm4b:s23+s3] =	stream.linear.scatter [tilespmem:s21], [sflag:$0x6], $0x80, $0x38;
	[tilespmem:$0x1AE00] =	vst v63  }
.Ltmp5:
0xe8: {  	(pc) =	sbr.rel .LBB2_9-.Ltmp5, $4  }
0xe9: {  	_ = 	snop  }
0xea: {  	_ =	swait.ge [sflag:s26], $0x2000  }
0xeb: {  	[sflag:s26] =	ssyncset.done $0x0  }
0xec: {  	[sflag:s26] =	ssyncadd.s32 $0xFFFFE000  }
.LBB2_8:
0xed: {  	s7 =	sshll.u32 s6, $0x7  }
0xee: {  	s7 =	sadd.s32 $0x280, s7  }
.Ltmp6:
0xef: {  	s8 =	simm.s32 $0x6400;
	s7 =	sand.u32 $0x1FF80, s7;
	(pc) =	sbr.rel @p0 .LBB2_10-.Ltmp6, $4  }
0xf0: {  	[tilespmem:s8], [sflag:$0x1] =	stream.indirect.gather [hbm4b:s5+s15], $0x40, s7, s15, $0xb8;
	[tilespmem:$0x1AE00] =	vst v63  }
0xf1: {  	_ =	swait.ge [sflag:s26], $0x2000  }
0xf2: {  	[sflag:s26] =	ssyncset.done $0x0  }
0xf3: {  	[sflag:s26] =	ssyncadd.s32 $0xFFFFE000  }
.LBB2_9:
0xf4: {  	_ =	swait.ge [sflag:s28], $0x2000  }
0xf5: {  	[sflag:s28] =	ssyncset.done $0x0  }
0xf6: {  	[sflag:s28] =	ssyncadd.s32 $0xFFFFE000  }
.LBB2_10:
0xf7: {  	s7 =	simm.s32 $0x0  }
0xf8: {  	v4 =	vmov s7  }
0xf9: {  	s16 =	simm.s32 $0x8480;
	v4 =	vand.u32 $0x7C, v4  }
0xfa: {  	v5 =	vld [tilespmem:s16+$0xFFFFFF80];
	v6 =	vadd.s32 v0, v4;
	_ =	sdelay $0x4  }
0xfb: {  	[tilespmem:v6+s29+$0x0] =	vst.idx.msk $0xffff, v5  }
0xfc: {  	v6 =	vadd.s32 v1, v4;
	v5 =	vld [tilespmem:s16+$0xFFFFFF90];
	_ =	sdelay $0x4  }
0xfd: {  	[tilespmem:v6+s29+$0x0] =	vst.idx.msk $0xffff, v5  }
0xfe: {  	v6 =	vadd.s32 v2, v4;
	v5 =	vld [tilespmem:s16+$0xFFFFFFA0];
	_ =	sdelay $0x4  }
0xff: {  	[tilespmem:v6+s29+$0x0] =	vst.idx.msk $0xffff, v5  }
0x100: {  	v4 =	vadd.s32 v3, v4;
	v5 =	vld [tilespmem:s16+$0xFFFFFFB0];
	_ =	sdelay $0x2  }
0x101: {  	s19 =	simm.s32 $0x1  }
0x102: {  	v6 =	vmov s19  }
0x103: {  	[tilespmem:v4+s29+$0x0] =	vst.idx.msk $0xffff, v5;
	v4 =	vand.u32 $0x7D, v6  }
0x104: {  	v5 =	vld [tilespmem:s16+$0xFFFFFFC0];
	v6 =	vadd.s32 v0, v4;
	_ =	sdelay $0x4  }
0x105: {  	[tilespmem:v6+s29+$0x0] =	vst.idx.msk $0xffff, v5  }
0x106: {  	v6 =	vadd.s32 v1, v4;
	v5 =	vld [tilespmem:s16+$0xFFFFFFD0];
	_ =	sdelay $0x4  }
0x107: {  	[tilespmem:v6+s29+$0x0] =	vst.idx.msk $0xffff, v5  }
0x108: {  	v6 =	vadd.s32 v2, v4;
	v5 =	vld [tilespmem:s16+$0xFFFFFFE0];
	_ =	sdelay $0x4  }
0x109: {  	[tilespmem:v6+s29+$0x0] =	vst.idx.msk $0xffff, v5  }
0x10a: {  	v4 =	vadd.s32 v3, v4;
	v5 =	vld [tilespmem:s16+$0xFFFFFFF0];
	_ =	sdelay $0x2  }
0x10b: {  	s21 =	simm.s32 $0x2  }
0x10c: {  	v6 =	vmov s21  }
0x10d: {  	[tilespmem:v4+s29+$0x0] =	vst.idx.msk $0xffff, v5;
	v4 =	vand.u32 $0x7E, v6  }
0x10e: {  	v5 =	vld [tilespmem:s16+$0x0];
	v6 =	vadd.s32 v0, v4;
	_ =	sdelay $0x4  }
0x10f: {  	[tilespmem:v6+s29+$0x0] =	vst.idx.msk $0xffff, v5  }
0x110: {  	v6 =	vadd.s32 v1, v4;
	v5 =	vld [tilespmem:s16+$0x10];
	_ =	sdelay $0x4  }
0x111: {  	[tilespmem:v6+s29+$0x0] =	vst.idx.msk $0xffff, v5  }
0x112: {  	v6 =	vadd.s32 v2, v4;
	v5 =	vld [tilespmem:s16+$0x20];
	_ =	sdelay $0x4  }
0x113: {  	[tilespmem:v6+s29+$0x0] =	vst.idx.msk $0xffff, v5  }
0x114: {  	v4 =	vadd.s32 v3, v4;
	v5 =	vld [tilespmem:s16+$0x30];
	_ =	sdelay $0x2  }
0x115: {  	s23 =	simm.s32 $0x3  }
0x116: {  	v6 =	vmov s23  }
0x117: {  	[tilespmem:v4+s29+$0x0] =	vst.idx.msk $0xffff, v5;
	v5 =	vand.u32 $0x7F, v6  }
0x118: {  	v4 =	vld [tilespmem:s16+$0x40];
	v6 =	vadd.s32 v0, v5;
	_ =	sdelay $0x4  }
0x119: {  	[tilespmem:v6+s29+$0x0] =	vst.idx.msk $0xffff, v4  }
0x11a: {  	v6 =	vadd.s32 v1, v5;
	v4 =	vld [tilespmem:s16+$0x50];
	_ =	sdelay $0x4  }
0x11b: {  	[tilespmem:v6+s29+$0x0] =	vst.idx.msk $0xffff, v4  }
0x11c: {  	v6 =	vadd.s32 v2, v5;
	v4 =	vld [tilespmem:s16+$0x60];
	_ =	sdelay $0x4  }
0x11d: {  	[tilespmem:v6+s29+$0x0] =	vst.idx.msk $0xffff, v4  }
0x11e: {  	v5 =	vadd.s32 v3, v5;
	v4 =	vld [tilespmem:s16+$0x70];
	_ =	sdelay $0x2  }
0x11f: {  	s17 =	simm.s32 $0x4  }
0x120: {  	s19 =	simm.s32 $0x8;
	v6 =	vmov s17  }
.LBB2_11:
0x121: {  	p2 =	sne.s32 s19, $0x7C;
	v6 =	vand.u32 $0x7C, v6;
	[tilespmem:v5+s29+$0x0] =	vst.idx.msk $0xffff, v4;
	s16 =	sadd.s32 $0x100, s16  }
0x122: {  	v4 =	vld [tilespmem:s16+$0xFFFFFF80];
	v5 =	vadd.s32 v0, v6;
	_ =	sdelay $0x4  }
0x123: {  	[tilespmem:v5+s29+$0x0] =	vst.idx.msk $0xffff, v4  }
0x124: {  	v5 =	vadd.s32 v1, v6;
	v4 =	vld [tilespmem:s16+$0xFFFFFF90];
	_ =	sdelay $0x4  }
0x125: {  	[tilespmem:v5+s29+$0x0] =	vst.idx.msk $0xffff, v4  }
0x126: {  	v5 =	vadd.s32 v2, v6;
	v4 =	vld [tilespmem:s16+$0xFFFFFFA0];
	_ =	sdelay $0x4  }
0x127: {  	[tilespmem:v5+s29+$0x0] =	vst.idx.msk $0xffff, v4  }
0x128: {  	v5 =	vadd.s32 v3, v6;
	v4 =	vld [tilespmem:s16+$0xFFFFFFB0];
	_ =	sdelay $0x2  }
0x129: {  	s7 =	sadd.s32 $0x1, s17  }
0x12a: {  	v6 =	vmov s7  }
0x12b: {  	[tilespmem:v5+s29+$0x0] =	vst.idx.msk $0xffff, v4;
	v4 =	vand.u32 $0x7D, v6  }
0x12c: {  	v5 =	vld [tilespmem:s16+$0xFFFFFFC0];
	v6 =	vadd.s32 v0, v4;
	_ =	sdelay $0x4  }
0x12d: {  	[tilespmem:v6+s29+$0x0] =	vst.idx.msk $0xffff, v5  }
0x12e: {  	v6 =	vadd.s32 v1, v4;
	v5 =	vld [tilespmem:s16+$0xFFFFFFD0];
	_ =	sdelay $0x4  }
0x12f: {  	[tilespmem:v6+s29+$0x0] =	vst.idx.msk $0xffff, v5  }
0x130: {  	v6 =	vadd.s32 v2, v4;
	v5 =	vld [tilespmem:s16+$0xFFFFFFE0];
	_ =	sdelay $0x4  }
0x131: {  	[tilespmem:v6+s29+$0x0] =	vst.idx.msk $0xffff, v5  }
0x132: {  	v4 =	vadd.s32 v3, v4;
	v5 =	vld [tilespmem:s16+$0xFFFFFFF0];
	_ =	sdelay $0x2  }
0x133: {  	s7 =	sadd.s32 $0x2, s17  }
0x134: {  	v6 =	vmov s7  }
0x135: {  	[tilespmem:v4+s29+$0x0] =	vst.idx.msk $0xffff, v5;
	v4 =	vand.u32 $0x7E, v6  }
0x136: {  	v5 =	vld [tilespmem:s16+$0x0];
	v6 =	vadd.s32 v0, v4;
	_ =	sdelay $0x4  }
0x137: {  	[tilespmem:v6+s29+$0x0] =	vst.idx.msk $0xffff, v5  }
0x138: {  	v6 =	vadd.s32 v1, v4;
	v5 =	vld [tilespmem:s16+$0x10];
	_ =	sdelay $0x4  }
0x139: {  	[tilespmem:v6+s29+$0x0] =	vst.idx.msk $0xffff, v5  }
0x13a: {  	v6 =	vadd.s32 v2, v4;
	v5 =	vld [tilespmem:s16+$0x20];
	_ =	sdelay $0x4  }
0x13b: {  	[tilespmem:v6+s29+$0x0] =	vst.idx.msk $0xffff, v5  }
0x13c: {  	v4 =	vadd.s32 v3, v4;
	v5 =	vld [tilespmem:s16+$0x30];
	_ =	sdelay $0x2  }
0x13d: {  	s7 =	sadd.s32 $0x3, s17;
	s17 =	smov.u32 s19  }
0x13e: {  	v6 =	vmov s7  }
0x13f: {  	[tilespmem:v4+s29+$0x0] =	vst.idx.msk $0xffff, v5;
	v5 =	vand.u32 $0x7F, v6  }
0x140: {  	v4 =	vld [tilespmem:s16+$0x40];
	v6 =	vadd.s32 v0, v5;
	_ =	sdelay $0x4  }
0x141: {  	[tilespmem:v6+s29+$0x0] =	vst.idx.msk $0xffff, v4  }
0x142: {  	v6 =	vadd.s32 v1, v5;
	v4 =	vld [tilespmem:s16+$0x50];
	_ =	sdelay $0x4  }
0x143: {  	[tilespmem:v6+s29+$0x0] =	vst.idx.msk $0xffff, v4  }
0x144: {  	v6 =	vadd.s32 v2, v5;
	v4 =	vld [tilespmem:s16+$0x60];
	_ =	sdelay $0x4  }
0x145: {  	[tilespmem:v6+s29+$0x0] =	vst.idx.msk $0xffff, v4  }
.Ltmp7:
0x146: {  	v5 =	vadd.s32 v3, v5;
	v4 =	vld [tilespmem:s16+$0x70];
	(pc) =	sbr.rel @p2 .LBB2_11-.Ltmp7, $2  }
0x147: {  	_ =	sdelay $0x2  }
0x148: {  	s19 =	sadd.s32 $0x4, s19;
	v6 =	vmov s17  }
0x149: {  	_ =	sdelay $0x3  }
0x14a: {  	v6 =	vand.u32 $0x7C, v6;
	[tilespmem:v5+s29+$0x0] =	vst.idx.msk $0xffff, v4;
	s7 =	sadd.s32 $0x100, s16  }
0x14b: {  	v4 =	vld [tilespmem:s7+$0xFFFFFF80];
	v5 =	vadd.s32 v0, v6;
	_ =	sdelay $0x4  }
0x14c: {  	[tilespmem:v5+s29+$0x0] =	vst.idx.msk $0xffff, v4  }
0x14d: {  	v5 =	vadd.s32 v1, v6;
	v4 =	vld [tilespmem:s7+$0xFFFFFF90];
	_ =	sdelay $0x4  }
0x14e: {  	[tilespmem:v5+s29+$0x0] =	vst.idx.msk $0xffff, v4  }
0x14f: {  	v5 =	vadd.s32 v2, v6;
	v4 =	vld [tilespmem:s7+$0xFFFFFFA0];
	_ =	sdelay $0x4  }
0x150: {  	[tilespmem:v5+s29+$0x0] =	vst.idx.msk $0xffff, v4  }
0x151: {  	v5 =	vadd.s32 v3, v6;
	v4 =	vld [tilespmem:s7+$0xFFFFFFB0];
	_ =	sdelay $0x2  }
0x152: {  	s21 =	sadd.s32 $0x1, s17  }
0x153: {  	v55 =	vmov s21  }
0x154: {  	[tilespmem:v5+s29+$0x0] =	vst.idx.msk $0xffff, v4;
	v4 =	vand.u32 $0x7D, v55  }
0x155: {  	v5 =	vld [tilespmem:s7+$0xFFFFFFC0];
	v6 =	vadd.s32 v0, v4;
	_ =	sdelay $0x4  }
0x156: {  	[tilespmem:v6+s29+$0x0] =	vst.idx.msk $0xffff, v5  }
0x157: {  	v56 =	vadd.s32 v1, v4;
	v5 =	vld [tilespmem:s7+$0xFFFFFFD0];
	_ =	sdelay $0x4  }
0x158: {  	[tilespmem:v56+s29+$0x0] =	vst.idx.msk $0xffff, v5  }
0x159: {  	v57 =	vadd.s32 v2, v4;
	v5 =	vld [tilespmem:s7+$0xFFFFFFE0];
	_ =	sdelay $0x4  }
0x15a: {  	[tilespmem:v57+s29+$0x0] =	vst.idx.msk $0xffff, v5  }
0x15b: {  	v4 =	vadd.s32 v3, v4;
	v5 =	vld [tilespmem:s7+$0xFFFFFFF0];
	_ =	sdelay $0x2  }
0x15c: {  	s23 =	sadd.s32 $0x2, s17  }
0x15d: {  	v58 =	vmov s23  }
0x15e: {  	[tilespmem:v4+s29+$0x0] =	vst.idx.msk $0xffff, v5;
	v4 =	vand.u32 $0x7E, v58  }
0x15f: {  	v5 =	vld [tilespmem:s7+$0x0];
	v6 =	vadd.s32 v0, v4;
	_ =	sdelay $0x4  }
0x160: {  	[tilespmem:v6+s29+$0x0] =	vst.idx.msk $0xffff, v5  }
0x161: {  	v59 =	vadd.s32 v1, v4;
	v5 =	vld [tilespmem:s7+$0x10];
	_ =	sdelay $0x4  }
0x162: {  	[tilespmem:v59+s29+$0x0] =	vst.idx.msk $0xffff, v5  }
0x163: {  	v60 =	vadd.s32 v2, v4;
	v5 =	vld [tilespmem:s7+$0x20];
	_ =	sdelay $0x4  }
0x164: {  	[tilespmem:v60+s29+$0x0] =	vst.idx.msk $0xffff, v5  }
0x165: {  	v4 =	vadd.s32 v3, v4;
	v5 =	vld [tilespmem:s7+$0x30];
	_ =	sdelay $0x2  }
0x166: {  	s8 =	sadd.s32 $0x3, s17  }
0x167: {  	v61 =	vmov s8  }
0x168: {  	[tilespmem:v4+s29+$0x0] =	vst.idx.msk $0xffff, v5;
	v4 =	vand.u32 $0x7F, v61  }
0x169: {  	v5 =	vld [tilespmem:s7+$0x40];
	v6 =	vadd.s32 v0, v4;
	_ =	sdelay $0x4  }
0x16a: {  	[tilespmem:v6+s29+$0x0] =	vst.idx.msk $0xffff, v5  }
0x16b: {  	v62 =	vadd.s32 v1, v4;
	v5 =	vld [tilespmem:s7+$0x50];
	_ =	sdelay $0x4  }
0x16c: {  	[tilespmem:v62+s29+$0x0] =	vst.idx.msk $0xffff, v5  }
0x16d: {  	v63 =	vadd.s32 v2, v4;
	v5 =	vld [tilespmem:s7+$0x60];
	_ =	sdelay $0x4  }
0x16e: {  	[tilespmem:v63+s29+$0x0] =	vst.idx.msk $0xffff, v5  }
0x16f: {  	v4 =	vadd.s32 v3, v4;
	v5 =	vld [tilespmem:s7+$0x70];
	_ =	sdelay $0x1  }
0x170: {  	s16 =	rddreg [dreg:$0x5]  }
0x171: {  	s7 =	sadd.s32 s16, s11  }
0x172: {  	s7 =	sshrl.u32 s7, $0x3  }
0x173: {  	s17 =	simm.s32 $0x12600;
	s7 =	sadd.s32 s2, s7;
	[tilespmem:v4+s29+$0x0] =	vst.idx.msk $0xffff, v5  }
0x174: {  	[hbm4b:s7+s3] =	stream.linear.scatter [tilespmem:s17], [sflag:$0x7], $0x80, $0x38;
	[tilespmem:$0x1AE00] =	vst v63  }
0x175: {  	s19 =	simm.s32 $0x12688;
	s21 =	sadd.s32 $0x10, s7  }
0x176: {  	[hbm4b:s21+s3] =	stream.linear.scatter [tilespmem:s19], [sflag:$0x7], $0x80, $0x38;
	[tilespmem:$0x1AE00] =	vst v63  }
0x177: {  	s23 =	simm.s32 $0x12710;
	s8 =	sadd.s32 $0x20, s7  }
0x178: {  	[hbm4b:s8+s3] =	stream.linear.scatter [tilespmem:s23], [sflag:$0x7], $0x80, $0x38;
	[tilespmem:$0x1AE00] =	vst v63  }
0x179: {  	s19 =	simm.s32 $0x12798;
	s21 =	sadd.s32 $0x30, s7  }
0x17a: {  	[hbm4b:s21+s3] =	stream.linear.scatter [tilespmem:s19], [sflag:$0x7], $0x80, $0x38;
	[tilespmem:$0x1AE00] =	vst v63  }
0x17b: {  	s23 =	simm.s32 $0x12820;
	s8 =	sadd.s32 $0x40, s7  }
0x17c: {  	[hbm4b:s8+s3] =	stream.linear.scatter [tilespmem:s23], [sflag:$0x7], $0x80, $0x38;
	[tilespmem:$0x1AE00] =	vst v63  }
0x17d: {  	s16 =	simm.s32 $0x440;
	s17 =	simm.s32 $0x128A8;
	s19 =	sadd.s32 $0x50, s7  }
0x17e: {  	[hbm4b:s19+s3] =	stream.linear.scatter [tilespmem:s17], [sflag:$0x7], $0x80, $0x38;
	[tilespmem:$0x1AE00] =	vst v63  }
0x17f: {  	s21 =	simm.s32 $0x12930;
	s23 =	sadd.s32 $0x60, s7;
	s19 =	simm.s32 $0x2200  }
0x180: {  	[hbm4b:s23+s3] =	stream.linear.scatter [tilespmem:s21], [sflag:$0x7], $0x80, $0x38;
	[tilespmem:$0x1AE00] =	vst v63  }
0x181: {  	s17 =	sadd.s32 $0x1000, s7;
	s21 =	simm.s32 $0x129B8;
	s23 =	sadd.s32 $0x70, s7  }
.LBB2_13:
0x182: {  	[hbm4b:s23+s3] =	stream.linear.scatter [tilespmem:s21], [sflag:$0x7], $0x80, $0x38;
	[tilespmem:$0x1AE00] =	vst v63  }
0x183: {  	s7 =	smov.u32 s16;
	s16 =	smov.u32 s19  }
0x184: {  	s8 =	sadd.s32 $0x1100, s19;
	s16 =	sshra.s32 s16, $0x2;
	s21 =	sadd.s32 $0x12600, s7  }
0x185: {  	[hbm4b:s17+s3] =	stream.linear.scatter [tilespmem:s21], [sflag:$0x7], $0x80, $0x38;
	[tilespmem:$0x1AE00] =	vst v63  }
0x186: {  	p2 =	sne.s32 s19, $0x7700;
	s19 =	sadd.s32 $0x12688, s7;
	s21 =	sadd.s32 $0x10, s17  }
0x187: {  	[hbm4b:s21+s3] =	stream.linear.scatter [tilespmem:s19], [sflag:$0x7], $0x80, $0x38;
	[tilespmem:$0x1AE00] =	vst v63  }
0x188: {  	s19 =	sadd.s32 $0x12710, s7;
	s21 =	sadd.s32 $0x20, s17  }
0x189: {  	[hbm4b:s21+s3] =	stream.linear.scatter [tilespmem:s19], [sflag:$0x7], $0x80, $0x38;
	[tilespmem:$0x1AE00] =	vst v63  }
0x18a: {  	s19 =	sadd.s32 $0x12798, s7;
	s21 =	sadd.s32 $0x30, s17  }
0x18b: {  	[hbm4b:s21+s3] =	stream.linear.scatter [tilespmem:s19], [sflag:$0x7], $0x80, $0x38;
	[tilespmem:$0x1AE00] =	vst v63  }
0x18c: {  	s19 =	sadd.s32 $0x12820, s7;
	s21 =	sadd.s32 $0x40, s17  }
0x18d: {  	[hbm4b:s21+s3] =	stream.linear.scatter [tilespmem:s19], [sflag:$0x7], $0x80, $0x38;
	[tilespmem:$0x1AE00] =	vst v63  }
.Ltmp8:
0x18e: {  	s19 =	sadd.s32 $0x128A8, s7;
	s21 =	sadd.s32 $0x50, s17;
	(pc) =	sbr.rel @p2 .LBB2_13-.Ltmp8, $4  }
0x18f: {  	[hbm4b:s21+s3] =	stream.linear.scatter [tilespmem:s19], [sflag:$0x7], $0x80, $0x38;
	[tilespmem:$0x1AE00] =	vst v63  }
0x190: {  	s23 =	sadd.s32 $0x70, s17;
	s19 =	sadd.s32 $0x12930, s7;
	s21 =	sadd.s32 $0x60, s17  }
0x191: {  	[hbm4b:s21+s3] =	stream.linear.scatter [tilespmem:s19], [sflag:$0x7], $0x80, $0x38;
	[tilespmem:$0x1AE00] =	vst v63  }
0x192: {  	s17 =	sadd.s32 $0x1000, s17;
	s21 =	sadd.s32 $0x129B8, s7;
	s19 =	smov.u32 s8  }
0x193: {  	[hbm4b:s23+s3] =	stream.linear.scatter [tilespmem:s21], [sflag:$0x7], $0x80, $0x38;
	[tilespmem:$0x1AE00] =	vst v63  }
0x194: {  	s7 =	sadd.s32 $0x12600, s16  }
0x195: {  	[hbm4b:s17+s3] =	stream.linear.scatter [tilespmem:s7], [sflag:$0x7], $0x80, $0x38;
	[tilespmem:$0x1AE00] =	vst v63  }
0x196: {  	s23 =	sadd.s32 $0x12688, s16;
	s8 =	sadd.s32 $0x10, s17  }
0x197: {  	[hbm4b:s8+s3] =	stream.linear.scatter [tilespmem:s23], [sflag:$0x7], $0x80, $0x38;
	[tilespmem:$0x1AE00] =	vst v63  }
0x198: {  	s19 =	sadd.s32 $0x20, s17;
	s8 =	sadd.s32 $0x12710, s16  }
0x199: {  	[hbm4b:s19+s3] =	stream.linear.scatter [tilespmem:s8], [sflag:$0x7], $0x80, $0x38;
	[tilespmem:$0x1AE00] =	vst v63  }
0x19a: {  	s21 =	sadd.s32 $0x12798, s16;
	s23 =	sadd.s32 $0x30, s17  }
0x19b: {  	[hbm4b:s23+s3] =	stream.linear.scatter [tilespmem:s21], [sflag:$0x7], $0x80, $0x38;
	[tilespmem:$0x1AE00] =	vst v63  }
0x19c: {  	s8 =	sadd.s32 $0x12820, s16;
	s19 =	sadd.s32 $0x40, s17  }
0x19d: {  	[hbm4b:s19+s3] =	stream.linear.scatter [tilespmem:s8], [sflag:$0x7], $0x80, $0x38;
	[tilespmem:$0x1AE00] =	vst v63  }
0x19e: {  	s21 =	sadd.s32 $0x128A8, s16;
	s23 =	sadd.s32 $0x50, s17  }
0x19f: {  	[hbm4b:s23+s3] =	stream.linear.scatter [tilespmem:s21], [sflag:$0x7], $0x80, $0x38;
	[tilespmem:$0x1AE00] =	vst v63  }
.Ltmp9:
0x1a0: {  	_ = 	snop;
	(pc) =	sbr.rel @p1 .LBB2_16-.Ltmp9, $4  }
0x1a1: {  	s8 =	sadd.s32 $0x12930, s16;
	s19 =	sadd.s32 $0x60, s17  }
0x1a2: {  	[hbm4b:s19+s3] =	stream.linear.scatter [tilespmem:s8], [sflag:$0x7], $0x80, $0x38;
	[tilespmem:$0x1AE00] =	vst v63  }
0x1a3: {  	s21 =	sadd.s32 $0x129B8, s16;
	s23 =	sadd.s32 $0x70, s17  }
0x1a4: {  	[hbm4b:s23+s3] =	stream.linear.scatter [tilespmem:s21], [sflag:$0x7], $0x80, $0x38;
	[tilespmem:$0x1AE00] =	vst v63  }
.Ltmp10:
0x1a5: {  	(pc) =	sbr.rel .LBB2_17-.Ltmp10, $4  }
0x1a6: {  	_ = 	snop  }
0x1a7: {  	_ =	swait.ge [sflag:s30], $0x2000  }
0x1a8: {  	[sflag:s30] =	ssyncset.done $0x0  }
0x1a9: {  	[sflag:s30] =	ssyncadd.s32 $0xFFFFE000  }
.LBB2_16:
0x1aa: {  	s7 =	sshll.u32 s6, $0x7  }
0x1ab: {  	s7 =	sadd.s32 $0x300, s7  }
.Ltmp11:
0x1ac: {  	s8 =	simm.s32 $0x8400;
	s7 =	sand.u32 $0x1FF80, s7;
	(pc) =	sbr.rel @p0 .LBB2_18-.Ltmp11, $4  }
0x1ad: {  	[tilespmem:s8], [sflag:$0x2] =	stream.indirect.gather [hbm4b:s5+s15], $0x40, s7, s15, $0xb8;
	[tilespmem:$0x1AE00] =	vst v63  }
0x1ae: {  	_ =	swait.ge [sflag:s30], $0x2000  }
0x1af: {  	[sflag:s30] =	ssyncset.done $0x0  }
0x1b0: {  	[sflag:s30] =	ssyncadd.s32 $0xFFFFE000  }
.LBB2_17:
0x1b1: {  	_ =	swait.ge [sflag:s31], $0x2000  }
0x1b2: {  	[sflag:s31] =	ssyncset.done $0x0  }
0x1b3: {  	[sflag:s31] =	ssyncadd.s32 $0xFFFFE000  }
.LBB2_18:
0x1b4: {  	s7 =	simm.s32 $0x0  }
0x1b5: {  	v4 =	vmov s7  }
0x1b6: {  	s16 =	simm.s32 $0xA480;
	v4 =	vand.u32 $0x7C, v4  }
0x1b7: {  	v5 =	vld [tilespmem:s16+$0xFFFFFF80];
	v6 =	vadd.s32 v0, v4;
	_ =	sdelay $0x4  }
0x1b8: {  	[tilespmem:v6+s0+$0x0] =	vst.idx.msk $0xffff, v5  }
0x1b9: {  	v6 =	vadd.s32 v1, v4;
	v5 =	vld [tilespmem:s16+$0xFFFFFF90];
	_ =	sdelay $0x4  }
0x1ba: {  	[tilespmem:v6+s0+$0x0] =	vst.idx.msk $0xffff, v5  }
0x1bb: {  	v6 =	vadd.s32 v2, v4;
	v5 =	vld [tilespmem:s16+$0xFFFFFFA0];
	_ =	sdelay $0x4  }
0x1bc: {  	[tilespmem:v6+s0+$0x0] =	vst.idx.msk $0xffff, v5  }
0x1bd: {  	v4 =	vadd.s32 v3, v4;
	v5 =	vld [tilespmem:s16+$0xFFFFFFB0];
	_ =	sdelay $0x2  }
0x1be: {  	s19 =	simm.s32 $0x1  }
0x1bf: {  	v6 =	vmov s19  }
0x1c0: {  	[tilespmem:v4+s0+$0x0] =	vst.idx.msk $0xffff, v5;
	v4 =	vand.u32 $0x7D, v6  }
0x1c1: {  	v5 =	vld [tilespmem:s16+$0xFFFFFFC0];
	v6 =	vadd.s32 v0, v4;
	_ =	sdelay $0x4  }
0x1c2: {  	[tilespmem:v6+s0+$0x0] =	vst.idx.msk $0xffff, v5  }
0x1c3: {  	v6 =	vadd.s32 v1, v4;
	v5 =	vld [tilespmem:s16+$0xFFFFFFD0];
	_ =	sdelay $0x4  }
0x1c4: {  	[tilespmem:v6+s0+$0x0] =	vst.idx.msk $0xffff, v5  }
0x1c5: {  	v6 =	vadd.s32 v2, v4;
	v5 =	vld [tilespmem:s16+$0xFFFFFFE0];
	_ =	sdelay $0x4  }
0x1c6: {  	[tilespmem:v6+s0+$0x0] =	vst.idx.msk $0xffff, v5  }
0x1c7: {  	v4 =	vadd.s32 v3, v4;
	v5 =	vld [tilespmem:s16+$0xFFFFFFF0];
	_ =	sdelay $0x2  }
0x1c8: {  	s21 =	simm.s32 $0x2  }
0x1c9: {  	v6 =	vmov s21  }
0x1ca: {  	[tilespmem:v4+s0+$0x0] =	vst.idx.msk $0xffff, v5;
	v4 =	vand.u32 $0x7E, v6  }
0x1cb: {  	v5 =	vld [tilespmem:s16+$0x0];
	v6 =	vadd.s32 v0, v4;
	_ =	sdelay $0x4  }
0x1cc: {  	[tilespmem:v6+s0+$0x0] =	vst.idx.msk $0xffff, v5  }
0x1cd: {  	v6 =	vadd.s32 v1, v4;
	v5 =	vld [tilespmem:s16+$0x10];
	_ =	sdelay $0x4  }
0x1ce: {  	[tilespmem:v6+s0+$0x0] =	vst.idx.msk $0xffff, v5  }
0x1cf: {  	v6 =	vadd.s32 v2, v4;
	v5 =	vld [tilespmem:s16+$0x20];
	_ =	sdelay $0x4  }
0x1d0: {  	[tilespmem:v6+s0+$0x0] =	vst.idx.msk $0xffff, v5  }
0x1d1: {  	v4 =	vadd.s32 v3, v4;
	v5 =	vld [tilespmem:s16+$0x30];
	_ =	sdelay $0x2  }
0x1d2: {  	s23 =	simm.s32 $0x3  }
0x1d3: {  	v6 =	vmov s23  }
0x1d4: {  	[tilespmem:v4+s0+$0x0] =	vst.idx.msk $0xffff, v5;
	v5 =	vand.u32 $0x7F, v6  }
0x1d5: {  	v4 =	vld [tilespmem:s16+$0x40];
	v6 =	vadd.s32 v0, v5;
	_ =	sdelay $0x4  }
0x1d6: {  	[tilespmem:v6+s0+$0x0] =	vst.idx.msk $0xffff, v4  }
0x1d7: {  	v6 =	vadd.s32 v1, v5;
	v4 =	vld [tilespmem:s16+$0x50];
	_ =	sdelay $0x4  }
0x1d8: {  	[tilespmem:v6+s0+$0x0] =	vst.idx.msk $0xffff, v4  }
0x1d9: {  	v6 =	vadd.s32 v2, v5;
	v4 =	vld [tilespmem:s16+$0x60];
	_ =	sdelay $0x4  }
0x1da: {  	[tilespmem:v6+s0+$0x0] =	vst.idx.msk $0xffff, v4  }
0x1db: {  	v5 =	vadd.s32 v3, v5;
	v4 =	vld [tilespmem:s16+$0x70];
	_ =	sdelay $0x2  }
0x1dc: {  	s17 =	simm.s32 $0x4  }
0x1dd: {  	s19 =	simm.s32 $0x8;
	v6 =	vmov s17  }
.LBB2_19:
0x1de: {  	p2 =	sne.s32 s19, $0x7C;
	v6 =	vand.u32 $0x7C, v6;
	[tilespmem:v5+s0+$0x0] =	vst.idx.msk $0xffff, v4;
	s16 =	sadd.s32 $0x100, s16  }
0x1df: {  	v4 =	vld [tilespmem:s16+$0xFFFFFF80];
	v5 =	vadd.s32 v0, v6;
	_ =	sdelay $0x4  }
0x1e0: {  	[tilespmem:v5+s0+$0x0] =	vst.idx.msk $0xffff, v4  }
0x1e1: {  	v5 =	vadd.s32 v1, v6;
	v4 =	vld [tilespmem:s16+$0xFFFFFF90];
	_ =	sdelay $0x4  }
0x1e2: {  	[tilespmem:v5+s0+$0x0] =	vst.idx.msk $0xffff, v4  }
0x1e3: {  	v5 =	vadd.s32 v2, v6;
	v4 =	vld [tilespmem:s16+$0xFFFFFFA0];
	_ =	sdelay $0x4  }
0x1e4: {  	[tilespmem:v5+s0+$0x0] =	vst.idx.msk $0xffff, v4  }
0x1e5: {  	v5 =	vadd.s32 v3, v6;
	v4 =	vld [tilespmem:s16+$0xFFFFFFB0];
	_ =	sdelay $0x2  }
0x1e6: {  	s7 =	sadd.s32 $0x1, s17  }
0x1e7: {  	v6 =	vmov s7  }
0x1e8: {  	[tilespmem:v5+s0+$0x0] =	vst.idx.msk $0xffff, v4;
	v4 =	vand.u32 $0x7D, v6  }
0x1e9: {  	v5 =	vld [tilespmem:s16+$0xFFFFFFC0];
	v6 =	vadd.s32 v0, v4;
	_ =	sdelay $0x4  }
0x1ea: {  	[tilespmem:v6+s0+$0x0] =	vst.idx.msk $0xffff, v5  }
0x1eb: {  	v6 =	vadd.s32 v1, v4;
	v5 =	vld [tilespmem:s16+$0xFFFFFFD0];
	_ =	sdelay $0x4  }
0x1ec: {  	[tilespmem:v6+s0+$0x0] =	vst.idx.msk $0xffff, v5  }
0x1ed: {  	v6 =	vadd.s32 v2, v4;
	v5 =	vld [tilespmem:s16+$0xFFFFFFE0];
	_ =	sdelay $0x4  }
0x1ee: {  	[tilespmem:v6+s0+$0x0] =	vst.idx.msk $0xffff, v5  }
0x1ef: {  	v4 =	vadd.s32 v3, v4;
	v5 =	vld [tilespmem:s16+$0xFFFFFFF0];
	_ =	sdelay $0x2  }
0x1f0: {  	s7 =	sadd.s32 $0x2, s17  }
0x1f1: {  	v6 =	vmov s7  }
0x1f2: {  	[tilespmem:v4+s0+$0x0] =	vst.idx.msk $0xffff, v5;
	v4 =	vand.u32 $0x7E, v6  }
0x1f3: {  	v5 =	vld [tilespmem:s16+$0x0];
	v6 =	vadd.s32 v0, v4;
	_ =	sdelay $0x4  }
0x1f4: {  	[tilespmem:v6+s0+$0x0] =	vst.idx.msk $0xffff, v5  }
0x1f5: {  	v6 =	vadd.s32 v1, v4;
	v5 =	vld [tilespmem:s16+$0x10];
	_ =	sdelay $0x4  }
0x1f6: {  	[tilespmem:v6+s0+$0x0] =	vst.idx.msk $0xffff, v5  }
0x1f7: {  	v6 =	vadd.s32 v2, v4;
	v5 =	vld [tilespmem:s16+$0x20];
	_ =	sdelay $0x4  }
0x1f8: {  	[tilespmem:v6+s0+$0x0] =	vst.idx.msk $0xffff, v5  }
0x1f9: {  	v4 =	vadd.s32 v3, v4;
	v5 =	vld [tilespmem:s16+$0x30];
	_ =	sdelay $0x2  }
0x1fa: {  	s7 =	sadd.s32 $0x3, s17;
	s17 =	smov.u32 s19  }
0x1fb: {  	v6 =	vmov s7  }
0x1fc: {  	[tilespmem:v4+s0+$0x0] =	vst.idx.msk $0xffff, v5;
	v5 =	vand.u32 $0x7F, v6  }
0x1fd: {  	v4 =	vld [tilespmem:s16+$0x40];
	v6 =	vadd.s32 v0, v5;
	_ =	sdelay $0x4  }
0x1fe: {  	[tilespmem:v6+s0+$0x0] =	vst.idx.msk $0xffff, v4  }
0x1ff: {  	v6 =	vadd.s32 v1, v5;
	v4 =	vld [tilespmem:s16+$0x50];
	_ =	sdelay $0x4  }
0x200: {  	[tilespmem:v6+s0+$0x0] =	vst.idx.msk $0xffff, v4  }
0x201: {  	v6 =	vadd.s32 v2, v5;
	v4 =	vld [tilespmem:s16+$0x60];
	_ =	sdelay $0x4  }
0x202: {  	[tilespmem:v6+s0+$0x0] =	vst.idx.msk $0xffff, v4  }
.Ltmp12:
0x203: {  	v5 =	vadd.s32 v3, v5;
	v4 =	vld [tilespmem:s16+$0x70];
	(pc) =	sbr.rel @p2 .LBB2_19-.Ltmp12, $2  }
0x204: {  	_ =	sdelay $0x2  }
0x205: {  	s19 =	sadd.s32 $0x4, s19;
	v6 =	vmov s17  }
0x206: {  	_ =	sdelay $0x3  }
0x207: {  	v6 =	vand.u32 $0x7C, v6;
	[tilespmem:v5+s0+$0x0] =	vst.idx.msk $0xffff, v4;
	s7 =	sadd.s32 $0x100, s16  }
0x208: {  	v4 =	vld [tilespmem:s7+$0xFFFFFF80];
	v5 =	vadd.s32 v0, v6;
	_ =	sdelay $0x4  }
0x209: {  	[tilespmem:v5+s0+$0x0] =	vst.idx.msk $0xffff, v4  }
0x20a: {  	v5 =	vadd.s32 v1, v6;
	v4 =	vld [tilespmem:s7+$0xFFFFFF90];
	_ =	sdelay $0x4  }
0x20b: {  	[tilespmem:v5+s0+$0x0] =	vst.idx.msk $0xffff, v4  }
0x20c: {  	v5 =	vadd.s32 v2, v6;
	v4 =	vld [tilespmem:s7+$0xFFFFFFA0];
	_ =	sdelay $0x4  }
0x20d: {  	[tilespmem:v5+s0+$0x0] =	vst.idx.msk $0xffff, v4  }
0x20e: {  	v5 =	vadd.s32 v3, v6;
	v4 =	vld [tilespmem:s7+$0xFFFFFFB0];
	_ =	sdelay $0x2  }
0x20f: {  	s8 =	sadd.s32 $0x1, s17  }
0x210: {  	v55 =	vmov s8  }
0x211: {  	[tilespmem:v5+s0+$0x0] =	vst.idx.msk $0xffff, v4;
	v4 =	vand.u32 $0x7D, v55  }
0x212: {  	v5 =	vld [tilespmem:s7+$0xFFFFFFC0];
	v6 =	vadd.s32 v0, v4;
	_ =	sdelay $0x4  }
0x213: {  	[tilespmem:v6+s0+$0x0] =	vst.idx.msk $0xffff, v5  }
0x214: {  	v56 =	vadd.s32 v1, v4;
	v5 =	vld [tilespmem:s7+$0xFFFFFFD0];
	_ =	sdelay $0x4  }
0x215: {  	[tilespmem:v56+s0+$0x0] =	vst.idx.msk $0xffff, v5  }
0x216: {  	v57 =	vadd.s32 v2, v4;
	v5 =	vld [tilespmem:s7+$0xFFFFFFE0];
	_ =	sdelay $0x4  }
0x217: {  	[tilespmem:v57+s0+$0x0] =	vst.idx.msk $0xffff, v5  }
0x218: {  	v4 =	vadd.s32 v3, v4;
	v5 =	vld [tilespmem:s7+$0xFFFFFFF0];
	_ =	sdelay $0x2  }
0x219: {  	s21 =	sadd.s32 $0x2, s17  }
0x21a: {  	v58 =	vmov s21  }
0x21b: {  	[tilespmem:v4+s0+$0x0] =	vst.idx.msk $0xffff, v5;
	v4 =	vand.u32 $0x7E, v58  }
0x21c: {  	v5 =	vld [tilespmem:s7+$0x0];
	v6 =	vadd.s32 v0, v4;
	_ =	sdelay $0x4  }
0x21d: {  	[tilespmem:v6+s0+$0x0] =	vst.idx.msk $0xffff, v5  }
0x21e: {  	v59 =	vadd.s32 v1, v4;
	v5 =	vld [tilespmem:s7+$0x10];
	_ =	sdelay $0x4  }
0x21f: {  	[tilespmem:v59+s0+$0x0] =	vst.idx.msk $0xffff, v5  }
0x220: {  	v60 =	vadd.s32 v2, v4;
	v5 =	vld [tilespmem:s7+$0x20];
	_ =	sdelay $0x4  }
0x221: {  	[tilespmem:v60+s0+$0x0] =	vst.idx.msk $0xffff, v5  }
0x222: {  	v4 =	vadd.s32 v3, v4;
	v5 =	vld [tilespmem:s7+$0x30];
	_ =	sdelay $0x2  }
0x223: {  	s23 =	sadd.s32 $0x3, s17  }
0x224: {  	v61 =	vmov s23  }
0x225: {  	[tilespmem:v4+s0+$0x0] =	vst.idx.msk $0xffff, v5;
	v4 =	vand.u32 $0x7F, v61  }
0x226: {  	v5 =	vld [tilespmem:s7+$0x40];
	v6 =	vadd.s32 v0, v4;
	_ =	sdelay $0x4  }
0x227: {  	[tilespmem:v6+s0+$0x0] =	vst.idx.msk $0xffff, v5  }
0x228: {  	v62 =	vadd.s32 v1, v4;
	v5 =	vld [tilespmem:s7+$0x50];
	_ =	sdelay $0x4  }
0x229: {  	[tilespmem:v62+s0+$0x0] =	vst.idx.msk $0xffff, v5  }
0x22a: {  	v63 =	vadd.s32 v2, v4;
	v5 =	vld [tilespmem:s7+$0x60];
	_ =	sdelay $0x4  }
0x22b: {  	[tilespmem:v63+s0+$0x0] =	vst.idx.msk $0xffff, v5  }
0x22c: {  	v4 =	vadd.s32 v3, v4;
	v5 =	vld [tilespmem:s7+$0x70];
	_ =	sdelay $0x1  }
0x22d: {  	s8 =	rddreg [dreg:$0x6]  }
0x22e: {  	s7 =	sadd.s32 s8, s11  }
0x22f: {  	s7 =	sshrl.u32 s7, $0x3  }
0x230: {  	s16 =	simm.s32 $0x14800;
	s7 =	sadd.s32 s2, s7;
	[tilespmem:v4+s0+$0x0] =	vst.idx.msk $0xffff, v5  }
0x231: {  	[hbm4b:s7+s3] =	stream.linear.scatter [tilespmem:s16], [sflag:$0x8], $0x80, $0x38;
	[tilespmem:$0x1AE00] =	vst v63  }
0x232: {  	s17 =	simm.s32 $0x14888;
	s19 =	sadd.s32 $0x10, s7  }
0x233: {  	[hbm4b:s19+s3] =	stream.linear.scatter [tilespmem:s17], [sflag:$0x8], $0x80, $0x38;
	[tilespmem:$0x1AE00] =	vst v63  }
0x234: {  	s21 =	simm.s32 $0x14910;
	s23 =	sadd.s32 $0x20, s7  }
0x235: {  	[hbm4b:s23+s3] =	stream.linear.scatter [tilespmem:s21], [sflag:$0x8], $0x80, $0x38;
	[tilespmem:$0x1AE00] =	vst v63  }
0x236: {  	s17 =	simm.s32 $0x14998;
	s19 =	sadd.s32 $0x30, s7  }
0x237: {  	[hbm4b:s19+s3] =	stream.linear.scatter [tilespmem:s17], [sflag:$0x8], $0x80, $0x38;
	[tilespmem:$0x1AE00] =	vst v63  }
0x238: {  	s21 =	simm.s32 $0x14A20;
	s23 =	sadd.s32 $0x40, s7  }
0x239: {  	[hbm4b:s23+s3] =	stream.linear.scatter [tilespmem:s21], [sflag:$0x8], $0x80, $0x38;
	[tilespmem:$0x1AE00] =	vst v63  }
0x23a: {  	s16 =	simm.s32 $0x440;
	s17 =	simm.s32 $0x14AA8;
	s19 =	sadd.s32 $0x50, s7  }
0x23b: {  	[hbm4b:s19+s3] =	stream.linear.scatter [tilespmem:s17], [sflag:$0x8], $0x80, $0x38;
	[tilespmem:$0x1AE00] =	vst v63  }
0x23c: {  	s21 =	simm.s32 $0x14B30;
	s23 =	sadd.s32 $0x60, s7;
	s19 =	simm.s32 $0x2200  }
0x23d: {  	[hbm4b:s23+s3] =	stream.linear.scatter [tilespmem:s21], [sflag:$0x8], $0x80, $0x38;
	[tilespmem:$0x1AE00] =	vst v63  }
0x23e: {  	s17 =	sadd.s32 $0x1000, s7;
	s21 =	simm.s32 $0x14BB8;
	s23 =	sadd.s32 $0x70, s7  }
.LBB2_21:
0x23f: {  	[hbm4b:s23+s3] =	stream.linear.scatter [tilespmem:s21], [sflag:$0x8], $0x80, $0x38;
	[tilespmem:$0x1AE00] =	vst v63  }
0x240: {  	s7 =	smov.u32 s16;
	s8 =	smov.u32 s19  }
0x241: {  	s16 =	sshra.s32 s8, $0x2;
	s8 =	sadd.s32 $0x1100, s19;
	s21 =	sadd.s32 $0x14800, s7  }
0x242: {  	[hbm4b:s17+s3] =	stream.linear.scatter [tilespmem:s21], [sflag:$0x8], $0x80, $0x38;
	[tilespmem:$0x1AE00] =	vst v63  }
0x243: {  	p2 =	sne.s32 s19, $0x7700;
	s19 =	sadd.s32 $0x14888, s7;
	s21 =	sadd.s32 $0x10, s17  }
0x244: {  	[hbm4b:s21+s3] =	stream.linear.scatter [tilespmem:s19], [sflag:$0x8], $0x80, $0x38;
	[tilespmem:$0x1AE00] =	vst v63  }
0x245: {  	s19 =	sadd.s32 $0x14910, s7;
	s21 =	sadd.s32 $0x20, s17  }
0x246: {  	[hbm4b:s21+s3] =	stream.linear.scatter [tilespmem:s19], [sflag:$0x8], $0x80, $0x38;
	[tilespmem:$0x1AE00] =	vst v63  }
0x247: {  	s19 =	sadd.s32 $0x14998, s7;
	s21 =	sadd.s32 $0x30, s17  }
0x248: {  	[hbm4b:s21+s3] =	stream.linear.scatter [tilespmem:s19], [sflag:$0x8], $0x80, $0x38;
	[tilespmem:$0x1AE00] =	vst v63  }
0x249: {  	s19 =	sadd.s32 $0x14A20, s7;
	s21 =	sadd.s32 $0x40, s17  }
0x24a: {  	[hbm4b:s21+s3] =	stream.linear.scatter [tilespmem:s19], [sflag:$0x8], $0x80, $0x38;
	[tilespmem:$0x1AE00] =	vst v63  }
.Ltmp13:
0x24b: {  	s19 =	sadd.s32 $0x14AA8, s7;
	s21 =	sadd.s32 $0x50, s17;
	(pc) =	sbr.rel @p2 .LBB2_21-.Ltmp13, $4  }
0x24c: {  	[hbm4b:s21+s3] =	stream.linear.scatter [tilespmem:s19], [sflag:$0x8], $0x80, $0x38;
	[tilespmem:$0x1AE00] =	vst v63  }
0x24d: {  	s23 =	sadd.s32 $0x70, s17;
	s19 =	sadd.s32 $0x14B30, s7;
	s21 =	sadd.s32 $0x60, s17  }
0x24e: {  	[hbm4b:s21+s3] =	stream.linear.scatter [tilespmem:s19], [sflag:$0x8], $0x80, $0x38;
	[tilespmem:$0x1AE00] =	vst v63  }
0x24f: {  	s17 =	sadd.s32 $0x1000, s17;
	s21 =	sadd.s32 $0x14BB8, s7;
	s19 =	smov.u32 s8  }
0x250: {  	[hbm4b:s23+s3] =	stream.linear.scatter [tilespmem:s21], [sflag:$0x8], $0x80, $0x38;
	[tilespmem:$0x1AE00] =	vst v63  }
0x251: {  	s7 =	sadd.s32 $0x14800, s16  }
0x252: {  	[hbm4b:s17+s3] =	stream.linear.scatter [tilespmem:s7], [sflag:$0x8], $0x80, $0x38;
	[tilespmem:$0x1AE00] =	vst v63  }
0x253: {  	s23 =	sadd.s32 $0x14888, s16;
	s8 =	sadd.s32 $0x10, s17  }
0x254: {  	[hbm4b:s8+s3] =	stream.linear.scatter [tilespmem:s23], [sflag:$0x8], $0x80, $0x38;
	[tilespmem:$0x1AE00] =	vst v63  }
0x255: {  	s19 =	sadd.s32 $0x20, s17;
	s8 =	sadd.s32 $0x14910, s16  }
0x256: {  	[hbm4b:s19+s3] =	stream.linear.scatter [tilespmem:s8], [sflag:$0x8], $0x80, $0x38;
	[tilespmem:$0x1AE00] =	vst v63  }
0x257: {  	s21 =	sadd.s32 $0x14998, s16;
	s23 =	sadd.s32 $0x30, s17  }
0x258: {  	[hbm4b:s23+s3] =	stream.linear.scatter [tilespmem:s21], [sflag:$0x8], $0x80, $0x38;
	[tilespmem:$0x1AE00] =	vst v63  }
0x259: {  	s8 =	sadd.s32 $0x14A20, s16;
	s19 =	sadd.s32 $0x40, s17  }
0x25a: {  	[hbm4b:s19+s3] =	stream.linear.scatter [tilespmem:s8], [sflag:$0x8], $0x80, $0x38;
	[tilespmem:$0x1AE00] =	vst v63  }
0x25b: {  	s21 =	sadd.s32 $0x14AA8, s16;
	s23 =	sadd.s32 $0x50, s17  }
0x25c: {  	[hbm4b:s23+s3] =	stream.linear.scatter [tilespmem:s21], [sflag:$0x8], $0x80, $0x38;
	[tilespmem:$0x1AE00] =	vst v63  }
.Ltmp14:
0x25d: {  	_ = 	snop;
	(pc) =	sbr.rel @p1 .LBB2_24-.Ltmp14, $4  }
0x25e: {  	s8 =	sadd.s32 $0x14B30, s16;
	s19 =	sadd.s32 $0x60, s17  }
0x25f: {  	[hbm4b:s19+s3] =	stream.linear.scatter [tilespmem:s8], [sflag:$0x8], $0x80, $0x38;
	[tilespmem:$0x1AE00] =	vst v63  }
0x260: {  	s21 =	sadd.s32 $0x14BB8, s16;
	s23 =	sadd.s32 $0x70, s17  }
0x261: {  	[hbm4b:s23+s3] =	stream.linear.scatter [tilespmem:s21], [sflag:$0x8], $0x80, $0x38;
	[tilespmem:$0x1AE00] =	vst v63  }
.Ltmp15:
0x262: {  	(pc) =	sbr.rel .LBB2_25-.Ltmp15, $4  }
0x263: {  	_ = 	snop  }
0x264: {  	_ =	swait.ge [sflag:s1], $0x2000  }
0x265: {  	[sflag:s1] =	ssyncset.done $0x0  }
0x266: {  	[sflag:s1] =	ssyncadd.s32 $0xFFFFE000  }
.LBB2_24:
0x267: {  	s7 =	sshll.u32 s6, $0x7  }
0x268: {  	s7 =	sadd.s32 $0x380, s7  }
.Ltmp16:
0x269: {  	s8 =	simm.s32 $0xA400;
	s7 =	sand.u32 $0x1FF80, s7;
	(pc) =	sbr.rel @p0 .LBB2_26-.Ltmp16, $4  }
0x26a: {  	[tilespmem:s8], [sflag:$0x3] =	stream.indirect.gather [hbm4b:s5+s15], $0x40, s7, s15, $0xb8;
	[tilespmem:$0x1AE00] =	vst v63  }
0x26b: {  	_ =	swait.ge [sflag:s1], $0x2000  }
0x26c: {  	[sflag:s1] =	ssyncset.done $0x0  }
0x26d: {  	[sflag:s1] =	ssyncadd.s32 $0xFFFFE000  }
.LBB2_25:
0x26e: {  	_ =	swait.ge [sflag:s12], $0x2000  }
0x26f: {  	[sflag:s12] =	ssyncset.done $0x0  }
0x270: {  	[sflag:s12] =	ssyncadd.s32 $0xFFFFE000  }
.LBB2_26:
0x271: {  	s7 =	simm.s32 $0x0  }
0x272: {  	v4 =	vmov s7  }
0x273: {  	s16 =	simm.s32 $0xC480;
	v4 =	vand.u32 $0x7C, v4  }
0x274: {  	v5 =	vld [tilespmem:s16+$0xFFFFFF80];
	v6 =	vadd.s32 v0, v4;
	_ =	sdelay $0x4  }
0x275: {  	[tilespmem:v6+s13+$0x0] =	vst.idx.msk $0xffff, v5  }
0x276: {  	v6 =	vadd.s32 v1, v4;
	v5 =	vld [tilespmem:s16+$0xFFFFFF90];
	_ =	sdelay $0x4  }
0x277: {  	[tilespmem:v6+s13+$0x0] =	vst.idx.msk $0xffff, v5  }
0x278: {  	v6 =	vadd.s32 v2, v4;
	v5 =	vld [tilespmem:s16+$0xFFFFFFA0];
	_ =	sdelay $0x4  }
0x279: {  	[tilespmem:v6+s13+$0x0] =	vst.idx.msk $0xffff, v5  }
0x27a: {  	v4 =	vadd.s32 v3, v4;
	v5 =	vld [tilespmem:s16+$0xFFFFFFB0];
	_ =	sdelay $0x2  }
0x27b: {  	s19 =	simm.s32 $0x1  }
0x27c: {  	v6 =	vmov s19  }
0x27d: {  	[tilespmem:v4+s13+$0x0] =	vst.idx.msk $0xffff, v5;
	v4 =	vand.u32 $0x7D, v6  }
0x27e: {  	v5 =	vld [tilespmem:s16+$0xFFFFFFC0];
	v6 =	vadd.s32 v0, v4;
	_ =	sdelay $0x4  }
0x27f: {  	[tilespmem:v6+s13+$0x0] =	vst.idx.msk $0xffff, v5  }
0x280: {  	v6 =	vadd.s32 v1, v4;
	v5 =	vld [tilespmem:s16+$0xFFFFFFD0];
	_ =	sdelay $0x4  }
0x281: {  	[tilespmem:v6+s13+$0x0] =	vst.idx.msk $0xffff, v5  }
0x282: {  	v6 =	vadd.s32 v2, v4;
	v5 =	vld [tilespmem:s16+$0xFFFFFFE0];
	_ =	sdelay $0x4  }
0x283: {  	[tilespmem:v6+s13+$0x0] =	vst.idx.msk $0xffff, v5  }
0x284: {  	v4 =	vadd.s32 v3, v4;
	v5 =	vld [tilespmem:s16+$0xFFFFFFF0];
	_ =	sdelay $0x2  }
0x285: {  	s21 =	simm.s32 $0x2  }
0x286: {  	v6 =	vmov s21  }
0x287: {  	[tilespmem:v4+s13+$0x0] =	vst.idx.msk $0xffff, v5;
	v4 =	vand.u32 $0x7E, v6  }
0x288: {  	v5 =	vld [tilespmem:s16+$0x0];
	v6 =	vadd.s32 v0, v4;
	_ =	sdelay $0x4  }
0x289: {  	[tilespmem:v6+s13+$0x0] =	vst.idx.msk $0xffff, v5  }
0x28a: {  	v6 =	vadd.s32 v1, v4;
	v5 =	vld [tilespmem:s16+$0x10];
	_ =	sdelay $0x4  }
0x28b: {  	[tilespmem:v6+s13+$0x0] =	vst.idx.msk $0xffff, v5  }
0x28c: {  	v6 =	vadd.s32 v2, v4;
	v5 =	vld [tilespmem:s16+$0x20];
	_ =	sdelay $0x4  }
0x28d: {  	[tilespmem:v6+s13+$0x0] =	vst.idx.msk $0xffff, v5  }
0x28e: {  	v4 =	vadd.s32 v3, v4;
	v5 =	vld [tilespmem:s16+$0x30];
	_ =	sdelay $0x2  }
0x28f: {  	s23 =	simm.s32 $0x3  }
0x290: {  	v6 =	vmov s23  }
0x291: {  	[tilespmem:v4+s13+$0x0] =	vst.idx.msk $0xffff, v5;
	v5 =	vand.u32 $0x7F, v6  }
0x292: {  	v4 =	vld [tilespmem:s16+$0x40];
	v6 =	vadd.s32 v0, v5;
	_ =	sdelay $0x4  }
0x293: {  	[tilespmem:v6+s13+$0x0] =	vst.idx.msk $0xffff, v4  }
0x294: {  	v6 =	vadd.s32 v1, v5;
	v4 =	vld [tilespmem:s16+$0x50];
	_ =	sdelay $0x4  }
0x295: {  	[tilespmem:v6+s13+$0x0] =	vst.idx.msk $0xffff, v4  }
0x296: {  	v6 =	vadd.s32 v2, v5;
	v4 =	vld [tilespmem:s16+$0x60];
	_ =	sdelay $0x4  }
0x297: {  	[tilespmem:v6+s13+$0x0] =	vst.idx.msk $0xffff, v4  }
0x298: {  	v5 =	vadd.s32 v3, v5;
	v4 =	vld [tilespmem:s16+$0x70];
	_ =	sdelay $0x2  }
0x299: {  	s17 =	simm.s32 $0x4  }
0x29a: {  	s19 =	simm.s32 $0x8;
	v6 =	vmov s17  }
.LBB2_27:
0x29b: {  	p2 =	sne.s32 s19, $0x7C;
	v6 =	vand.u32 $0x7C, v6;
	[tilespmem:v5+s13+$0x0] =	vst.idx.msk $0xffff, v4;
	s16 =	sadd.s32 $0x100, s16  }
0x29c: {  	v4 =	vld [tilespmem:s16+$0xFFFFFF80];
	v5 =	vadd.s32 v0, v6;
	_ =	sdelay $0x4  }
0x29d: {  	[tilespmem:v5+s13+$0x0] =	vst.idx.msk $0xffff, v4  }
0x29e: {  	v5 =	vadd.s32 v1, v6;
	v4 =	vld [tilespmem:s16+$0xFFFFFF90];
	_ =	sdelay $0x4  }
0x29f: {  	[tilespmem:v5+s13+$0x0] =	vst.idx.msk $0xffff, v4  }
0x2a0: {  	v5 =	vadd.s32 v2, v6;
	v4 =	vld [tilespmem:s16+$0xFFFFFFA0];
	_ =	sdelay $0x4  }
0x2a1: {  	[tilespmem:v5+s13+$0x0] =	vst.idx.msk $0xffff, v4  }
0x2a2: {  	v5 =	vadd.s32 v3, v6;
	v4 =	vld [tilespmem:s16+$0xFFFFFFB0];
	_ =	sdelay $0x2  }
0x2a3: {  	s7 =	sadd.s32 $0x1, s17  }
0x2a4: {  	v6 =	vmov s7  }
0x2a5: {  	[tilespmem:v5+s13+$0x0] =	vst.idx.msk $0xffff, v4;
	v4 =	vand.u32 $0x7D, v6  }
0x2a6: {  	v5 =	vld [tilespmem:s16+$0xFFFFFFC0];
	v6 =	vadd.s32 v0, v4;
	_ =	sdelay $0x4  }
0x2a7: {  	[tilespmem:v6+s13+$0x0] =	vst.idx.msk $0xffff, v5  }
0x2a8: {  	v6 =	vadd.s32 v1, v4;
	v5 =	vld [tilespmem:s16+$0xFFFFFFD0];
	_ =	sdelay $0x4  }
0x2a9: {  	[tilespmem:v6+s13+$0x0] =	vst.idx.msk $0xffff, v5  }
0x2aa: {  	v6 =	vadd.s32 v2, v4;
	v5 =	vld [tilespmem:s16+$0xFFFFFFE0];
	_ =	sdelay $0x4  }
0x2ab: {  	[tilespmem:v6+s13+$0x0] =	vst.idx.msk $0xffff, v5  }
0x2ac: {  	v4 =	vadd.s32 v3, v4;
	v5 =	vld [tilespmem:s16+$0xFFFFFFF0];
	_ =	sdelay $0x2  }
0x2ad: {  	s7 =	sadd.s32 $0x2, s17  }
0x2ae: {  	v6 =	vmov s7  }
0x2af: {  	[tilespmem:v4+s13+$0x0] =	vst.idx.msk $0xffff, v5;
	v4 =	vand.u32 $0x7E, v6  }
0x2b0: {  	v5 =	vld [tilespmem:s16+$0x0];
	v6 =	vadd.s32 v0, v4;
	_ =	sdelay $0x4  }
0x2b1: {  	[tilespmem:v6+s13+$0x0] =	vst.idx.msk $0xffff, v5  }
0x2b2: {  	v6 =	vadd.s32 v1, v4;
	v5 =	vld [tilespmem:s16+$0x10];
	_ =	sdelay $0x4  }
0x2b3: {  	[tilespmem:v6+s13+$0x0] =	vst.idx.msk $0xffff, v5  }
0x2b4: {  	v6 =	vadd.s32 v2, v4;
	v5 =	vld [tilespmem:s16+$0x20];
	_ =	sdelay $0x4  }
0x2b5: {  	[tilespmem:v6+s13+$0x0] =	vst.idx.msk $0xffff, v5  }
0x2b6: {  	v4 =	vadd.s32 v3, v4;
	v5 =	vld [tilespmem:s16+$0x30];
	_ =	sdelay $0x2  }
0x2b7: {  	s7 =	sadd.s32 $0x3, s17;
	s17 =	smov.u32 s19  }
0x2b8: {  	v6 =	vmov s7  }
0x2b9: {  	[tilespmem:v4+s13+$0x0] =	vst.idx.msk $0xffff, v5;
	v5 =	vand.u32 $0x7F, v6  }
0x2ba: {  	v4 =	vld [tilespmem:s16+$0x40];
	v6 =	vadd.s32 v0, v5;
	_ =	sdelay $0x4  }
0x2bb: {  	[tilespmem:v6+s13+$0x0] =	vst.idx.msk $0xffff, v4  }
0x2bc: {  	v6 =	vadd.s32 v1, v5;
	v4 =	vld [tilespmem:s16+$0x50];
	_ =	sdelay $0x4  }
0x2bd: {  	[tilespmem:v6+s13+$0x0] =	vst.idx.msk $0xffff, v4  }
0x2be: {  	v6 =	vadd.s32 v2, v5;
	v4 =	vld [tilespmem:s16+$0x60];
	_ =	sdelay $0x4  }
0x2bf: {  	[tilespmem:v6+s13+$0x0] =	vst.idx.msk $0xffff, v4  }
.Ltmp17:
0x2c0: {  	v5 =	vadd.s32 v3, v5;
	v4 =	vld [tilespmem:s16+$0x70];
	(pc) =	sbr.rel @p2 .LBB2_27-.Ltmp17, $2  }
0x2c1: {  	_ =	sdelay $0x2  }
0x2c2: {  	s19 =	sadd.s32 $0x4, s19;
	v6 =	vmov s17  }
0x2c3: {  	_ =	sdelay $0x3  }
0x2c4: {  	v6 =	vand.u32 $0x7C, v6;
	[tilespmem:v5+s13+$0x0] =	vst.idx.msk $0xffff, v4;
	s7 =	sadd.s32 $0x100, s16  }
0x2c5: {  	v4 =	vld [tilespmem:s7+$0xFFFFFF80];
	v5 =	vadd.s32 v0, v6;
	_ =	sdelay $0x4  }
0x2c6: {  	[tilespmem:v5+s13+$0x0] =	vst.idx.msk $0xffff, v4  }
0x2c7: {  	v5 =	vadd.s32 v1, v6;
	v4 =	vld [tilespmem:s7+$0xFFFFFF90];
	_ =	sdelay $0x4  }
0x2c8: {  	[tilespmem:v5+s13+$0x0] =	vst.idx.msk $0xffff, v4  }
0x2c9: {  	v5 =	vadd.s32 v2, v6;
	v4 =	vld [tilespmem:s7+$0xFFFFFFA0];
	_ =	sdelay $0x4  }
0x2ca: {  	[tilespmem:v5+s13+$0x0] =	vst.idx.msk $0xffff, v4  }
0x2cb: {  	v5 =	vadd.s32 v3, v6;
	v4 =	vld [tilespmem:s7+$0xFFFFFFB0];
	_ =	sdelay $0x2  }
0x2cc: {  	s8 =	sadd.s32 $0x1, s17  }
0x2cd: {  	v55 =	vmov s8  }
0x2ce: {  	[tilespmem:v5+s13+$0x0] =	vst.idx.msk $0xffff, v4;
	v4 =	vand.u32 $0x7D, v55  }
0x2cf: {  	v5 =	vld [tilespmem:s7+$0xFFFFFFC0];
	v6 =	vadd.s32 v0, v4;
	_ =	sdelay $0x4  }
0x2d0: {  	[tilespmem:v6+s13+$0x0] =	vst.idx.msk $0xffff, v5  }
0x2d1: {  	v56 =	vadd.s32 v1, v4;
	v5 =	vld [tilespmem:s7+$0xFFFFFFD0];
	_ =	sdelay $0x4  }
0x2d2: {  	[tilespmem:v56+s13+$0x0] =	vst.idx.msk $0xffff, v5  }
0x2d3: {  	v57 =	vadd.s32 v2, v4;
	v5 =	vld [tilespmem:s7+$0xFFFFFFE0];
	_ =	sdelay $0x4  }
0x2d4: {  	[tilespmem:v57+s13+$0x0] =	vst.idx.msk $0xffff, v5  }
0x2d5: {  	v4 =	vadd.s32 v3, v4;
	v5 =	vld [tilespmem:s7+$0xFFFFFFF0];
	_ =	sdelay $0x2  }
0x2d6: {  	s21 =	sadd.s32 $0x2, s17  }
0x2d7: {  	v58 =	vmov s21  }
0x2d8: {  	[tilespmem:v4+s13+$0x0] =	vst.idx.msk $0xffff, v5;
	v4 =	vand.u32 $0x7E, v58  }
0x2d9: {  	v5 =	vld [tilespmem:s7+$0x0];
	v6 =	vadd.s32 v0, v4;
	_ =	sdelay $0x4  }
0x2da: {  	[tilespmem:v6+s13+$0x0] =	vst.idx.msk $0xffff, v5  }
0x2db: {  	v59 =	vadd.s32 v1, v4;
	v5 =	vld [tilespmem:s7+$0x10];
	_ =	sdelay $0x4  }
0x2dc: {  	[tilespmem:v59+s13+$0x0] =	vst.idx.msk $0xffff, v5  }
0x2dd: {  	v60 =	vadd.s32 v2, v4;
	v5 =	vld [tilespmem:s7+$0x20];
	_ =	sdelay $0x4  }
0x2de: {  	[tilespmem:v60+s13+$0x0] =	vst.idx.msk $0xffff, v5  }
0x2df: {  	v4 =	vadd.s32 v3, v4;
	v5 =	vld [tilespmem:s7+$0x30];
	_ =	sdelay $0x2  }
0x2e0: {  	s23 =	sadd.s32 $0x3, s17  }
0x2e1: {  	v61 =	vmov s23  }
0x2e2: {  	[tilespmem:v4+s13+$0x0] =	vst.idx.msk $0xffff, v5;
	v4 =	vand.u32 $0x7F, v61  }
0x2e3: {  	v5 =	vld [tilespmem:s7+$0x40];
	v6 =	vadd.s32 v0, v4;
	_ =	sdelay $0x4  }
0x2e4: {  	[tilespmem:v6+s13+$0x0] =	vst.idx.msk $0xffff, v5  }
0x2e5: {  	v62 =	vadd.s32 v1, v4;
	v5 =	vld [tilespmem:s7+$0x50];
	_ =	sdelay $0x4  }
0x2e6: {  	[tilespmem:v62+s13+$0x0] =	vst.idx.msk $0xffff, v5  }
0x2e7: {  	v63 =	vadd.s32 v2, v4;
	v5 =	vld [tilespmem:s7+$0x60];
	_ =	sdelay $0x4  }
0x2e8: {  	[tilespmem:v63+s13+$0x0] =	vst.idx.msk $0xffff, v5  }
0x2e9: {  	v4 =	vadd.s32 v3, v4;
	v5 =	vld [tilespmem:s7+$0x70];
	_ =	sdelay $0x2  }
0x2ea: {  	s8 =	sadd.s32 s9, s11  }
0x2eb: {  	s7 =	sshrl.u32 s8, $0x3  }
0x2ec: {  	s16 =	simm.s32 $0x16A00;
	s7 =	sadd.s32 s2, s7;
	[tilespmem:v4+s13+$0x0] =	vst.idx.msk $0xffff, v5  }
0x2ed: {  	[hbm4b:s7+s3] =	stream.linear.scatter [tilespmem:s16], [sflag:$0x9], $0x80, $0x38;
	[tilespmem:$0x1AE00] =	vst v63  }
0x2ee: {  	s17 =	simm.s32 $0x16A88;
	s19 =	sadd.s32 $0x10, s7  }
0x2ef: {  	[hbm4b:s19+s3] =	stream.linear.scatter [tilespmem:s17], [sflag:$0x9], $0x80, $0x38;
	[tilespmem:$0x1AE00] =	vst v63  }
0x2f0: {  	s21 =	simm.s32 $0x16B10;
	s23 =	sadd.s32 $0x20, s7  }
0x2f1: {  	[hbm4b:s23+s3] =	stream.linear.scatter [tilespmem:s21], [sflag:$0x9], $0x80, $0x38;
	[tilespmem:$0x1AE00] =	vst v63  }
0x2f2: {  	s17 =	simm.s32 $0x16B98;
	s19 =	sadd.s32 $0x30, s7  }
0x2f3: {  	[hbm4b:s19+s3] =	stream.linear.scatter [tilespmem:s17], [sflag:$0x9], $0x80, $0x38;
	[tilespmem:$0x1AE00] =	vst v63  }
0x2f4: {  	s21 =	simm.s32 $0x16C20;
	s23 =	sadd.s32 $0x40, s7  }
0x2f5: {  	[hbm4b:s23+s3] =	stream.linear.scatter [tilespmem:s21], [sflag:$0x9], $0x80, $0x38;
	[tilespmem:$0x1AE00] =	vst v63  }
0x2f6: {  	s16 =	simm.s32 $0x440;
	s17 =	simm.s32 $0x16CA8;
	s19 =	sadd.s32 $0x50, s7  }
0x2f7: {  	[hbm4b:s19+s3] =	stream.linear.scatter [tilespmem:s17], [sflag:$0x9], $0x80, $0x38;
	[tilespmem:$0x1AE00] =	vst v63  }
0x2f8: {  	s21 =	simm.s32 $0x16D30;
	s23 =	sadd.s32 $0x60, s7;
	s19 =	simm.s32 $0x2200  }
0x2f9: {  	[hbm4b:s23+s3] =	stream.linear.scatter [tilespmem:s21], [sflag:$0x9], $0x80, $0x38;
	[tilespmem:$0x1AE00] =	vst v63  }
0x2fa: {  	s17 =	sadd.s32 $0x1000, s7;
	s21 =	simm.s32 $0x16DB8;
	s23 =	sadd.s32 $0x70, s7  }
.LBB2_29:
0x2fb: {  	[hbm4b:s23+s3] =	stream.linear.scatter [tilespmem:s21], [sflag:$0x9], $0x80, $0x38;
	[tilespmem:$0x1AE00] =	vst v63  }
0x2fc: {  	s7 =	smov.u32 s16;
	s8 =	smov.u32 s19  }
0x2fd: {  	s16 =	sshra.s32 s8, $0x2;
	s8 =	sadd.s32 $0x1100, s19;
	s21 =	sadd.s32 $0x16A00, s7  }
0x2fe: {  	[hbm4b:s17+s3] =	stream.linear.scatter [tilespmem:s21], [sflag:$0x9], $0x80, $0x38;
	[tilespmem:$0x1AE00] =	vst v63  }
0x2ff: {  	p2 =	sne.s32 s19, $0x7700;
	s19 =	sadd.s32 $0x16A88, s7;
	s21 =	sadd.s32 $0x10, s17  }
0x300: {  	[hbm4b:s21+s3] =	stream.linear.scatter [tilespmem:s19], [sflag:$0x9], $0x80, $0x38;
	[tilespmem:$0x1AE00] =	vst v63  }
0x301: {  	s19 =	sadd.s32 $0x16B10, s7;
	s21 =	sadd.s32 $0x20, s17  }
0x302: {  	[hbm4b:s21+s3] =	stream.linear.scatter [tilespmem:s19], [sflag:$0x9], $0x80, $0x38;
	[tilespmem:$0x1AE00] =	vst v63  }
0x303: {  	s19 =	sadd.s32 $0x16B98, s7;
	s21 =	sadd.s32 $0x30, s17  }
0x304: {  	[hbm4b:s21+s3] =	stream.linear.scatter [tilespmem:s19], [sflag:$0x9], $0x80, $0x38;
	[tilespmem:$0x1AE00] =	vst v63  }
0x305: {  	s19 =	sadd.s32 $0x16C20, s7;
	s21 =	sadd.s32 $0x40, s17  }
0x306: {  	[hbm4b:s21+s3] =	stream.linear.scatter [tilespmem:s19], [sflag:$0x9], $0x80, $0x38;
	[tilespmem:$0x1AE00] =	vst v63  }
.Ltmp18:
0x307: {  	s19 =	sadd.s32 $0x16CA8, s7;
	s21 =	sadd.s32 $0x50, s17;
	(pc) =	sbr.rel @p2 .LBB2_29-.Ltmp18, $4  }
0x308: {  	[hbm4b:s21+s3] =	stream.linear.scatter [tilespmem:s19], [sflag:$0x9], $0x80, $0x38;
	[tilespmem:$0x1AE00] =	vst v63  }
0x309: {  	s23 =	sadd.s32 $0x70, s17;
	s19 =	sadd.s32 $0x16D30, s7;
	s21 =	sadd.s32 $0x60, s17  }
0x30a: {  	[hbm4b:s21+s3] =	stream.linear.scatter [tilespmem:s19], [sflag:$0x9], $0x80, $0x38;
	[tilespmem:$0x1AE00] =	vst v63  }
0x30b: {  	s17 =	sadd.s32 $0x1000, s17;
	s21 =	sadd.s32 $0x16DB8, s7;
	s19 =	smov.u32 s8  }
0x30c: {  	[hbm4b:s23+s3] =	stream.linear.scatter [tilespmem:s21], [sflag:$0x9], $0x80, $0x38;
	[tilespmem:$0x1AE00] =	vst v63  }
0x30d: {  	s7 =	sadd.s32 $0x16A00, s16  }
0x30e: {  	[hbm4b:s17+s3] =	stream.linear.scatter [tilespmem:s7], [sflag:$0x9], $0x80, $0x38;
	[tilespmem:$0x1AE00] =	vst v63  }
0x30f: {  	s23 =	sadd.s32 $0x16A88, s16;
	s8 =	sadd.s32 $0x10, s17  }
0x310: {  	[hbm4b:s8+s3] =	stream.linear.scatter [tilespmem:s23], [sflag:$0x9], $0x80, $0x38;
	[tilespmem:$0x1AE00] =	vst v63  }
0x311: {  	s19 =	sadd.s32 $0x20, s17;
	s8 =	sadd.s32 $0x16B10, s16  }
0x312: {  	[hbm4b:s19+s3] =	stream.linear.scatter [tilespmem:s8], [sflag:$0x9], $0x80, $0x38;
	[tilespmem:$0x1AE00] =	vst v63  }
0x313: {  	s21 =	sadd.s32 $0x16B98, s16;
	s23 =	sadd.s32 $0x30, s17  }
0x314: {  	[hbm4b:s23+s3] =	stream.linear.scatter [tilespmem:s21], [sflag:$0x9], $0x80, $0x38;
	[tilespmem:$0x1AE00] =	vst v63  }
0x315: {  	s8 =	sadd.s32 $0x16C20, s16;
	s19 =	sadd.s32 $0x40, s17  }
0x316: {  	[hbm4b:s19+s3] =	stream.linear.scatter [tilespmem:s8], [sflag:$0x9], $0x80, $0x38;
	[tilespmem:$0x1AE00] =	vst v63  }
0x317: {  	s21 =	sadd.s32 $0x16CA8, s16;
	s23 =	sadd.s32 $0x50, s17  }
0x318: {  	[hbm4b:s23+s3] =	stream.linear.scatter [tilespmem:s21], [sflag:$0x9], $0x80, $0x38;
	[tilespmem:$0x1AE00] =	vst v63  }
.Ltmp19:
0x319: {  	_ = 	snop;
	(pc) =	sbr.rel @p1 .LBB2_32-.Ltmp19, $4  }
0x31a: {  	s8 =	sadd.s32 $0x16D30, s16;
	s19 =	sadd.s32 $0x60, s17  }
0x31b: {  	[hbm4b:s19+s3] =	stream.linear.scatter [tilespmem:s8], [sflag:$0x9], $0x80, $0x38;
	[tilespmem:$0x1AE00] =	vst v63  }
0x31c: {  	s21 =	sadd.s32 $0x16DB8, s16;
	s23 =	sadd.s32 $0x70, s17  }
0x31d: {  	[hbm4b:s23+s3] =	stream.linear.scatter [tilespmem:s21], [sflag:$0x9], $0x80, $0x38;
	[tilespmem:$0x1AE00] =	vst v63  }
.Ltmp20:
0x31e: {  	(pc) =	sbr.rel .LBB2_33-.Ltmp20, $4  }
0x31f: {  	_ = 	snop  }
0x320: {  	_ =	swait.ge [sflag:s18], $0x2000  }
0x321: {  	[sflag:s18] =	ssyncset.done $0x0  }
0x322: {  	[sflag:s18] =	ssyncadd.s32 $0xFFFFE000  }
.LBB2_32:
0x323: {  	s7 =	smul.u32 $0xA00, s14;
	_ =	sdelay $0x1  }
0x324: {  	s8 =	smul.u32 $0x280, s14;
	s7 =	sadd.s32 $0x1000, s7  }
0x325: {  	s7 =	sand.u32 $0x7F000, s7  }
0x326: {  	s8 =	sand.u32 $0x380, s8;
	s7 =	sshrl.u32 s7, $0x2  }
.Ltmp21:
0x327: {  	s23 =	simm.s32 $0xC400;
	s7 =	sor.u32 s8, s7;
	(pc) =	sbr.rel @p0 .LBB2_34-.Ltmp21, $4  }
0x328: {  	[tilespmem:s23], [sflag:$0x4] =	stream.indirect.gather [hbm4b:s5+s15], $0x40, s7, s15, $0xb8;
	[tilespmem:$0x1AE00] =	vst v63  }
0x329: {  	_ =	swait.ge [sflag:s18], $0x2000  }
0x32a: {  	[sflag:s18] =	ssyncset.done $0x0  }
0x32b: {  	[sflag:s18] =	ssyncadd.s32 $0xFFFFE000  }
.LBB2_33:
0x32c: {  	_ =	swait.ge [sflag:s20], $0x2000  }
0x32d: {  	[sflag:s20] =	ssyncset.done $0x0  }
0x32e: {  	[sflag:s20] =	ssyncadd.s32 $0xFFFFE000  }
.LBB2_34:
0x32f: {  	s7 =	simm.s32 $0x0  }
0x330: {  	v4 =	vmov s7  }
0x331: {  	s16 =	simm.s32 $0xE480;
	v4 =	vand.u32 $0x7C, v4  }
0x332: {  	v5 =	vld [tilespmem:s16+$0xFFFFFF80];
	v6 =	vadd.s32 v0, v4;
	_ =	sdelay $0x4  }
0x333: {  	[tilespmem:v6+s22+$0x0] =	vst.idx.msk $0xffff, v5  }
0x334: {  	v6 =	vadd.s32 v1, v4;
	v5 =	vld [tilespmem:s16+$0xFFFFFF90];
	_ =	sdelay $0x4  }
0x335: {  	[tilespmem:v6+s22+$0x0] =	vst.idx.msk $0xffff, v5  }
0x336: {  	v6 =	vadd.s32 v2, v4;
	v5 =	vld [tilespmem:s16+$0xFFFFFFA0];
	_ =	sdelay $0x4  }
0x337: {  	[tilespmem:v6+s22+$0x0] =	vst.idx.msk $0xffff, v5  }
0x338: {  	v4 =	vadd.s32 v3, v4;
	v5 =	vld [tilespmem:s16+$0xFFFFFFB0];
	_ =	sdelay $0x2  }
0x339: {  	s19 =	simm.s32 $0x1  }
0x33a: {  	v6 =	vmov s19  }
0x33b: {  	[tilespmem:v4+s22+$0x0] =	vst.idx.msk $0xffff, v5;
	v4 =	vand.u32 $0x7D, v6  }
0x33c: {  	v5 =	vld [tilespmem:s16+$0xFFFFFFC0];
	v6 =	vadd.s32 v0, v4;
	_ =	sdelay $0x4  }
0x33d: {  	[tilespmem:v6+s22+$0x0] =	vst.idx.msk $0xffff, v5  }
0x33e: {  	v6 =	vadd.s32 v1, v4;
	v5 =	vld [tilespmem:s16+$0xFFFFFFD0];
	_ =	sdelay $0x4  }
0x33f: {  	[tilespmem:v6+s22+$0x0] =	vst.idx.msk $0xffff, v5  }
0x340: {  	v6 =	vadd.s32 v2, v4;
	v5 =	vld [tilespmem:s16+$0xFFFFFFE0];
	_ =	sdelay $0x4  }
0x341: {  	[tilespmem:v6+s22+$0x0] =	vst.idx.msk $0xffff, v5  }
0x342: {  	v4 =	vadd.s32 v3, v4;
	v5 =	vld [tilespmem:s16+$0xFFFFFFF0];
	_ =	sdelay $0x2  }
0x343: {  	s21 =	simm.s32 $0x2  }
0x344: {  	v6 =	vmov s21  }
0x345: {  	[tilespmem:v4+s22+$0x0] =	vst.idx.msk $0xffff, v5;
	v4 =	vand.u32 $0x7E, v6  }
0x346: {  	v5 =	vld [tilespmem:s16+$0x0];
	v6 =	vadd.s32 v0, v4;
	_ =	sdelay $0x4  }
0x347: {  	[tilespmem:v6+s22+$0x0] =	vst.idx.msk $0xffff, v5  }
0x348: {  	v6 =	vadd.s32 v1, v4;
	v5 =	vld [tilespmem:s16+$0x10];
	_ =	sdelay $0x4  }
0x349: {  	[tilespmem:v6+s22+$0x0] =	vst.idx.msk $0xffff, v5  }
0x34a: {  	v6 =	vadd.s32 v2, v4;
	v5 =	vld [tilespmem:s16+$0x20];
	_ =	sdelay $0x4  }
0x34b: {  	[tilespmem:v6+s22+$0x0] =	vst.idx.msk $0xffff, v5  }
0x34c: {  	v4 =	vadd.s32 v3, v4;
	v5 =	vld [tilespmem:s16+$0x30];
	_ =	sdelay $0x2  }
0x34d: {  	s23 =	simm.s32 $0x3  }
0x34e: {  	v6 =	vmov s23  }
0x34f: {  	[tilespmem:v4+s22+$0x0] =	vst.idx.msk $0xffff, v5;
	v5 =	vand.u32 $0x7F, v6  }
0x350: {  	v4 =	vld [tilespmem:s16+$0x40];
	v6 =	vadd.s32 v0, v5;
	_ =	sdelay $0x4  }
0x351: {  	[tilespmem:v6+s22+$0x0] =	vst.idx.msk $0xffff, v4  }
0x352: {  	v6 =	vadd.s32 v1, v5;
	v4 =	vld [tilespmem:s16+$0x50];
	_ =	sdelay $0x4  }
0x353: {  	[tilespmem:v6+s22+$0x0] =	vst.idx.msk $0xffff, v4  }
0x354: {  	v6 =	vadd.s32 v2, v5;
	v4 =	vld [tilespmem:s16+$0x60];
	_ =	sdelay $0x4  }
0x355: {  	[tilespmem:v6+s22+$0x0] =	vst.idx.msk $0xffff, v4  }
0x356: {  	v5 =	vadd.s32 v3, v5;
	v4 =	vld [tilespmem:s16+$0x70];
	_ =	sdelay $0x2  }
0x357: {  	s17 =	simm.s32 $0x4  }
0x358: {  	s19 =	simm.s32 $0x8;
	v6 =	vmov s17  }
.LBB2_35:
0x359: {  	p0 =	sne.s32 s19, $0x7C;
	v6 =	vand.u32 $0x7C, v6;
	[tilespmem:v5+s22+$0x0] =	vst.idx.msk $0xffff, v4;
	s16 =	sadd.s32 $0x100, s16  }
0x35a: {  	v4 =	vld [tilespmem:s16+$0xFFFFFF80];
	v5 =	vadd.s32 v0, v6;
	_ =	sdelay $0x4  }
0x35b: {  	[tilespmem:v5+s22+$0x0] =	vst.idx.msk $0xffff, v4  }
0x35c: {  	v5 =	vadd.s32 v1, v6;
	v4 =	vld [tilespmem:s16+$0xFFFFFF90];
	_ =	sdelay $0x4  }
0x35d: {  	[tilespmem:v5+s22+$0x0] =	vst.idx.msk $0xffff, v4  }
0x35e: {  	v5 =	vadd.s32 v2, v6;
	v4 =	vld [tilespmem:s16+$0xFFFFFFA0];
	_ =	sdelay $0x4  }
0x35f: {  	[tilespmem:v5+s22+$0x0] =	vst.idx.msk $0xffff, v4  }
0x360: {  	v5 =	vadd.s32 v3, v6;
	v4 =	vld [tilespmem:s16+$0xFFFFFFB0];
	_ =	sdelay $0x2  }
0x361: {  	s7 =	sadd.s32 $0x1, s17  }
0x362: {  	v6 =	vmov s7  }
0x363: {  	[tilespmem:v5+s22+$0x0] =	vst.idx.msk $0xffff, v4;
	v4 =	vand.u32 $0x7D, v6  }
0x364: {  	v5 =	vld [tilespmem:s16+$0xFFFFFFC0];
	v6 =	vadd.s32 v0, v4;
	_ =	sdelay $0x4  }
0x365: {  	[tilespmem:v6+s22+$0x0] =	vst.idx.msk $0xffff, v5  }
0x366: {  	v6 =	vadd.s32 v1, v4;
	v5 =	vld [tilespmem:s16+$0xFFFFFFD0];
	_ =	sdelay $0x4  }
0x367: {  	[tilespmem:v6+s22+$0x0] =	vst.idx.msk $0xffff, v5  }
0x368: {  	v6 =	vadd.s32 v2, v4;
	v5 =	vld [tilespmem:s16+$0xFFFFFFE0];
	_ =	sdelay $0x4  }
0x369: {  	[tilespmem:v6+s22+$0x0] =	vst.idx.msk $0xffff, v5  }
0x36a: {  	v4 =	vadd.s32 v3, v4;
	v5 =	vld [tilespmem:s16+$0xFFFFFFF0];
	_ =	sdelay $0x2  }
0x36b: {  	s7 =	sadd.s32 $0x2, s17  }
0x36c: {  	v6 =	vmov s7  }
0x36d: {  	[tilespmem:v4+s22+$0x0] =	vst.idx.msk $0xffff, v5;
	v4 =	vand.u32 $0x7E, v6  }
0x36e: {  	v5 =	vld [tilespmem:s16+$0x0];
	v6 =	vadd.s32 v0, v4;
	_ =	sdelay $0x4  }
0x36f: {  	[tilespmem:v6+s22+$0x0] =	vst.idx.msk $0xffff, v5  }
0x370: {  	v6 =	vadd.s32 v1, v4;
	v5 =	vld [tilespmem:s16+$0x10];
	_ =	sdelay $0x4  }
0x371: {  	[tilespmem:v6+s22+$0x0] =	vst.idx.msk $0xffff, v5  }
0x372: {  	v6 =	vadd.s32 v2, v4;
	v5 =	vld [tilespmem:s16+$0x20];
	_ =	sdelay $0x4  }
0x373: {  	[tilespmem:v6+s22+$0x0] =	vst.idx.msk $0xffff, v5  }
0x374: {  	v4 =	vadd.s32 v3, v4;
	v5 =	vld [tilespmem:s16+$0x30];
	_ =	sdelay $0x2  }
0x375: {  	s7 =	sadd.s32 $0x3, s17;
	s17 =	smov.u32 s19  }
0x376: {  	v6 =	vmov s7  }
0x377: {  	[tilespmem:v4+s22+$0x0] =	vst.idx.msk $0xffff, v5;
	v5 =	vand.u32 $0x7F, v6  }
0x378: {  	v4 =	vld [tilespmem:s16+$0x40];
	v6 =	vadd.s32 v0, v5;
	_ =	sdelay $0x4  }
0x379: {  	[tilespmem:v6+s22+$0x0] =	vst.idx.msk $0xffff, v4  }
0x37a: {  	v6 =	vadd.s32 v1, v5;
	v4 =	vld [tilespmem:s16+$0x50];
	_ =	sdelay $0x4  }
0x37b: {  	[tilespmem:v6+s22+$0x0] =	vst.idx.msk $0xffff, v4  }
0x37c: {  	v6 =	vadd.s32 v2, v5;
	v4 =	vld [tilespmem:s16+$0x60];
	_ =	sdelay $0x4  }
0x37d: {  	[tilespmem:v6+s22+$0x0] =	vst.idx.msk $0xffff, v4  }
.Ltmp22:
0x37e: {  	v5 =	vadd.s32 v3, v5;
	v4 =	vld [tilespmem:s16+$0x70];
	(pc) =	sbr.rel @p0 .LBB2_35-.Ltmp22, $2  }
0x37f: {  	_ =	sdelay $0x2  }
0x380: {  	s19 =	sadd.s32 $0x4, s19;
	v6 =	vmov s17  }
0x381: {  	_ =	sdelay $0x3  }
0x382: {  	v6 =	vand.u32 $0x7C, v6;
	[tilespmem:v5+s22+$0x0] =	vst.idx.msk $0xffff, v4;
	s7 =	sadd.s32 $0x100, s16  }
0x383: {  	v4 =	vld [tilespmem:s7+$0xFFFFFF80];
	v5 =	vadd.s32 v0, v6;
	_ =	sdelay $0x4  }
0x384: {  	[tilespmem:v5+s22+$0x0] =	vst.idx.msk $0xffff, v4  }
0x385: {  	v5 =	vadd.s32 v1, v6;
	v4 =	vld [tilespmem:s7+$0xFFFFFF90];
	_ =	sdelay $0x4  }
0x386: {  	[tilespmem:v5+s22+$0x0] =	vst.idx.msk $0xffff, v4  }
0x387: {  	v5 =	vadd.s32 v2, v6;
	v4 =	vld [tilespmem:s7+$0xFFFFFFA0];
	_ =	sdelay $0x4  }
0x388: {  	[tilespmem:v5+s22+$0x0] =	vst.idx.msk $0xffff, v4  }
0x389: {  	v5 =	vadd.s32 v3, v6;
	v4 =	vld [tilespmem:s7+$0xFFFFFFB0];
	_ =	sdelay $0x2  }
0x38a: {  	s8 =	sadd.s32 $0x1, s17  }
0x38b: {  	v55 =	vmov s8  }
0x38c: {  	[tilespmem:v5+s22+$0x0] =	vst.idx.msk $0xffff, v4;
	v4 =	vand.u32 $0x7D, v55  }
0x38d: {  	v5 =	vld [tilespmem:s7+$0xFFFFFFC0];
	v6 =	vadd.s32 v0, v4;
	_ =	sdelay $0x4  }
0x38e: {  	[tilespmem:v6+s22+$0x0] =	vst.idx.msk $0xffff, v5  }
0x38f: {  	v56 =	vadd.s32 v1, v4;
	v5 =	vld [tilespmem:s7+$0xFFFFFFD0];
	_ =	sdelay $0x4  }
0x390: {  	[tilespmem:v56+s22+$0x0] =	vst.idx.msk $0xffff, v5  }
0x391: {  	v57 =	vadd.s32 v2, v4;
	v5 =	vld [tilespmem:s7+$0xFFFFFFE0];
	_ =	sdelay $0x4  }
0x392: {  	[tilespmem:v57+s22+$0x0] =	vst.idx.msk $0xffff, v5  }
0x393: {  	v4 =	vadd.s32 v3, v4;
	v5 =	vld [tilespmem:s7+$0xFFFFFFF0];
	_ =	sdelay $0x2  }
0x394: {  	s16 =	sadd.s32 $0x2, s17  }
0x395: {  	v58 =	vmov s16  }
0x396: {  	[tilespmem:v4+s22+$0x0] =	vst.idx.msk $0xffff, v5;
	v4 =	vand.u32 $0x7E, v58  }
0x397: {  	v5 =	vld [tilespmem:s7+$0x0];
	v6 =	vadd.s32 v0, v4;
	_ =	sdelay $0x4  }
0x398: {  	[tilespmem:v6+s22+$0x0] =	vst.idx.msk $0xffff, v5  }
0x399: {  	v59 =	vadd.s32 v1, v4;
	v5 =	vld [tilespmem:s7+$0x10];
	_ =	sdelay $0x4  }
0x39a: {  	[tilespmem:v59+s22+$0x0] =	vst.idx.msk $0xffff, v5  }
0x39b: {  	v60 =	vadd.s32 v2, v4;
	v5 =	vld [tilespmem:s7+$0x20];
	_ =	sdelay $0x4  }
0x39c: {  	[tilespmem:v60+s22+$0x0] =	vst.idx.msk $0xffff, v5  }
0x39d: {  	v4 =	vadd.s32 v3, v4;
	v5 =	vld [tilespmem:s7+$0x30];
	_ =	sdelay $0x2  }
0x39e: {  	s19 =	sadd.s32 $0x3, s17  }
0x39f: {  	v61 =	vmov s19  }
0x3a0: {  	[tilespmem:v4+s22+$0x0] =	vst.idx.msk $0xffff, v5;
	v4 =	vand.u32 $0x7F, v61  }
0x3a1: {  	v5 =	vld [tilespmem:s7+$0x40];
	v6 =	vadd.s32 v0, v4;
	_ =	sdelay $0x4  }
0x3a2: {  	[tilespmem:v6+s22+$0x0] =	vst.idx.msk $0xffff, v5  }
0x3a3: {  	v62 =	vadd.s32 v1, v4;
	v5 =	vld [tilespmem:s7+$0x50];
	_ =	sdelay $0x4  }
0x3a4: {  	[tilespmem:v62+s22+$0x0] =	vst.idx.msk $0xffff, v5  }
0x3a5: {  	v63 =	vadd.s32 v2, v4;
	v5 =	vld [tilespmem:s7+$0x60];
	_ =	sdelay $0x4  }
0x3a6: {  	[tilespmem:v63+s22+$0x0] =	vst.idx.msk $0xffff, v5  }
0x3a7: {  	v4 =	vadd.s32 v3, v4;
	v5 =	vld [tilespmem:s7+$0x70];
	_ =	sdelay $0x2  }
0x3a8: {  	s21 =	sadd.s32 s10, s11  }
0x3a9: {  	s7 =	sshrl.u32 s21, $0x3  }
0x3aa: {  	s23 =	simm.s32 $0x18C00;
	s7 =	sadd.s32 s2, s7;
	[tilespmem:v4+s22+$0x0] =	vst.idx.msk $0xffff, v5  }
0x3ab: {  	[hbm4b:s7+s3] =	stream.linear.scatter [tilespmem:s23], [sflag:$0xA], $0x80, $0x38;
	[tilespmem:$0x1AE00] =	vst v63  }
0x3ac: {  	s11 =	simm.s32 $0x18C88;
	s16 =	sadd.s32 $0x10, s7  }
0x3ad: {  	[hbm4b:s16+s3] =	stream.linear.scatter [tilespmem:s11], [sflag:$0xA], $0x80, $0x38;
	[tilespmem:$0x1AE00] =	vst v63  }
0x3ae: {  	s17 =	simm.s32 $0x18D10;
	s19 =	sadd.s32 $0x20, s7  }
0x3af: {  	[hbm4b:s19+s3] =	stream.linear.scatter [tilespmem:s17], [sflag:$0xA], $0x80, $0x38;
	[tilespmem:$0x1AE00] =	vst v63  }
0x3b0: {  	s21 =	simm.s32 $0x18D98;
	s23 =	sadd.s32 $0x30, s7  }
0x3b1: {  	[hbm4b:s23+s3] =	stream.linear.scatter [tilespmem:s21], [sflag:$0xA], $0x80, $0x38;
	[tilespmem:$0x1AE00] =	vst v63  }
0x3b2: {  	s11 =	simm.s32 $0x18E20;
	s16 =	sadd.s32 $0x40, s7  }
0x3b3: {  	[hbm4b:s16+s3] =	stream.linear.scatter [tilespmem:s11], [sflag:$0xA], $0x80, $0x38;
	[tilespmem:$0x1AE00] =	vst v63  }
0x3b4: {  	s17 =	simm.s32 $0x18EA8;
	s19 =	sadd.s32 $0x50, s7;
	s21 =	simm.s32 $0x18F30  }
0x3b5: {  	[hbm4b:s19+s3] =	stream.linear.scatter [tilespmem:s17], [sflag:$0xA], $0x80, $0x38;
	[tilespmem:$0x1AE00] =	vst v63  }
0x3b6: {  	s23 =	sadd.s32 $0x60, s7;
	s11 =	simm.s32 $0x440;
	s16 =	sadd.s32 $0x1000, s7  }
0x3b7: {  	[hbm4b:s23+s3] =	stream.linear.scatter [tilespmem:s21], [sflag:$0xA], $0x80, $0x38;
	[tilespmem:$0x1AE00] =	vst v63  }
0x3b8: {  	s17 =	simm.s32 $0x2200;
	s19 =	simm.s32 $0x18FB8;
	s21 =	sadd.s32 $0x70, s7  }
.LBB2_37:
0x3b9: {  	[hbm4b:s21+s3] =	stream.linear.scatter [tilespmem:s19], [sflag:$0xA], $0x80, $0x38;
	[tilespmem:$0x1AE00] =	vst v63  }
0x3ba: {  	s7 =	smov.u32 s11;
	s8 =	smov.u32 s17  }
0x3bb: {  	s11 =	sshra.s32 s8, $0x2;
	s8 =	sadd.s32 $0x1100, s17;
	s19 =	sadd.s32 $0x18C00, s7  }
0x3bc: {  	[hbm4b:s16+s3] =	stream.linear.scatter [tilespmem:s19], [sflag:$0xA], $0x80, $0x38;
	[tilespmem:$0x1AE00] =	vst v63  }
0x3bd: {  	p0 =	sne.s32 s17, $0x7700;
	s17 =	sadd.s32 $0x18C88, s7;
	s19 =	sadd.s32 $0x10, s16  }
0x3be: {  	[hbm4b:s19+s3] =	stream.linear.scatter [tilespmem:s17], [sflag:$0xA], $0x80, $0x38;
	[tilespmem:$0x1AE00] =	vst v63  }
0x3bf: {  	s17 =	sadd.s32 $0x18D10, s7;
	s19 =	sadd.s32 $0x20, s16  }
0x3c0: {  	[hbm4b:s19+s3] =	stream.linear.scatter [tilespmem:s17], [sflag:$0xA], $0x80, $0x38;
	[tilespmem:$0x1AE00] =	vst v63  }
0x3c1: {  	s17 =	sadd.s32 $0x18D98, s7;
	s19 =	sadd.s32 $0x30, s16  }
0x3c2: {  	[hbm4b:s19+s3] =	stream.linear.scatter [tilespmem:s17], [sflag:$0xA], $0x80, $0x38;
	[tilespmem:$0x1AE00] =	vst v63  }
0x3c3: {  	s17 =	sadd.s32 $0x18E20, s7;
	s19 =	sadd.s32 $0x40, s16  }
0x3c4: {  	[hbm4b:s19+s3] =	stream.linear.scatter [tilespmem:s17], [sflag:$0xA], $0x80, $0x38;
	[tilespmem:$0x1AE00] =	vst v63  }
.Ltmp23:
0x3c5: {  	s17 =	sadd.s32 $0x18EA8, s7;
	s19 =	sadd.s32 $0x50, s16;
	(pc) =	sbr.rel @p0 .LBB2_37-.Ltmp23, $4  }
0x3c6: {  	[hbm4b:s19+s3] =	stream.linear.scatter [tilespmem:s17], [sflag:$0xA], $0x80, $0x38;
	[tilespmem:$0x1AE00] =	vst v63  }
0x3c7: {  	s21 =	sadd.s32 $0x70, s16;
	s17 =	sadd.s32 $0x18F30, s7;
	s19 =	sadd.s32 $0x60, s16  }
0x3c8: {  	[hbm4b:s19+s3] =	stream.linear.scatter [tilespmem:s17], [sflag:$0xA], $0x80, $0x38;
	[tilespmem:$0x1AE00] =	vst v63  }
0x3c9: {  	s16 =	sadd.s32 $0x1000, s16;
	s19 =	sadd.s32 $0x18FB8, s7;
	s17 =	smov.u32 s8  }
0x3ca: {  	[hbm4b:s21+s3] =	stream.linear.scatter [tilespmem:s19], [sflag:$0xA], $0x80, $0x38;
	[tilespmem:$0x1AE00] =	vst v63  }
0x3cb: {  	s7 =	sadd.s32 $0x18C00, s11  }
0x3cc: {  	[hbm4b:s16+s3] =	stream.linear.scatter [tilespmem:s7], [sflag:$0xA], $0x80, $0x38;
	[tilespmem:$0x1AE00] =	vst v63  }
0x3cd: {  	s23 =	sadd.s32 $0x18C88, s11;
	s8 =	sadd.s32 $0x10, s16  }
0x3ce: {  	[hbm4b:s8+s3] =	stream.linear.scatter [tilespmem:s23], [sflag:$0xA], $0x80, $0x38;
	[tilespmem:$0x1AE00] =	vst v63  }
0x3cf: {  	s17 =	sadd.s32 $0x18D10, s11;
	s19 =	sadd.s32 $0x20, s16  }
0x3d0: {  	[hbm4b:s19+s3] =	stream.linear.scatter [tilespmem:s17], [sflag:$0xA], $0x80, $0x38;
	[tilespmem:$0x1AE00] =	vst v63  }
0x3d1: {  	s21 =	sadd.s32 $0x18D98, s11;
	s23 =	sadd.s32 $0x30, s16  }
0x3d2: {  	[hbm4b:s23+s3] =	stream.linear.scatter [tilespmem:s21], [sflag:$0xA], $0x80, $0x38;
	[tilespmem:$0x1AE00] =	vst v63  }
0x3d3: {  	s17 =	sadd.s32 $0x18E20, s11;
	s19 =	sadd.s32 $0x40, s16  }
0x3d4: {  	[hbm4b:s19+s3] =	stream.linear.scatter [tilespmem:s17], [sflag:$0xA], $0x80, $0x38;
	[tilespmem:$0x1AE00] =	vst v63  }
0x3d5: {  	p0 =	seq.s32 s14, $0x27;
	s21 =	sadd.s32 $0x18EA8, s11;
	s23 =	sadd.s32 $0x50, s16  }
0x3d6: {  	[hbm4b:s23+s3] =	stream.linear.scatter [tilespmem:s21], [sflag:$0xA], $0x80, $0x38;
	[tilespmem:$0x1AE00] =	vst v63  }
.Ltmp24:
0x3d7: {  	_ = 	snop;
	(pc) =	sbr.rel @p0 .LBB2_40-.Ltmp24, $4  }
0x3d8: {  	s17 =	sadd.s32 $0x18F30, s11;
	s19 =	sadd.s32 $0x60, s16  }
0x3d9: {  	[hbm4b:s19+s3] =	stream.linear.scatter [tilespmem:s17], [sflag:$0xA], $0x80, $0x38;
	[tilespmem:$0x1AE00] =	vst v63  }
0x3da: {  	s21 =	sadd.s32 $0x18FB8, s11;
	s23 =	sadd.s32 $0x70, s16  }
0x3db: {  	[hbm4b:s23+s3] =	stream.linear.scatter [tilespmem:s21], [sflag:$0xA], $0x80, $0x38;
	[tilespmem:$0x1AE00] =	vst v63  }
.Ltmp25:
0x3dc: {  	(pc) =	sbr.rel .LBB2_2-.Ltmp25, $4  }
0x3dd: {  	s6 =	sshll.u32 s6, $0x7  }
0x3de: {  	s6 =	sadd.s32 $0x480, s6  }
0x3df: {  	s7 =	simm.s32 $0xE400;
	s14 =	sadd.s32 $0x1, s14;
	s6 =	sand.u32 $0x1FF80, s6  }
0x3e0: {  	[tilespmem:s7], [sflag:$0x5] =	stream.indirect.gather [hbm4b:s5+s15], $0x40, s6, s15, $0xb8;
	[tilespmem:$0x1AE00] =	vst v63  }
.LBB2_41:
0x3e1: {  	_ =	sfence.sel $0x180000  }
0x3e2: {  	[bflag:$0x0] =	sbarrier.arrive $0xFFFF  }
0x3e3: {  	_ =	strace $0x90000047  }
0x3e4: {  	s0 =	stileid.u32;
	[bflag:$0x2] =	sbarrier.arrive $0xFFFF  }
0x3e5: {  	p0 =	sne.s32 s0, $0x0;
	s0 =	rddreg [dreg:$0x3]  }
0x3e6: {  	s0 =	sadd.s32 @!p0 $0x100000, s0  }
0x3e7: {  	[sflag:s0] =	ssyncadd.tile.s32 @!p0 $0x1;
	_ =	shalt  }
.Lfunc_end2:
_tile_overlayer_lowered:
.L_overlay_start_2:
0x3e8: {  	(tag) =	ssettag $0x2  }
0x3e9: {  	s0 =	rddreg [dreg:$0x0];
	s2 =	stileid.u32  }
0x3ea: {  	s1 =	rddreg [dreg:$0x1];
	p0 =	sne.s32 s2, $0x0  }
0x3eb: {  	s3 =	rddreg [dreg:$0x2];
	[bflag:$0x3] =	sbarrier.arrive $0xFFFF;
	s2 =	simm.s32 @!p0 $0x1C0B  }
0x3ec: {  	[timem:s3], [sflag:s2] =	dma.local @!p0 [hbm:s0], s1  }
0x3ed: {  	s0 =	simm.s32 @!p0 $0xB  }
0x3ee: {  	_ =	swait.ge @!p0 [sflag:s0], s1  }
0x3ef: {  	s1 =	ssub.s32 @!p0 $0x0, s1;
	[sflag:s0] =	ssyncset.done @!p0 $0x0  }
0x3f0: {  	[sflag:s0] =	ssyncadd.s32 @!p0 s1  }
0x3f1: {  	[bflag:$0x3] =	sbarrier.arrive $0xFFFF  }
0x3f2: {  	_ =	shalt  }

</sc_bundles>
